<compile_context>
chip_gen: v7x
topology: tpu7x:2x2x1
jax: 0.10.2.dev20260603
libtpu: 0.0.44.dev20260713+nightly
codegen_flags: <defaults>
</compile_context>

<pallas_src>
import jax
import jax.numpy as jnp
from jax import lax
from jax.experimental import pallas as pl
from jax.experimental.pallas import tpu as pltpu
from jax.experimental.pallas import tpu_sc as plsc

HIDDEN = 2048
B_TOTAL = 16384

_info = plsc.get_sparse_core_info()
_NC = _info.num_cores
_NS = _info.num_subcores
NW = _NC * _NS
BPW = B_TOTAL // NW

CHUNK = 24
NBUF = 2
DEPTH = NBUF - 1

_CHUNKS = []
_off = 0
while _off < BPW:
    _sz = min(CHUNK, BPW - _off)
    _CHUNKS.append((_off, _sz))
    _off += _sz
N_CHUNKS = len(_CHUNKS)


def _body(idx_hbm, w_hbm, out_hbm, *scratch):
    bufs = scratch[1:1 + NBUF]
    semg = scratch[1 + NBUF:1 + 2 * NBUF]
    semw = scratch[1 + 2 * NBUF:1 + 3 * NBUF]
    idx_v = scratch[0]
    wid = lax.axis_index("s") * _NC + lax.axis_index("c")
    base = wid * BPW
    pltpu.sync_copy(idx_hbm.at[pl.ds(base, BPW)], idx_v)

    def start_gather(ch):
        b = ch % NBUF
        off, sz = _CHUNKS[ch]
        return pltpu.async_copy(
            w_hbm.at[idx_v.at[pl.ds(off, sz)]],
            bufs[b].at[pl.ds(0, sz)], semg[b])

    def start_write(ch):
        b = ch % NBUF
        off, sz = _CHUNKS[ch]
        return pltpu.async_copy(
            bufs[b].at[pl.ds(0, sz)],
            out_hbm.at[pl.ds(base + off, sz)], semw[b])

    gathers, writes = {}, {}
    for ch in range(min(DEPTH, N_CHUNKS)):
        gathers[ch] = start_gather(ch)
    for ch in range(N_CHUNKS):
        nxt = ch + DEPTH
        if nxt < N_CHUNKS:
            prev_w = nxt - NBUF
            if prev_w >= 0:
                writes.pop(prev_w).wait()
            gathers[nxt] = start_gather(nxt)
        gathers.pop(ch).wait()
        writes[ch] = start_write(ch)
    for ch in sorted(writes):
        writes.pop(ch).wait()


def kernel(input_, weight):
    idx = input_.reshape(-1).astype(jnp.int32)
    run = pl.kernel(
        _body,
        out_type=jax.ShapeDtypeStruct((B_TOTAL, HIDDEN), jnp.float32),
        mesh=plsc.VectorSubcoreMesh(core_axis_name="c", subcore_axis_name="s"),
        scratch_types=(
            [pltpu.VMEM((BPW,), jnp.int32)]
            + [pltpu.VMEM((CHUNK, HIDDEN), jnp.float32)] * NBUF
            + [pltpu.SemaphoreType.DMA] * (2 * NBUF)
        ),
    )
    out = run(idx, weight)
    return out.reshape(input_.shape + (HIDDEN,))

# --- scband reference (transcript-rebuilt; emitter-appended) ---
"""Pipeline reference for scband-vocab-embedding-25812753449351 (READ-ONLY COPY).

The authoritative reference and input builder live on the scoring server;
editing this copy changes nothing except your own understanding.
"""

import jax, jax.numpy as jnp
import numpy as np

VOCAB_SIZE = 50304
HIDDEN_SIZE = 2048

def setup_inputs(seed: int = 0) -> dict:
    key = jax.random.key(seed)
    k1, k2 = jax.random.split(key)
    input_ = jax.random.randint(k1, (4, 4096), 0, VOCAB_SIZE, dtype=jnp.int64 if jax.config.jax_enable_x64 else jnp.int32)
    weight = jax.random.normal(k2, (VOCAB_SIZE, HIDDEN_SIZE), dtype=jnp.float32) * 0.02
    return {"input_": input_, "weight": weight}

def reference(input_, weight):
    # F.embedding(input_, weight) -> gather rows of weight
    output = jnp.take(weight, input_, axis=0)
    return output

if __name__ == "__main__":
    import jax
    _d = setup_inputs()
    print(jax.jit(kernel)(*tuple(_d.values())))

</pallas_src>

<mosaic_0001>
#map = affine_map<(d0, d1) -> (0)>
#map1 = affine_map<(d0, d1) -> (0, 0)>
module attributes {stable_mosaic.version = 14 : i64} {
  func.func @_body(%arg0: i32, %arg1: i32, %arg2: memref<16384xi32, #tpu.memory_space<hbm>>, %arg3: memref<50304x2048xf32, #tpu.memory_space<hbm>>, %arg4: memref<16384x2048xf32, #tpu.memory_space<hbm>>, %arg5: memref<512xi32, #tpu.memory_space<vmem>>, %arg6: memref<24x2048xf32, #tpu.memory_space<vmem>>, %arg7: memref<24x2048xf32, #tpu.memory_space<vmem>>, %arg8: memref<!tpu.dma_semaphore, #tpu.memory_space<semaphore_mem>>, %arg9: memref<!tpu.dma_semaphore, #tpu.memory_space<semaphore_mem>>, %arg10: memref<!tpu.dma_semaphore, #tpu.memory_space<semaphore_mem>>, %arg11: memref<!tpu.dma_semaphore, #tpu.memory_space<semaphore_mem>>) attributes {dimension_semantics = [#tpu.dimension_semantics<core_parallel>, #tpu.dimension_semantics<subcore_parallel>], iteration_bounds = array<i64: 2, 16>, scalar_prefetch = 0 : i64, scratch_operands = 7 : i64, tpu.core_type = #tpu.core_type<sc_vector_subcore>, window_params = [{transform_indices = #map}, {transform_indices = #map1}, {transform_indices = #map1}]} {
    %mul3A = arith.constant 2 : i32
    %mul3A_0 = arith.muli %arg1, %mul3A : i32
    %add3A = arith.addi %mul3A_0, %arg0 : i32
    %mul3A_1 = arith.constant 512 : i32
    %mul3A_2 = arith.muli %add3A, %mul3A_1 : i32
    "tpu.region"() ({
      %run_scoped3A = tpu.sem_alloc : memref<!tpu.dma_semaphore, #tpu.memory_space<semaphore_mem>>
      %dma_start3A_837 = tpu.memref_slice %arg2[%mul3A_2] : memref<16384xi32, #tpu.memory_space<hbm>> -> memref<512xi32, #tpu.memory_space<hbm>>
      %dma_start3A_838 = tpu.memref_slice %arg2[%mul3A_2] : memref<16384xi32, #tpu.memory_space<hbm>> -> memref<512xi32, #tpu.memory_space<hbm>>
      tpu.enqueue_dma source(%dma_start3A_838 : memref<512xi32, #tpu.memory_space<hbm>>) target(%arg5 : memref<512xi32, #tpu.memory_space<vmem>>) target_semaphore(%run_scoped3A : memref<!tpu.dma_semaphore, #tpu.memory_space<semaphore_mem>>)
      %dma_wait3A_839 = tpu.memref_slice %arg2[%mul3A_2] : memref<16384xi32, #tpu.memory_space<hbm>> -> memref<512xi32, #tpu.memory_space<hbm>>
      %dma_wait3A_840 = tpu.memref_slice %arg2[%mul3A_2] : memref<16384xi32, #tpu.memory_space<hbm>> -> memref<512xi32, #tpu.memory_space<hbm>>
      tpu.wait_dma2 semaphore(%run_scoped3A : memref<!tpu.dma_semaphore, #tpu.memory_space<semaphore_mem>>) src(%dma_wait3A_840 : memref<512xi32, #tpu.memory_space<hbm>>) dst(%arg5 : memref<512xi32, #tpu.memory_space<vmem>>)
      tpu.yield
    }) : () -> ()
    %dma_start3A = arith.constant 0 : i32
    %dma_start3A_3 = arith.constant 0 : i32
    %dma_start3A_4 = tpu.memref_slice %arg6[%dma_start3A, %dma_start3A_3] : memref<24x2048xf32, #tpu.memory_space<vmem>> -> memref<24x2048xf32, #tpu.memory_space<vmem>>
    %dma_start3A_5 = arith.constant 0 : i32
    %dma_start3A_6 = tpu.memref_slice %arg5[%dma_start3A_5] : memref<512xi32, #tpu.memory_space<vmem>> -> memref<24xi32, #tpu.memory_space<vmem>>
    %dma_start3A_7 = arith.constant 0 : i32
    %dma_start3A_8 = arith.constant 0 : i32
    %dma_start3A_9 = tpu.memref_slice %arg3[%dma_start3A_7, %dma_start3A_8] : memref<50304x2048xf32, #tpu.memory_space<hbm>> -> memref<50304x2048xf32, #tpu.memory_space<hbm>>
    tpu.enqueue_indirect_dma source(%dma_start3A_9 : memref<50304x2048xf32, #tpu.memory_space<hbm>>) target(%dma_start3A_4 : memref<24x2048xf32, #tpu.memory_space<vmem>>) offsets(%dma_start3A_6 : memref<24xi32, #tpu.memory_space<vmem>>) semaphore(%arg8 : memref<!tpu.dma_semaphore, #tpu.memory_space<semaphore_mem>>)
    %dma_start3A_10 = arith.constant 0 : i32
    %dma_start3A_11 = arith.constant 0 : i32
    %dma_start3A_12 = tpu.memref_slice %arg7[%dma_start3A_10, %dma_start3A_11] : memref<24x2048xf32, #tpu.memory_space<vmem>> -> memref<24x2048xf32, #tpu.memory_space<vmem>>
    %dma_start3A_13 = arith.constant 24 : i32
    %dma_start3A_14 = tpu.memref_slice %arg5[%dma_start3A_13] : memref<512xi32, #tpu.memory_space<vmem>> -> memref<24xi32, #tpu.memory_space<vmem>>
    %dma_start3A_15 = arith.constant 0 : i32
    %dma_start3A_16 = arith.constant 0 : i32
    %dma_start3A_17 = tpu.memref_slice %arg3[%dma_start3A_15, %dma_start3A_16] : memref<50304x2048xf32, #tpu.memory_space<hbm>> -> memref<50304x2048xf32, #tpu.memory_space<hbm>>
    tpu.enqueue_indirect_dma source(%dma_start3A_17 : memref<50304x2048xf32, #tpu.memory_space<hbm>>) target(%dma_start3A_12 : memref<24x2048xf32, #tpu.memory_space<vmem>>) offsets(%dma_start3A_14 : memref<24xi32, #tpu.memory_space<vmem>>) semaphore(%arg9 : memref<!tpu.dma_semaphore, #tpu.memory_space<semaphore_mem>>)
    %dma_wait3A = arith.constant 0 : i32
    %dma_wait3A_18 = arith.constant 0 : i32
    %dma_wait3A_19 = tpu.memref_slice %arg6[%dma_wait3A, %dma_wait3A_18] : memref<24x2048xf32, #tpu.memory_space<vmem>> -> memref<24x2048xf32, #tpu.memory_space<vmem>>
    %dma_wait3A_20 = arith.constant 0 : i32
    %dma_wait3A_21 = tpu.memref_slice %arg5[%dma_wait3A_20] : memref<512xi32, #tpu.memory_space<vmem>> -> memref<24xi32, #tpu.memory_space<vmem>>
    %dma_wait3A_22 = arith.constant 0 : i32
    %dma_wait3A_23 = arith.constant 0 : i32
    %dma_wait3A_24 = tpu.memref_slice %arg3[%dma_wait3A_22, %dma_wait3A_23] : memref<50304x2048xf32, #tpu.memory_space<hbm>> -> memref<50304x2048xf32, #tpu.memory_space<hbm>>
    tpu.wait_indirect_dma semaphore(%arg8 : memref<!tpu.dma_semaphore, #tpu.memory_space<semaphore_mem>>) src(%dma_wait3A_24 : memref<50304x2048xf32, #tpu.memory_space<hbm>>) dst(%dma_wait3A_19 : memref<24x2048xf32, #tpu.memory_space<vmem>>)
    %add3A_25 = arith.constant 0 : i32
    %add3A_26 = arith.addi %mul3A_2, %add3A_25 : i32
    %dma_start3A_27 = arith.constant 0 : i32
    %dma_start3A_28 = arith.constant 0 : i32
    %dma_start3A_29 = tpu.memref_slice %arg6[%dma_start3A_27, %dma_start3A_28] : memref<24x2048xf32, #tpu.memory_space<vmem>> -> memref<24x2048xf32, #tpu.memory_space<vmem>>
    %dma_start3A_30 = arith.constant 0 : i32
    %dma_start3A_31 = tpu.memref_slice %arg4[%add3A_26, %dma_start3A_30] : memref<16384x2048xf32, #tpu.memory_space<hbm>> -> memref<24x2048xf32, #tpu.memory_space<hbm>>
    %dma_start3A_32 = arith.constant 0 : i32
    %dma_start3A_33 = tpu.memref_slice %arg4[%add3A_26, %dma_start3A_32] : memref<16384x2048xf32, #tpu.memory_space<hbm>> -> memref<24x2048xf32, #tpu.memory_space<hbm>>
    %dma_start3A_34 = arith.constant 0 : i32
    %dma_start3A_35 = arith.constant 0 : i32
    %dma_start3A_36 = tpu.memref_slice %arg6[%dma_start3A_34, %dma_start3A_35] : memref<24x2048xf32, #tpu.memory_space<vmem>> -> memref<24x2048xf32, #tpu.memory_space<vmem>>
    tpu.enqueue_dma source(%dma_start3A_36 : memref<24x2048xf32, #tpu.memory_space<vmem>>) target(%dma_start3A_33 : memref<24x2048xf32, #tpu.memory_space<hbm>>) target_semaphore(%arg10 : memref<!tpu.dma_semaphore, #tpu.memory_space<semaphore_mem>>)
    %dma_wait3A_37 = arith.constant 0 : i32
    %dma_wait3A_38 = arith.constant 0 : i32
    %dma_wait3A_39 = tpu.memref_slice %arg6[%dma_wait3A_37, %dma_wait3A_38] : memref<24x2048xf32, #tpu.memory_space<vmem>> -> memref<24x2048xf32, #tpu.memory_space<vmem>>
    %dma_wait3A_40 = arith.constant 0 : i32
    %dma_wait3A_41 = tpu.memref_slice %arg4[%add3A_26, %dma_wait3A_40] : memref<16384x2048xf32, #tpu.memory_space<hbm>> -> memref<24x2048xf32, #tpu.memory_space<hbm>>
    %dma_wait3A_42 = arith.constant 0 : i32
    %dma_wait3A_43 = tpu.memref_slice %arg4[%add3A_26, %dma_wait3A_42] : memref<16384x2048xf32, #tpu.memory_space<hbm>> -> memref<24x2048xf32, #tpu.memory_space<hbm>>
    %dma_wait3A_44 = arith.constant 0 : i32
    %dma_wait3A_45 = arith.constant 0 : i32
    %dma_wait3A_46 = tpu.memref_slice %arg6[%dma_wait3A_44, %dma_wait3A_45] : memref<24x2048xf32, #tpu.memory_space<vmem>> -> memref<24x2048xf32, #tpu.memory_space<vmem>>
    tpu.wait_dma2 semaphore(%arg10 : memref<!tpu.dma_semaphore, #tpu.memory_space<semaphore_mem>>) src(%dma_wait3A_46 : memref<24x2048xf32, #tpu.memory_space<vmem>>) dst(%dma_wait3A_43 : memref<24x2048xf32, #tpu.memory_space<hbm>>)
    %dma_start3A_47 = arith.constant 0 : i32
    %dma_start3A_48 = arith.constant 0 : i32
    %dma_start3A_49 = tpu.memref_slice %arg6[%dma_start3A_47, %dma_start3A_48] : memref<24x2048xf32, #tpu.memory_space<vmem>> -> memref<24x2048xf32, #tpu.memory_space<vmem>>
    %dma_start3A_50 = arith.constant 48 : i32
    %dma_start3A_51 = tpu.memref_slice %arg5[%dma_start3A_50] : memref<512xi32, #tpu.memory_space<vmem>> -> memref<24xi32, #tpu.memory_space<vmem>>
    %dma_start3A_52 = arith.constant 0 : i32
    %dma_start3A_53 = arith.constant 0 : i32
    %dma_start3A_54 = tpu.memref_slice %arg3[%dma_start3A_52, %dma_start3A_53] : memref<50304x2048xf32, #tpu.memory_space<hbm>> -> memref<50304x2048xf32, #tpu.memory_space<hbm>>
    tpu.enqueue_indirect_dma source(%dma_start3A_54 : memref<50304x2048xf32, #tpu.memory_space<hbm>>) target(%dma_start3A_49 : memref<24x2048xf32, #tpu.memory_space<vmem>>) offsets(%dma_start3A_51 : memref<24xi32, #tpu.memory_space<vmem>>) semaphore(%arg8 : memref<!tpu.dma_semaphore, #tpu.memory_space<semaphore_mem>>)
    %dma_wait3A_55 = arith.constant 0 : i32
    %dma_wait3A_56 = arith.constant 0 : i32
    %dma_wait3A_57 = tpu.memref_slice %arg7[%dma_wait3A_55, %dma_wait3A_56] : memref<24x2048xf32, #tpu.memory_space<vmem>> -> memref<24x2048xf32, #tpu.memory_space<vmem>>
    %dma_wait3A_58 = arith.constant 24 : i32
    %dma_wait3A_59 = tpu.memref_slice %arg5[%dma_wait3A_58] : memref<512xi32, #tpu.memory_space<vmem>> -> memref<24xi32, #tpu.memory_space<vmem>>
    %dma_wait3A_60 = arith.constant 0 : i32
    %dma_wait3A_61 = arith.constant 0 : i32
    %dma_wait3A_62 = tpu.memref_slice %arg3[%dma_wait3A_60, %dma_wait3A_61] : memref<50304x2048xf32, #tpu.memory_space<hbm>> -> memref<50304x2048xf32, #tpu.memory_space<hbm>>
    tpu.wait_indirect_dma semaphore(%arg9 : memref<!tpu.dma_semaphore, #tpu.memory_space<semaphore_mem>>) src(%dma_wait3A_62 : memref<50304x2048xf32, #tpu.memory_space<hbm>>) dst(%dma_wait3A_57 : memref<24x2048xf32, #tpu.memory_space<vmem>>)
    %add3A_63 = arith.constant 24 : i32
    %add3A_64 = arith.addi %mul3A_2, %add3A_63 : i32
    %dma_start3A_65 = arith.constant 0 : i32
    %dma_start3A_66 = arith.constant 0 : i32
    %dma_start3A_67 = tpu.memref_slice %arg7[%dma_start3A_65, %dma_start3A_66] : memref<24x2048xf32, #tpu.memory_space<vmem>> -> memref<24x2048xf32, #tpu.memory_space<vmem>>
    %dma_start3A_68 = arith.constant 0 : i32
    %dma_start3A_69 = tpu.memref_slice %arg4[%add3A_64, %dma_start3A_68] : memref<16384x2048xf32, #tpu.memory_space<hbm>> -> memref<24x2048xf32, #tpu.memory_space<hbm>>
    %dma_start3A_70 = arith.constant 0 : i32
    %dma_start3A_71 = tpu.memref_slice %arg4[%add3A_64, %dma_start3A_70] : memref<16384x2048xf32, #tpu.memory_space<hbm>> -> memref<24x2048xf32, #tpu.memory_space<hbm>>
    %dma_start3A_72 = arith.constant 0 : i32
    %dma_start3A_73 = arith.constant 0 : i32
    %dma_start3A_74 = tpu.memref_slice %arg7[%dma_start3A_72, %dma_start3A_73] : memref<24x2048xf32, #tpu.memory_space<vmem>> -> memref<24x2048xf32, #tpu.memory_space<vmem>>
    tpu.enqueue_dma source(%dma_start3A_74 : memref<24x2048xf32, #tpu.memory_space<vmem>>) target(%dma_start3A_71 : memref<24x2048xf32, #tpu.memory_space<hbm>>) target_semaphore(%arg11 : memref<!tpu.dma_semaphore, #tpu.memory_space<semaphore_mem>>)
    %dma_wait3A_75 = arith.constant 0 : i32
    %dma_wait3A_76 = arith.constant 0 : i32
    %dma_wait3A_77 = tpu.memref_slice %arg7[%dma_wait3A_75, %dma_wait3A_76] : memref<24x2048xf32, #tpu.memory_space<vmem>> -> memref<24x2048xf32, #tpu.memory_space<vmem>>
    %dma_wait3A_78 = arith.constant 0 : i32
    %dma_wait3A_79 = tpu.memref_slice %arg4[%add3A_64, %dma_wait3A_78] : memref<16384x2048xf32, #tpu.memory_space<hbm>> -> memref<24x2048xf32, #tpu.memory_space<hbm>>
    %dma_wait3A_80 = arith.constant 0 : i32
    %dma_wait3A_81 = tpu.memref_slice %arg4[%add3A_64, %dma_wait3A_80] : memref<16384x2048xf32, #tpu.memory_space<hbm>> -> memref<24x2048xf32, #tpu.memory_space<hbm>>
    %dma_wait3A_82 = arith.constant 0 : i32
    %dma_wait3A_83 = arith.constant 0 : i32
    %dma_wait3A_84 = tpu.memref_slice %arg7[%dma_wait3A_82, %dma_wait3A_83] : memref<24x2048xf32, #tpu.memory_space<vmem>> -> memref<24x2048xf32, #tpu.memory_space<vmem>>
    tpu.wait_dma2 semaphore(%arg11 : memref<!tpu.dma_semaphore, #tpu.memory_space<semaphore_mem>>) src(%dma_wait3A_84 : memref<24x2048xf32, #tpu.memory_space<vmem>>) dst(%dma_wait3A_81 : memref<24x2048xf32, #tpu.memory_space<hbm>>)
    %dma_start3A_85 = arith.constant 0 : i32
    %dma_start3A_86 = arith.constant 0 : i32
    %dma_start3A_87 = tpu.memref_slice %arg7[%dma_start3A_85, %dma_start3A_86] : memref<24x2048xf32, #tpu.memory_space<vmem>> -> memref<24x2048xf32, #tpu.memory_space<vmem>>
    %dma_start3A_88 = arith.constant 72 : i32
    %dma_start3A_89 = tpu.memref_slice %arg5[%dma_start3A_88] : memref<512xi32, #tpu.memory_space<vmem>> -> memref<24xi32, #tpu.memory_space<vmem>>
    %dma_start3A_90 = arith.constant 0 : i32
    %dma_start3A_91 = arith.constant 0 : i32
    %dma_start3A_92 = tpu.memref_slice %arg3[%dma_start3A_90, %dma_start3A_91] : memref<50304x2048xf32, #tpu.memory_space<hbm>> -> memref<50304x2048xf32, #tpu.memory_space<hbm>>
    tpu.enqueue_indirect_dma source(%dma_start3A_92 : memref<50304x2048xf32, #tpu.memory_space<hbm>>) target(%dma_start3A_87 : memref<24x2048xf32, #tpu.memory_space<vmem>>) offsets(%dma_start3A_89 : memref<24xi32, #tpu.memory_space<vmem>>) semaphore(%arg9 : memref<!tpu.dma_semaphore, #tpu.memory_space<semaphore_mem>>)
    %dma_wait3A_93 = arith.constant 0 : i32
    %dma_wait3A_94 = arith.constant 0 : i32
    %dma_wait3A_95 = tpu.memref_slice %arg6[%dma_wait3A_93, %dma_wait3A_94] : memref<24x2048xf32, #tpu.memory_space<vmem>> -> memref<24x2048xf32, #tpu.memory_space<vmem>>
    %dma_wait3A_96 = arith.constant 48 : i32
    %dma_wait3A_97 = tpu.memref_slice %arg5[%dma_wait3A_96] : memref<512xi32, #tpu.memory_space<vmem>> -> memref<24xi32, #tpu.memory_space<vmem>>
    %dma_wait3A_98 = arith.constant 0 : i32
    %dma_wait3A_99 = arith.constant 0 : i32
    %dma_wait3A_100 = tpu.memref_slice %arg3[%dma_wait3A_98, %dma_wait3A_99] : memref<50304x2048xf32, #tpu.memory_space<hbm>> -> memref<50304x2048xf32, #tpu.memory_space<hbm>>
    tpu.wait_indirect_dma semaphore(%arg8 : memref<!tpu.dma_semaphore, #tpu.memory_space<semaphore_mem>>) src(%dma_wait3A_100 : memref<50304x2048xf32, #tpu.memory_space<hbm>>) dst(%dma_wait3A_95 : memref<24x2048xf32, #tpu.memory_space<vmem>>)
    %add3A_101 = arith.constant 48 : i32
    %add3A_102 = arith.addi %mul3A_2, %add3A_101 : i32
    %dma_start3A_103 = arith.constant 0 : i32
    %dma_start3A_104 = arith.constant 0 : i32
    %dma_start3A_105 = tpu.memref_slice %arg6[%dma_start3A_103, %dma_start3A_104] : memref<24x2048xf32, #tpu.memory_space<vmem>> -> memref<24x2048xf32, #tpu.memory_space<vmem>>
    %dma_start3A_106 = arith.constant 0 : i32
    %dma_start3A_107 = tpu.memref_slice %arg4[%add3A_102, %dma_start3A_106] : memref<16384x2048xf32, #tpu.memory_space<hbm>> -> memref<24x2048xf32, #tpu.memory_space<hbm>>
    %dma_start3A_108 = arith.constant 0 : i32
    %dma_start3A_109 = tpu.memref_slice %arg4[%add3A_102, %dma_start3A_108] : memref<16384x2048xf32, #tpu.memory_space<hbm>> -> memref<24x2048xf32, #tpu.memory_space<hbm>>
    %dma_start3A_110 = arith.constant 0 : i32
    %dma_start3A_111 = arith.constant 0 : i32
    %dma_start3A_112 = tpu.memref_slice %arg6[%dma_start3A_110, %dma_start3A_111] : memref<24x2048xf32, #tpu.memory_space<vmem>> -> memref<24x2048xf32, #tpu.memory_space<vmem>>
    tpu.enqueue_dma source(%dma_start3A_112 : memref<24x2048xf32, #tpu.memory_space<vmem>>) target(%dma_start3A_109 : memref<24x2048xf32, #tpu.memory_space<hbm>>) target_semaphore(%arg10 : memref<!tpu.dma_semaphore, #tpu.memory_space<semaphore_mem>>)
    %dma_wait3A_113 = arith.constant 0 : i32
    %dma_wait3A_114 = arith.constant 0 : i32
    %dma_wait3A_115 = tpu.memref_slice %arg6[%dma_wait3A_113, %dma_wait3A_114] : memref<24x2048xf32, #tpu.memory_space<vmem>> -> memref<24x2048xf32, #tpu.memory_space<vmem>>
    %dma_wait3A_116 = arith.constant 0 : i32
    %dma_wait3A_117 = tpu.memref_slice %arg4[%add3A_102, %dma_wait3A_116] : memref<16384x2048xf32, #tpu.memory_space<hbm>> -> memref<24x2048xf32, #tpu.memory_space<hbm>>
    %dma_wait3A_118 = arith.constant 0 : i32
    %dma_wait3A_119 = tpu.memref_slice %arg4[%add3A_102, %dma_wait3A_118] : memref<16384x2048xf32, #tpu.memory_space<hbm>> -> memref<24x2048xf32, #tpu.memory_space<hbm>>
    %dma_wait3A_120 = arith.constant 0 : i32
    %dma_wait3A_121 = arith.constant 0 : i32
    %dma_wait3A_122 = tpu.memref_slice %arg6[%dma_wait3A_120, %dma_wait3A_121] : memref<24x2048xf32, #tpu.memory_space<vmem>> -> memref<24x2048xf32, #tpu.memory_space<vmem>>
    tpu.wait_dma2 semaphore(%arg10 : memref<!tpu.dma_semaphore, #tpu.memory_space<semaphore_mem>>) src(%dma_wait3A_122 : memref<24x2048xf32, #tpu.memory_space<vmem>>) dst(%dma_wait3A_119 : memref<24x2048xf32, #tpu.memory_space<hbm>>)
    %dma_start3A_123 = arith.constant 0 : i32
    %dma_start3A_124 = arith.constant 0 : i32
    %dma_start3A_125 = tpu.memref_slice %arg6[%dma_start3A_123, %dma_start3A_124] : memref<24x2048xf32, #tpu.memory_space<vmem>> -> memref<24x2048xf32, #tpu.memory_space<vmem>>
    %dma_start3A_126 = arith.constant 96 : i32
    %dma_start3A_127 = tpu.memref_slice %arg5[%dma_start3A_126] : memref<512xi32, #tpu.memory_space<vmem>> -> memref<24xi32, #tpu.memory_space<vmem>>
    %dma_start3A_128 = arith.constant 0 : i32
    %dma_start3A_129 = arith.constant 0 : i32
    %dma_start3A_130 = tpu.memref_slice %arg3[%dma_start3A_128, %dma_start3A_129] : memref<50304x2048xf32, #tpu.memory_space<hbm>> -> memref<50304x2048xf32, #tpu.memory_space<hbm>>
    tpu.enqueue_indirect_dma source(%dma_start3A_130 : memref<50304x2048xf32, #tpu.memory_space<hbm>>) target(%dma_start3A_125 : memref<24x2048xf32, #tpu.memory_space<vmem>>) offsets(%dma_start3A_127 : memref<24xi32, #tpu.memory_space<vmem>>) semaphore(%arg8 : memref<!tpu.dma_semaphore, #tpu.memory_space<semaphore_mem>>)
    %dma_wait3A_131 = arith.constant 0 : i32
    %dma_wait3A_132 = arith.constant 0 : i32
    %dma_wait3A_133 = tpu.memref_slice %arg7[%dma_wait3A_131, %dma_wait3A_132] : memref<24x2048xf32, #tpu.memory_space<vmem>> -> memref<24x2048xf32, #tpu.memory_space<vmem>>
    %dma_wait3A_134 = arith.constant 72 : i32
    %dma_wait3A_135 = tpu.memref_slice %arg5[%dma_wait3A_134] : memref<512xi32, #tpu.memory_space<vmem>> -> memref<24xi32, #tpu.memory_space<vmem>>
    %dma_wait3A_136 = arith.constant 0 : i32
    %dma_wait3A_137 = arith.constant 0 : i32
    %dma_wait3A_138 = tpu.memref_slice %arg3[%dma_wait3A_136, %dma_wait3A_137] : memref<50304x2048xf32, #tpu.memory_space<hbm>> -> memref<50304x2048xf32, #tpu.memory_space<hbm>>
    tpu.wait_indirect_dma semaphore(%arg9 : memref<!tpu.dma_semaphore, #tpu.memory_space<semaphore_mem>>) src(%dma_wait3A_138 : memref<50304x2048xf32, #tpu.memory_space<hbm>>) dst(%dma_wait3A_133 : memref<24x2048xf32, #tpu.memory_space<vmem>>)
    %add3A_139 = arith.constant 72 : i32
    %add3A_140 = arith.addi %mul3A_2, %add3A_139 : i32
    %dma_start3A_141 = arith.constant 0 : i32
    %dma_start3A_142 = arith.constant 0 : i32
    %dma_start3A_143 = tpu.memref_slice %arg7[%dma_start3A_141, %dma_start3A_142] : memref<24x2048xf32, #tpu.memory_space<vmem>> -> memref<24x2048xf32, #tpu.memory_space<vmem>>
    %dma_start3A_144 = arith.constant 0 : i32
    %dma_start3A_145 = tpu.memref_slice %arg4[%add3A_140, %dma_start3A_144] : memref<16384x2048xf32, #tpu.memory_space<hbm>> -> memref<24x2048xf32, #tpu.memory_space<hbm>>
    %dma_start3A_146 = arith.constant 0 : i32
    %dma_start3A_147 = tpu.memref_slice %arg4[%add3A_140, %dma_start3A_146] : memref<16384x2048xf32, #tpu.memory_space<hbm>> -> memref<24x2048xf32, #tpu.memory_space<hbm>>
    %dma_start3A_148 = arith.constant 0 : i32
    %dma_start3A_149 = arith.constant 0 : i32
    %dma_start3A_150 = tpu.memref_slice %arg7[%dma_start3A_148, %dma_start3A_149] : memref<24x2048xf32, #tpu.memory_space<vmem>> -> memref<24x2048xf32, #tpu.memory_space<vmem>>
    tpu.enqueue_dma source(%dma_start3A_150 : memref<24x2048xf32, #tpu.memory_space<vmem>>) target(%dma_start3A_147 : memref<24x2048xf32, #tpu.memory_space<hbm>>) target_semaphore(%arg11 : memref<!tpu.dma_semaphore, #tpu.memory_space<semaphore_mem>>)
    %dma_wait3A_151 = arith.constant 0 : i32
    %dma_wait3A_152 = arith.constant 0 : i32
    %dma_wait3A_153 = tpu.memref_slice %arg7[%dma_wait3A_151, %dma_wait3A_152] : memref<24x2048xf32, #tpu.memory_space<vmem>> -> memref<24x2048xf32, #tpu.memory_space<vmem>>
    %dma_wait3A_154 = arith.constant 0 : i32
    %dma_wait3A_155 = tpu.memref_slice %arg4[%add3A_140, %dma_wait3A_154] : memref<16384x2048xf32, #tpu.memory_space<hbm>> -> memref<24x2048xf32, #tpu.memory_space<hbm>>
    %dma_wait3A_156 = arith.constant 0 : i32
    %dma_wait3A_157 = tpu.memref_slice %arg4[%add3A_140, %dma_wait3A_156] : memref<16384x2048xf32, #tpu.memory_space<hbm>> -> memref<24x2048xf32, #tpu.memory_space<hbm>>
    %dma_wait3A_158 = arith.constant 0 : i32
    %dma_wait3A_159 = arith.constant 0 : i32
    %dma_wait3A_160 = tpu.memref_slice %arg7[%dma_wait3A_158, %dma_wait3A_159] : memref<24x2048xf32, #tpu.memory_space<vmem>> -> memref<24x2048xf32, #tpu.memory_space<vmem>>
    tpu.wait_dma2 semaphore(%arg11 : memref<!tpu.dma_semaphore, #tpu.memory_space<semaphore_mem>>) src(%dma_wait3A_160 : memref<24x2048xf32, #tpu.memory_space<vmem>>) dst(%dma_wait3A_157 : memref<24x2048xf32, #tpu.memory_space<hbm>>)
    %dma_start3A_161 = arith.constant 0 : i32
    %dma_start3A_162 = arith.constant 0 : i32
    %dma_start3A_163 = tpu.memref_slice %arg7[%dma_start3A_161, %dma_start3A_162] : memref<24x2048xf32, #tpu.memory_space<vmem>> -> memref<24x2048xf32, #tpu.memory_space<vmem>>
    %dma_start3A_164 = arith.constant 120 : i32
    %dma_start3A_165 = tpu.memref_slice %arg5[%dma_start3A_164] : memref<512xi32, #tpu.memory_space<vmem>> -> memref<24xi32, #tpu.memory_space<vmem>>
    %dma_start3A_166 = arith.constant 0 : i32
    %dma_start3A_167 = arith.constant 0 : i32
    %dma_start3A_168 = tpu.memref_slice %arg3[%dma_start3A_166, %dma_start3A_167] : memref<50304x2048xf32, #tpu.memory_space<hbm>> -> memref<50304x2048xf32, #tpu.memory_space<hbm>>
    tpu.enqueue_indirect_dma source(%dma_start3A_168 : memref<50304x2048xf32, #tpu.memory_space<hbm>>) target(%dma_start3A_163 : memref<24x2048xf32, #tpu.memory_space<vmem>>) offsets(%dma_start3A_165 : memref<24xi32, #tpu.memory_space<vmem>>) semaphore(%arg9 : memref<!tpu.dma_semaphore, #tpu.memory_space<semaphore_mem>>)
    %dma_wait3A_169 = arith.constant 0 : i32
    %dma_wait3A_170 = arith.constant 0 : i32
    %dma_wait3A_171 = tpu.memref_slice %arg6[%dma_wait3A_169, %dma_wait3A_170] : memref<24x2048xf32, #tpu.memory_space<vmem>> -> memref<24x2048xf32, #tpu.memory_space<vmem>>
    %dma_wait3A_172 = arith.constant 96 : i32
    %dma_wait3A_173 = tpu.memref_slice %arg5[%dma_wait3A_172] : memref<512xi32, #tpu.memory_space<vmem>> -> memref<24xi32, #tpu.memory_space<vmem>>
    %dma_wait3A_174 = arith.constant 0 : i32
    %dma_wait3A_175 = arith.constant 0 : i32
    %dma_wait3A_176 = tpu.memref_slice %arg3[%dma_wait3A_174, %dma_wait3A_175] : memref<50304x2048xf32, #tpu.memory_space<hbm>> -> memref<50304x2048xf32, #tpu.memory_space<hbm>>
    tpu.wait_indirect_dma semaphore(%arg8 : memref<!tpu.dma_semaphore, #tpu.memory_space<semaphore_mem>>) src(%dma_wait3A_176 : memref<50304x2048xf32, #tpu.memory_space<hbm>>) dst(%dma_wait3A_171 : memref<24x2048xf32, #tpu.memory_space<vmem>>)
    %add3A_177 = arith.constant 96 : i32
    %add3A_178 = arith.addi %mul3A_2, %add3A_177 : i32
    %dma_start3A_179 = arith.constant 0 : i32
    %dma_start3A_180 = arith.constant 0 : i32
    %dma_start3A_181 = tpu.memref_slice %arg6[%dma_start3A_179, %dma_start3A_180] : memref<24x2048xf32, #tpu.memory_space<vmem>> -> memref<24x2048xf32, #tpu.memory_space<vmem>>
    %dma_start3A_182 = arith.constant 0 : i32
    %dma_start3A_183 = tpu.memref_slice %arg4[%add3A_178, %dma_start3A_182] : memref<16384x2048xf32, #tpu.memory_space<hbm>> -> memref<24x2048xf32, #tpu.memory_space<hbm>>
    %dma_start3A_184 = arith.constant 0 : i32
    %dma_start3A_185 = tpu.memref_slice %arg4[%add3A_178, %dma_start3A_184] : memref<16384x2048xf32, #tpu.memory_space<hbm>> -> memref<24x2048xf32, #tpu.memory_space<hbm>>
    %dma_start3A_186 = arith.constant 0 : i32
    %dma_start3A_187 = arith.constant 0 : i32
    %dma_start3A_188 = tpu.memref_slice %arg6[%dma_start3A_186, %dma_start3A_187] : memref<24x2048xf32, #tpu.memory_space<vmem>> -> memref<24x2048xf32, #tpu.memory_space<vmem>>
    tpu.enqueue_dma source(%dma_start3A_188 : memref<24x2048xf32, #tpu.memory_space<vmem>>) target(%dma_start3A_185 : memref<24x2048xf32, #tpu.memory_space<hbm>>) target_semaphore(%arg10 : memref<!tpu.dma_semaphore, #tpu.memory_space<semaphore_mem>>)
    %dma_wait3A_189 = arith.constant 0 : i32
    %dma_wait3A_190 = arith.constant 0 : i32
    %dma_wait3A_191 = tpu.memref_slice %arg6[%dma_wait3A_189, %dma_wait3A_190] : memref<24x2048xf32, #tpu.memory_space<vmem>> -> memref<24x2048xf32, #tpu.memory_space<vmem>>
    %dma_wait3A_192 = arith.constant 0 : i32
    %dma_wait3A_193 = tpu.memref_slice %arg4[%add3A_178, %dma_wait3A_192] : memref<16384x2048xf32, #tpu.memory_space<hbm>> -> memref<24x2048xf32, #tpu.memory_space<hbm>>
    %dma_wait3A_194 = arith.constant 0 : i32
    %dma_wait3A_195 = tpu.memref_slice %arg4[%add3A_178, %dma_wait3A_194] : memref<16384x2048xf32, #tpu.memory_space<hbm>> -> memref<24x2048xf32, #tpu.memory_space<hbm>>
    %dma_wait3A_196 = arith.constant 0 : i32
    %dma_wait3A_197 = arith.constant 0 : i32
    %dma_wait3A_198 = tpu.memref_slice %arg6[%dma_wait3A_196, %dma_wait3A_197] : memref<24x2048xf32, #tpu.memory_space<vmem>> -> memref<24x2048xf32, #tpu.memory_space<vmem>>
    tpu.wait_dma2 semaphore(%arg10 : memref<!tpu.dma_semaphore, #tpu.memory_space<semaphore_mem>>) src(%dma_wait3A_198 : memref<24x2048xf32, #tpu.memory_space<vmem>>) dst(%dma_wait3A_195 : memref<24x2048xf32, #tpu.memory_space<hbm>>)
    %dma_start3A_199 = arith.constant 0 : i32
    %dma_start3A_200 = arith.constant 0 : i32
    %dma_start3A_201 = tpu.memref_slice %arg6[%dma_start3A_199, %dma_start3A_200] : memref<24x2048xf32, #tpu.memory_space<vmem>> -> memref<24x2048xf32, #tpu.memory_space<vmem>>
    %dma_start3A_202 = arith.constant 144 : i32
    %dma_start3A_203 = tpu.memref_slice %arg5[%dma_start3A_202] : memref<512xi32, #tpu.memory_space<vmem>> -> memref<24xi32, #tpu.memory_space<vmem>>
    %dma_start3A_204 = arith.constant 0 : i32
    %dma_start3A_205 = arith.constant 0 : i32
    %dma_start3A_206 = tpu.memref_slice %arg3[%dma_start3A_204, %dma_start3A_205] : memref<50304x2048xf32, #tpu.memory_space<hbm>> -> memref<50304x2048xf32, #tpu.memory_space<hbm>>
    tpu.enqueue_indirect_dma source(%dma_start3A_206 : memref<50304x2048xf32, #tpu.memory_space<hbm>>) target(%dma_start3A_201 : memref<24x2048xf32, #tpu.memory_space<vmem>>) offsets(%dma_start3A_203 : memref<24xi32, #tpu.memory_space<vmem>>) semaphore(%arg8 : memref<!tpu.dma_semaphore, #tpu.memory_space<semaphore_mem>>)
    %dma_wait3A_207 = arith.constant 0 : i32
    %dma_wait3A_208 = arith.constant 0 : i32
    %dma_wait3A_209 = tpu.memref_slice %arg7[%dma_wait3A_207, %dma_wait3A_208] : memref<24x2048xf32, #tpu.memory_space<vmem>> -> memref<24x2048xf32, #tpu.memory_space<vmem>>
    %dma_wait3A_210 = arith.constant 120 : i32
    %dma_wait3A_211 = tpu.memref_slice %arg5[%dma_wait3A_210] : memref<512xi32, #tpu.memory_space<vmem>> -> memref<24xi32, #tpu.memory_space<vmem>>
    %dma_wait3A_212 = arith.constant 0 : i32
    %dma_wait3A_213 = arith.constant 0 : i32
    %dma_wait3A_214 = tpu.memref_slice %arg3[%dma_wait3A_212, %dma_wait3A_213] : memref<50304x2048xf32, #tpu.memory_space<hbm>> -> memref<50304x2048xf32, #tpu.memory_space<hbm>>
    tpu.wait_indirect_dma semaphore(%arg9 : memref<!tpu.dma_semaphore, #tpu.memory_space<semaphore_mem>>) src(%dma_wait3A_214 : memref<50304x2048xf32, #tpu.memory_space<hbm>>) dst(%dma_wait3A_209 : memref<24x2048xf32, #tpu.memory_space<vmem>>)
    %add3A_215 = arith.constant 120 : i32
    %add3A_216 = arith.addi %mul3A_2, %add3A_215 : i32
    %dma_start3A_217 = arith.constant 0 : i32
    %dma_start3A_218 = arith.constant 0 : i32
    %dma_start3A_219 = tpu.memref_slice %arg7[%dma_start3A_217, %dma_start3A_218] : memref<24x2048xf32, #tpu.memory_space<vmem>> -> memref<24x2048xf32, #tpu.memory_space<vmem>>
    %dma_start3A_220 = arith.constant 0 : i32
    %dma_start3A_221 = tpu.memref_slice %arg4[%add3A_216, %dma_start3A_220] : memref<16384x2048xf32, #tpu.memory_space<hbm>> -> memref<24x2048xf32, #tpu.memory_space<hbm>>
    %dma_start3A_222 = arith.constant 0 : i32
    %dma_start3A_223 = tpu.memref_slice %arg4[%add3A_216, %dma_start3A_222] : memref<16384x2048xf32, #tpu.memory_space<hbm>> -> memref<24x2048xf32, #tpu.memory_space<hbm>>
    %dma_start3A_224 = arith.constant 0 : i32
    %dma_start3A_225 = arith.constant 0 : i32
    %dma_start3A_226 = tpu.memref_slice %arg7[%dma_start3A_224, %dma_start3A_225] : memref<24x2048xf32, #tpu.memory_space<vmem>> -> memref<24x2048xf32, #tpu.memory_space<vmem>>
    tpu.enqueue_dma source(%dma_start3A_226 : memref<24x2048xf32, #tpu.memory_space<vmem>>) target(%dma_start3A_223 : memref<24x2048xf32, #tpu.memory_space<hbm>>) target_semaphore(%arg11 : memref<!tpu.dma_semaphore, #tpu.memory_space<semaphore_mem>>)
    %dma_wait3A_227 = arith.constant 0 : i32
    %dma_wait3A_228 = arith.constant 0 : i32
    %dma_wait3A_229 = tpu.memref_slice %arg7[%dma_wait3A_227, %dma_wait3A_228] : memref<24x2048xf32, #tpu.memory_space<vmem>> -> memref<24x2048xf32, #tpu.memory_space<vmem>>
    %dma_wait3A_230 = arith.constant 0 : i32
    %dma_wait3A_231 = tpu.memref_slice %arg4[%add3A_216, %dma_wait3A_230] : memref<16384x2048xf32, #tpu.memory_space<hbm>> -> memref<24x2048xf32, #tpu.memory_space<hbm>>
    %dma_wait3A_232 = arith.constant 0 : i32
    %dma_wait3A_233 = tpu.memref_slice %arg4[%add3A_216, %dma_wait3A_232] : memref<16384x2048xf32, #tpu.memory_space<hbm>> -> memref<24x2048xf32, #tpu.memory_space<hbm>>
    %dma_wait3A_234 = arith.constant 0 : i32
    %dma_wait3A_235 = arith.constant 0 : i32
    %dma_wait3A_236 = tpu.memref_slice %arg7[%dma_wait3A_234, %dma_wait3A_235] : memref<24x2048xf32, #tpu.memory_space<vmem>> -> memref<24x2048xf32, #tpu.memory_space<vmem>>
    tpu.wait_dma2 semaphore(%arg11 : memref<!tpu.dma_semaphore, #tpu.memory_space<semaphore_mem>>) src(%dma_wait3A_236 : memref<24x2048xf32, #tpu.memory_space<vmem>>) dst(%dma_wait3A_233 : memref<24x2048xf32, #tpu.memory_space<hbm>>)
    %dma_start3A_237 = arith.constant 0 : i32
    %dma_start3A_238 = arith.constant 0 : i32
    %dma_start3A_239 = tpu.memref_slice %arg7[%dma_start3A_237, %dma_start3A_238] : memref<24x2048xf32, #tpu.memory_space<vmem>> -> memref<24x2048xf32, #tpu.memory_space<vmem>>
    %dma_start3A_240 = arith.constant 168 : i32
    %dma_start3A_241 = tpu.memref_slice %arg5[%dma_start3A_240] : memref<512xi32, #tpu.memory_space<vmem>> -> memref<24xi32, #tpu.memory_space<vmem>>
    %dma_start3A_242 = arith.constant 0 : i32
    %dma_start3A_243 = arith.constant 0 : i32
    %dma_start3A_244 = tpu.memref_slice %arg3[%dma_start3A_242, %dma_start3A_243] : memref<50304x2048xf32, #tpu.memory_space<hbm>> -> memref<50304x2048xf32, #tpu.memory_space<hbm>>
    tpu.enqueue_indirect_dma source(%dma_start3A_244 : memref<50304x2048xf32, #tpu.memory_space<hbm>>) target(%dma_start3A_239 : memref<24x2048xf32, #tpu.memory_space<vmem>>) offsets(%dma_start3A_241 : memref<24xi32, #tpu.memory_space<vmem>>) semaphore(%arg9 : memref<!tpu.dma_semaphore, #tpu.memory_space<semaphore_mem>>)
    %dma_wait3A_245 = arith.constant 0 : i32
    %dma_wait3A_246 = arith.constant 0 : i32
    %dma_wait3A_247 = tpu.memref_slice %arg6[%dma_wait3A_245, %dma_wait3A_246] : memref<24x2048xf32, #tpu.memory_space<vmem>> -> memref<24x2048xf32, #tpu.memory_space<vmem>>
    %dma_wait3A_248 = arith.constant 144 : i32
    %dma_wait3A_249 = tpu.memref_slice %arg5[%dma_wait3A_248] : memref<512xi32, #tpu.memory_space<vmem>> -> memref<24xi32, #tpu.memory_space<vmem>>
    %dma_wait3A_250 = arith.constant 0 : i32
    %dma_wait3A_251 = arith.constant 0 : i32
    %dma_wait3A_252 = tpu.memref_slice %arg3[%dma_wait3A_250, %dma_wait3A_251] : memref<50304x2048xf32, #tpu.memory_space<hbm>> -> memref<50304x2048xf32, #tpu.memory_space<hbm>>
    tpu.wait_indirect_dma semaphore(%arg8 : memref<!tpu.dma_semaphore, #tpu.memory_space<semaphore_mem>>) src(%dma_wait3A_252 : memref<50304x2048xf32, #tpu.memory_space<hbm>>) dst(%dma_wait3A_247 : memref<24x2048xf32, #tpu.memory_space<vmem>>)
    %add3A_253 = arith.constant 144 : i32
    %add3A_254 = arith.addi %mul3A_2, %add3A_253 : i32
    %dma_start3A_255 = arith.constant 0 : i32
    %dma_start3A_256 = arith.constant 0 : i32
    %dma_start3A_257 = tpu.memref_slice %arg6[%dma_start3A_255, %dma_start3A_256] : memref<24x2048xf32, #tpu.memory_space<vmem>> -> memref<24x2048xf32, #tpu.memory_space<vmem>>
    %dma_start3A_258 = arith.constant 0 : i32
    %dma_start3A_259 = tpu.memref_slice %arg4[%add3A_254, %dma_start3A_258] : memref<16384x2048xf32, #tpu.memory_space<hbm>> -> memref<24x2048xf32, #tpu.memory_space<hbm>>
    %dma_start3A_260 = arith.constant 0 : i32
    %dma_start3A_261 = tpu.memref_slice %arg4[%add3A_254, %dma_start3A_260] : memref<16384x2048xf32, #tpu.memory_space<hbm>> -> memref<24x2048xf32, #tpu.memory_space<hbm>>
    %dma_start3A_262 = arith.constant 0 : i32
    %dma_start3A_263 = arith.constant 0 : i32
    %dma_start3A_264 = tpu.memref_slice %arg6[%dma_start3A_262, %dma_start3A_263] : memref<24x2048xf32, #tpu.memory_space<vmem>> -> memref<24x2048xf32, #tpu.memory_space<vmem>>
    tpu.enqueue_dma source(%dma_start3A_264 : memref<24x2048xf32, #tpu.memory_space<vmem>>) target(%dma_start3A_261 : memref<24x2048xf32, #tpu.memory_space<hbm>>) target_semaphore(%arg10 : memref<!tpu.dma_semaphore, #tpu.memory_space<semaphore_mem>>)
    %dma_wait3A_265 = arith.constant 0 : i32
    %dma_wait3A_266 = arith.constant 0 : i32
    %dma_wait3A_267 = tpu.memref_slice %arg6[%dma_wait3A_265, %dma_wait3A_266] : memref<24x2048xf32, #tpu.memory_space<vmem>> -> memref<24x2048xf32, #tpu.memory_space<vmem>>
    %dma_wait3A_268 = arith.constant 0 : i32
    %dma_wait3A_269 = tpu.memref_slice %arg4[%add3A_254, %dma_wait3A_268] : memref<16384x2048xf32, #tpu.memory_space<hbm>> -> memref<24x2048xf32, #tpu.memory_space<hbm>>
    %dma_wait3A_270 = arith.constant 0 : i32
    %dma_wait3A_271 = tpu.memref_slice %arg4[%add3A_254, %dma_wait3A_270] : memref<16384x2048xf32, #tpu.memory_space<hbm>> -> memref<24x2048xf32, #tpu.memory_space<hbm>>
    %dma_wait3A_272 = arith.constant 0 : i32
    %dma_wait3A_273 = arith.constant 0 : i32
    %dma_wait3A_274 = tpu.memref_slice %arg6[%dma_wait3A_272, %dma_wait3A_273] : memref<24x2048xf32, #tpu.memory_space<vmem>> -> memref<24x2048xf32, #tpu.memory_space<vmem>>
    tpu.wait_dma2 semaphore(%arg10 : memref<!tpu.dma_semaphore, #tpu.memory_space<semaphore_mem>>) src(%dma_wait3A_274 : memref<24x2048xf32, #tpu.memory_space<vmem>>) dst(%dma_wait3A_271 : memref<24x2048xf32, #tpu.memory_space<hbm>>)
    %dma_start3A_275 = arith.constant 0 : i32
    %dma_start3A_276 = arith.constant 0 : i32
    %dma_start3A_277 = tpu.memref_slice %arg6[%dma_start3A_275, %dma_start3A_276] : memref<24x2048xf32, #tpu.memory_space<vmem>> -> memref<24x2048xf32, #tpu.memory_space<vmem>>
    %dma_start3A_278 = arith.constant 192 : i32
    %dma_start3A_279 = tpu.memref_slice %arg5[%dma_start3A_278] : memref<512xi32, #tpu.memory_space<vmem>> -> memref<24xi32, #tpu.memory_space<vmem>>
    %dma_start3A_280 = arith.constant 0 : i32
    %dma_start3A_281 = arith.constant 0 : i32
    %dma_start3A_282 = tpu.memref_slice %arg3[%dma_start3A_280, %dma_start3A_281] : memref<50304x2048xf32, #tpu.memory_space<hbm>> -> memref<50304x2048xf32, #tpu.memory_space<hbm>>
    tpu.enqueue_indirect_dma source(%dma_start3A_282 : memref<50304x2048xf32, #tpu.memory_space<hbm>>) target(%dma_start3A_277 : memref<24x2048xf32, #tpu.memory_space<vmem>>) offsets(%dma_start3A_279 : memref<24xi32, #tpu.memory_space<vmem>>) semaphore(%arg8 : memref<!tpu.dma_semaphore, #tpu.memory_space<semaphore_mem>>)
    %dma_wait3A_283 = arith.constant 0 : i32
    %dma_wait3A_284 = arith.constant 0 : i32
    %dma_wait3A_285 = tpu.memref_slice %arg7[%dma_wait3A_283, %dma_wait3A_284] : memref<24x2048xf32, #tpu.memory_space<vmem>> -> memref<24x2048xf32, #tpu.memory_space<vmem>>
    %dma_wait3A_286 = arith.constant 168 : i32
    %dma_wait3A_287 = tpu.memref_slice %arg5[%dma_wait3A_286] : memref<512xi32, #tpu.memory_space<vmem>> -> memref<24xi32, #tpu.memory_space<vmem>>
    %dma_wait3A_288 = arith.constant 0 : i32
    %dma_wait3A_289 = arith.constant 0 : i32
    %dma_wait3A_290 = tpu.memref_slice %arg3[%dma_wait3A_288, %dma_wait3A_289] : memref<50304x2048xf32, #tpu.memory_space<hbm>> -> memref<50304x2048xf32, #tpu.memory_space<hbm>>
    tpu.wait_indirect_dma semaphore(%arg9 : memref<!tpu.dma_semaphore, #tpu.memory_space<semaphore_mem>>) src(%dma_wait3A_290 : memref<50304x2048xf32, #tpu.memory_space<hbm>>) dst(%dma_wait3A_285 : memref<24x2048xf32, #tpu.memory_space<vmem>>)
    %add3A_291 = arith.constant 168 : i32
    %add3A_292 = arith.addi %mul3A_2, %add3A_291 : i32
    %dma_start3A_293 = arith.constant 0 : i32
    %dma_start3A_294 = arith.constant 0 : i32
    %dma_start3A_295 = tpu.memref_slice %arg7[%dma_start3A_293, %dma_start3A_294] : memref<24x2048xf32, #tpu.memory_space<vmem>> -> memref<24x2048xf32, #tpu.memory_space<vmem>>
    %dma_start3A_296 = arith.constant 0 : i32
    %dma_start3A_297 = tpu.memref_slice %arg4[%add3A_292, %dma_start3A_296] : memref<16384x2048xf32, #tpu.memory_space<hbm>> -> memref<24x2048xf32, #tpu.memory_space<hbm>>
    %dma_start3A_298 = arith.constant 0 : i32
    %dma_start3A_299 = tpu.memref_slice %arg4[%add3A_292, %dma_start3A_298] : memref<16384x2048xf32, #tpu.memory_space<hbm>> -> memref<24x2048xf32, #tpu.memory_space<hbm>>
    %dma_start3A_300 = arith.constant 0 : i32
    %dma_start3A_301 = arith.constant 0 : i32
    %dma_start3A_302 = tpu.memref_slice %arg7[%dma_start3A_300, %dma_start3A_301] : memref<24x2048xf32, #tpu.memory_space<vmem>> -> memref<24x2048xf32, #tpu.memory_space<vmem>>
    tpu.enqueue_dma source(%dma_start3A_302 : memref<24x2048xf32, #tpu.memory_space<vmem>>) target(%dma_start3A_299 : memref<24x2048xf32, #tpu.memory_space<hbm>>) target_semaphore(%arg11 : memref<!tpu.dma_semaphore, #tpu.memory_space<semaphore_mem>>)
    %dma_wait3A_303 = arith.constant 0 : i32
    %dma_wait3A_304 = arith.constant 0 : i32
    %dma_wait3A_305 = tpu.memref_slice %arg7[%dma_wait3A_303, %dma_wait3A_304] : memref<24x2048xf32, #tpu.memory_space<vmem>> -> memref<24x2048xf32, #tpu.memory_space<vmem>>
    %dma_wait3A_306 = arith.constant 0 : i32
    %dma_wait3A_307 = tpu.memref_slice %arg4[%add3A_292, %dma_wait3A_306] : memref<16384x2048xf32, #tpu.memory_space<hbm>> -> memref<24x2048xf32, #tpu.memory_space<hbm>>
    %dma_wait3A_308 = arith.constant 0 : i32
    %dma_wait3A_309 = tpu.memref_slice %arg4[%add3A_292, %dma_wait3A_308] : memref<16384x2048xf32, #tpu.memory_space<hbm>> -> memref<24x2048xf32, #tpu.memory_space<hbm>>
    %dma_wait3A_310 = arith.constant 0 : i32
    %dma_wait3A_311 = arith.constant 0 : i32
    %dma_wait3A_312 = tpu.memref_slice %arg7[%dma_wait3A_310, %dma_wait3A_311] : memref<24x2048xf32, #tpu.memory_space<vmem>> -> memref<24x2048xf32, #tpu.memory_space<vmem>>
    tpu.wait_dma2 semaphore(%arg11 : memref<!tpu.dma_semaphore, #tpu.memory_space<semaphore_mem>>) src(%dma_wait3A_312 : memref<24x2048xf32, #tpu.memory_space<vmem>>) dst(%dma_wait3A_309 : memref<24x2048xf32, #tpu.memory_space<hbm>>)
    %dma_start3A_313 = arith.constant 0 : i32
    %dma_start3A_314 = arith.constant 0 : i32
    %dma_start3A_315 = tpu.memref_slice %arg7[%dma_start3A_313, %dma_start3A_314] : memref<24x2048xf32, #tpu.memory_space<vmem>> -> memref<24x2048xf32, #tpu.memory_space<vmem>>
    %dma_start3A_316 = arith.constant 216 : i32
    %dma_start3A_317 = tpu.memref_slice %arg5[%dma_start3A_316] : memref<512xi32, #tpu.memory_space<vmem>> -> memref<24xi32, #tpu.memory_space<vmem>>
    %dma_start3A_318 = arith.constant 0 : i32
    %dma_start3A_319 = arith.constant 0 : i32
    %dma_start3A_320 = tpu.memref_slice %arg3[%dma_start3A_318, %dma_start3A_319] : memref<50304x2048xf32, #tpu.memory_space<hbm>> -> memref<50304x2048xf32, #tpu.memory_space<hbm>>
    tpu.enqueue_indirect_dma source(%dma_start3A_320 : memref<50304x2048xf32, #tpu.memory_space<hbm>>) target(%dma_start3A_315 : memref<24x2048xf32, #tpu.memory_space<vmem>>) offsets(%dma_start3A_317 : memref<24xi32, #tpu.memory_space<vmem>>) semaphore(%arg9 : memref<!tpu.dma_semaphore, #tpu.memory_space<semaphore_mem>>)
    %dma_wait3A_321 = arith.constant 0 : i32
    %dma_wait3A_322 = arith.constant 0 : i32
    %dma_wait3A_323 = tpu.memref_slice %arg6[%dma_wait3A_321, %dma_wait3A_322] : memref<24x2048xf32, #tpu.memory_space<vmem>> -> memref<24x2048xf32, #tpu.memory_space<vmem>>
    %dma_wait3A_324 = arith.constant 192 : i32
    %dma_wait3A_325 = tpu.memref_slice %arg5[%dma_wait3A_324] : memref<512xi32, #tpu.memory_space<vmem>> -> memref<24xi32, #tpu.memory_space<vmem>>
    %dma_wait3A_326 = arith.constant 0 : i32
    %dma_wait3A_327 = arith.constant 0 : i32
    %dma_wait3A_328 = tpu.memref_slice %arg3[%dma_wait3A_326, %dma_wait3A_327] : memref<50304x2048xf32, #tpu.memory_space<hbm>> -> memref<50304x2048xf32, #tpu.memory_space<hbm>>
    tpu.wait_indirect_dma semaphore(%arg8 : memref<!tpu.dma_semaphore, #tpu.memory_space<semaphore_mem>>) src(%dma_wait3A_328 : memref<50304x2048xf32, #tpu.memory_space<hbm>>) dst(%dma_wait3A_323 : memref<24x2048xf32, #tpu.memory_space<vmem>>)
    %add3A_329 = arith.constant 192 : i32
    %add3A_330 = arith.addi %mul3A_2, %add3A_329 : i32
    %dma_start3A_331 = arith.constant 0 : i32
    %dma_start3A_332 = arith.constant 0 : i32
    %dma_start3A_333 = tpu.memref_slice %arg6[%dma_start3A_331, %dma_start3A_332] : memref<24x2048xf32, #tpu.memory_space<vmem>> -> memref<24x2048xf32, #tpu.memory_space<vmem>>
    %dma_start3A_334 = arith.constant 0 : i32
    %dma_start3A_335 = tpu.memref_slice %arg4[%add3A_330, %dma_start3A_334] : memref<16384x2048xf32, #tpu.memory_space<hbm>> -> memref<24x2048xf32, #tpu.memory_space<hbm>>
    %dma_start3A_336 = arith.constant 0 : i32
    %dma_start3A_337 = tpu.memref_slice %arg4[%add3A_330, %dma_start3A_336] : memref<16384x2048xf32, #tpu.memory_space<hbm>> -> memref<24x2048xf32, #tpu.memory_space<hbm>>
    %dma_start3A_338 = arith.constant 0 : i32
    %dma_start3A_339 = arith.constant 0 : i32
    %dma_start3A_340 = tpu.memref_slice %arg6[%dma_start3A_338, %dma_start3A_339] : memref<24x2048xf32, #tpu.memory_space<vmem>> -> memref<24x2048xf32, #tpu.memory_space<vmem>>
    tpu.enqueue_dma source(%dma_start3A_340 : memref<24x2048xf32, #tpu.memory_space<vmem>>) target(%dma_start3A_337 : memref<24x2048xf32, #tpu.memory_space<hbm>>) target_semaphore(%arg10 : memref<!tpu.dma_semaphore, #tpu.memory_space<semaphore_mem>>)
    %dma_wait3A_341 = arith.constant 0 : i32
    %dma_wait3A_342 = arith.constant 0 : i32
    %dma_wait3A_343 = tpu.memref_slice %arg6[%dma_wait3A_341, %dma_wait3A_342] : memref<24x2048xf32, #tpu.memory_space<vmem>> -> memref<24x2048xf32, #tpu.memory_space<vmem>>
    %dma_wait3A_344 = arith.constant 0 : i32
    %dma_wait3A_345 = tpu.memref_slice %arg4[%add3A_330, %dma_wait3A_344] : memref<16384x2048xf32, #tpu.memory_space<hbm>> -> memref<24x2048xf32, #tpu.memory_space<hbm>>
    %dma_wait3A_346 = arith.constant 0 : i32
    %dma_wait3A_347 = tpu.memref_slice %arg4[%add3A_330, %dma_wait3A_346] : memref<16384x2048xf32, #tpu.memory_space<hbm>> -> memref<24x2048xf32, #tpu.memory_space<hbm>>
    %dma_wait3A_348 = arith.constant 0 : i32
    %dma_wait3A_349 = arith.constant 0 : i32
    %dma_wait3A_350 = tpu.memref_slice %arg6[%dma_wait3A_348, %dma_wait3A_349] : memref<24x2048xf32, #tpu.memory_space<vmem>> -> memref<24x2048xf32, #tpu.memory_space<vmem>>
    tpu.wait_dma2 semaphore(%arg10 : memref<!tpu.dma_semaphore, #tpu.memory_space<semaphore_mem>>) src(%dma_wait3A_350 : memref<24x2048xf32, #tpu.memory_space<vmem>>) dst(%dma_wait3A_347 : memref<24x2048xf32, #tpu.memory_space<hbm>>)
    %dma_start3A_351 = arith.constant 0 : i32
    %dma_start3A_352 = arith.constant 0 : i32
    %dma_start3A_353 = tpu.memref_slice %arg6[%dma_start3A_351, %dma_start3A_352] : memref<24x2048xf32, #tpu.memory_space<vmem>> -> memref<24x2048xf32, #tpu.memory_space<vmem>>
    %dma_start3A_354 = arith.constant 240 : i32
    %dma_start3A_355 = tpu.memref_slice %arg5[%dma_start3A_354] : memref<512xi32, #tpu.memory_space<vmem>> -> memref<24xi32, #tpu.memory_space<vmem>>
    %dma_start3A_356 = arith.constant 0 : i32
    %dma_start3A_357 = arith.constant 0 : i32
    %dma_start3A_358 = tpu.memref_slice %arg3[%dma_start3A_356, %dma_start3A_357] : memref<50304x2048xf32, #tpu.memory_space<hbm>> -> memref<50304x2048xf32, #tpu.memory_space<hbm>>
    tpu.enqueue_indirect_dma source(%dma_start3A_358 : memref<50304x2048xf32, #tpu.memory_space<hbm>>) target(%dma_start3A_353 : memref<24x2048xf32, #tpu.memory_space<vmem>>) offsets(%dma_start3A_355 : memref<24xi32, #tpu.memory_space<vmem>>) semaphore(%arg8 : memref<!tpu.dma_semaphore, #tpu.memory_space<semaphore_mem>>)
    %dma_wait3A_359 = arith.constant 0 : i32
    %dma_wait3A_360 = arith.constant 0 : i32
    %dma_wait3A_361 = tpu.memref_slice %arg7[%dma_wait3A_359, %dma_wait3A_360] : memref<24x2048xf32, #tpu.memory_space<vmem>> -> memref<24x2048xf32, #tpu.memory_space<vmem>>
    %dma_wait3A_362 = arith.constant 216 : i32
    %dma_wait3A_363 = tpu.memref_slice %arg5[%dma_wait3A_362] : memref<512xi32, #tpu.memory_space<vmem>> -> memref<24xi32, #tpu.memory_space<vmem>>
    %dma_wait3A_364 = arith.constant 0 : i32
    %dma_wait3A_365 = arith.constant 0 : i32
    %dma_wait3A_366 = tpu.memref_slice %arg3[%dma_wait3A_364, %dma_wait3A_365] : memref<50304x2048xf32, #tpu.memory_space<hbm>> -> memref<50304x2048xf32, #tpu.memory_space<hbm>>
    tpu.wait_indirect_dma semaphore(%arg9 : memref<!tpu.dma_semaphore, #tpu.memory_space<semaphore_mem>>) src(%dma_wait3A_366 : memref<50304x2048xf32, #tpu.memory_space<hbm>>) dst(%dma_wait3A_361 : memref<24x2048xf32, #tpu.memory_space<vmem>>)
    %add3A_367 = arith.constant 216 : i32
    %add3A_368 = arith.addi %mul3A_2, %add3A_367 : i32
    %dma_start3A_369 = arith.constant 0 : i32
    %dma_start3A_370 = arith.constant 0 : i32
    %dma_start3A_371 = tpu.memref_slice %arg7[%dma_start3A_369, %dma_start3A_370] : memref<24x2048xf32, #tpu.memory_space<vmem>> -> memref<24x2048xf32, #tpu.memory_space<vmem>>
    %dma_start3A_372 = arith.constant 0 : i32
    %dma_start3A_373 = tpu.memref_slice %arg4[%add3A_368, %dma_start3A_372] : memref<16384x2048xf32, #tpu.memory_space<hbm>> -> memref<24x2048xf32, #tpu.memory_space<hbm>>
    %dma_start3A_374 = arith.constant 0 : i32
    %dma_start3A_375 = tpu.memref_slice %arg4[%add3A_368, %dma_start3A_374] : memref<16384x2048xf32, #tpu.memory_space<hbm>> -> memref<24x2048xf32, #tpu.memory_space<hbm>>
    %dma_start3A_376 = arith.constant 0 : i32
    %dma_start3A_377 = arith.constant 0 : i32
    %dma_start3A_378 = tpu.memref_slice %arg7[%dma_start3A_376, %dma_start3A_377] : memref<24x2048xf32, #tpu.memory_space<vmem>> -> memref<24x2048xf32, #tpu.memory_space<vmem>>
    tpu.enqueue_dma source(%dma_start3A_378 : memref<24x2048xf32, #tpu.memory_space<vmem>>) target(%dma_start3A_375 : memref<24x2048xf32, #tpu.memory_space<hbm>>) target_semaphore(%arg11 : memref<!tpu.dma_semaphore, #tpu.memory_space<semaphore_mem>>)
    %dma_wait3A_379 = arith.constant 0 : i32
    %dma_wait3A_380 = arith.constant 0 : i32
    %dma_wait3A_381 = tpu.memref_slice %arg7[%dma_wait3A_379, %dma_wait3A_380] : memref<24x2048xf32, #tpu.memory_space<vmem>> -> memref<24x2048xf32, #tpu.memory_space<vmem>>
    %dma_wait3A_382 = arith.constant 0 : i32
    %dma_wait3A_383 = tpu.memref_slice %arg4[%add3A_368, %dma_wait3A_382] : memref<16384x2048xf32, #tpu.memory_space<hbm>> -> memref<24x2048xf32, #tpu.memory_space<hbm>>
    %dma_wait3A_384 = arith.constant 0 : i32
    %dma_wait3A_385 = tpu.memref_slice %arg4[%add3A_368, %dma_wait3A_384] : memref<16384x2048xf32, #tpu.memory_space<hbm>> -> memref<24x2048xf32, #tpu.memory_space<hbm>>
    %dma_wait3A_386 = arith.constant 0 : i32
    %dma_wait3A_387 = arith.constant 0 : i32
    %dma_wait3A_388 = tpu.memref_slice %arg7[%dma_wait3A_386, %dma_wait3A_387] : memref<24x2048xf32, #tpu.memory_space<vmem>> -> memref<24x2048xf32, #tpu.memory_space<vmem>>
    tpu.wait_dma2 semaphore(%arg11 : memref<!tpu.dma_semaphore, #tpu.memory_space<semaphore_mem>>) src(%dma_wait3A_388 : memref<24x2048xf32, #tpu.memory_space<vmem>>) dst(%dma_wait3A_385 : memref<24x2048xf32, #tpu.memory_space<hbm>>)
    %dma_start3A_389 = arith.constant 0 : i32
    %dma_start3A_390 = arith.constant 0 : i32
    %dma_start3A_391 = tpu.memref_slice %arg7[%dma_start3A_389, %dma_start3A_390] : memref<24x2048xf32, #tpu.memory_space<vmem>> -> memref<24x2048xf32, #tpu.memory_space<vmem>>
    %dma_start3A_392 = arith.constant 264 : i32
    %dma_start3A_393 = tpu.memref_slice %arg5[%dma_start3A_392] : memref<512xi32, #tpu.memory_space<vmem>> -> memref<24xi32, #tpu.memory_space<vmem>>
    %dma_start3A_394 = arith.constant 0 : i32
    %dma_start3A_395 = arith.constant 0 : i32
    %dma_start3A_396 = tpu.memref_slice %arg3[%dma_start3A_394, %dma_start3A_395] : memref<50304x2048xf32, #tpu.memory_space<hbm>> -> memref<50304x2048xf32, #tpu.memory_space<hbm>>
    tpu.enqueue_indirect_dma source(%dma_start3A_396 : memref<50304x2048xf32, #tpu.memory_space<hbm>>) target(%dma_start3A_391 : memref<24x2048xf32, #tpu.memory_space<vmem>>) offsets(%dma_start3A_393 : memref<24xi32, #tpu.memory_space<vmem>>) semaphore(%arg9 : memref<!tpu.dma_semaphore, #tpu.memory_space<semaphore_mem>>)
    %dma_wait3A_397 = arith.constant 0 : i32
    %dma_wait3A_398 = arith.constant 0 : i32
    %dma_wait3A_399 = tpu.memref_slice %arg6[%dma_wait3A_397, %dma_wait3A_398] : memref<24x2048xf32, #tpu.memory_space<vmem>> -> memref<24x2048xf32, #tpu.memory_space<vmem>>
    %dma_wait3A_400 = arith.constant 240 : i32
    %dma_wait3A_401 = tpu.memref_slice %arg5[%dma_wait3A_400] : memref<512xi32, #tpu.memory_space<vmem>> -> memref<24xi32, #tpu.memory_space<vmem>>
    %dma_wait3A_402 = arith.constant 0 : i32
    %dma_wait3A_403 = arith.constant 0 : i32
    %dma_wait3A_404 = tpu.memref_slice %arg3[%dma_wait3A_402, %dma_wait3A_403] : memref<50304x2048xf32, #tpu.memory_space<hbm>> -> memref<50304x2048xf32, #tpu.memory_space<hbm>>
    tpu.wait_indirect_dma semaphore(%arg8 : memref<!tpu.dma_semaphore, #tpu.memory_space<semaphore_mem>>) src(%dma_wait3A_404 : memref<50304x2048xf32, #tpu.memory_space<hbm>>) dst(%dma_wait3A_399 : memref<24x2048xf32, #tpu.memory_space<vmem>>)
    %add3A_405 = arith.constant 240 : i32
    %add3A_406 = arith.addi %mul3A_2, %add3A_405 : i32
    %dma_start3A_407 = arith.constant 0 : i32
    %dma_start3A_408 = arith.constant 0 : i32
    %dma_start3A_409 = tpu.memref_slice %arg6[%dma_start3A_407, %dma_start3A_408] : memref<24x2048xf32, #tpu.memory_space<vmem>> -> memref<24x2048xf32, #tpu.memory_space<vmem>>
    %dma_start3A_410 = arith.constant 0 : i32
    %dma_start3A_411 = tpu.memref_slice %arg4[%add3A_406, %dma_start3A_410] : memref<16384x2048xf32, #tpu.memory_space<hbm>> -> memref<24x2048xf32, #tpu.memory_space<hbm>>
    %dma_start3A_412 = arith.constant 0 : i32
    %dma_start3A_413 = tpu.memref_slice %arg4[%add3A_406, %dma_start3A_412] : memref<16384x2048xf32, #tpu.memory_space<hbm>> -> memref<24x2048xf32, #tpu.memory_space<hbm>>
    %dma_start3A_414 = arith.constant 0 : i32
    %dma_start3A_415 = arith.constant 0 : i32
    %dma_start3A_416 = tpu.memref_slice %arg6[%dma_start3A_414, %dma_start3A_415] : memref<24x2048xf32, #tpu.memory_space<vmem>> -> memref<24x2048xf32, #tpu.memory_space<vmem>>
    tpu.enqueue_dma source(%dma_start3A_416 : memref<24x2048xf32, #tpu.memory_space<vmem>>) target(%dma_start3A_413 : memref<24x2048xf32, #tpu.memory_space<hbm>>) target_semaphore(%arg10 : memref<!tpu.dma_semaphore, #tpu.memory_space<semaphore_mem>>)
    %dma_wait3A_417 = arith.constant 0 : i32
    %dma_wait3A_418 = arith.constant 0 : i32
    %dma_wait3A_419 = tpu.memref_slice %arg6[%dma_wait3A_417, %dma_wait3A_418] : memref<24x2048xf32, #tpu.memory_space<vmem>> -> memref<24x2048xf32, #tpu.memory_space<vmem>>
    %dma_wait3A_420 = arith.constant 0 : i32
    %dma_wait3A_421 = tpu.memref_slice %arg4[%add3A_406, %dma_wait3A_420] : memref<16384x2048xf32, #tpu.memory_space<hbm>> -> memref<24x2048xf32, #tpu.memory_space<hbm>>
    %dma_wait3A_422 = arith.constant 0 : i32
    %dma_wait3A_423 = tpu.memref_slice %arg4[%add3A_406, %dma_wait3A_422] : memref<16384x2048xf32, #tpu.memory_space<hbm>> -> memref<24x2048xf32, #tpu.memory_space<hbm>>
    %dma_wait3A_424 = arith.constant 0 : i32
    %dma_wait3A_425 = arith.constant 0 : i32
    %dma_wait3A_426 = tpu.memref_slice %arg6[%dma_wait3A_424, %dma_wait3A_425] : memref<24x2048xf32, #tpu.memory_space<vmem>> -> memref<24x2048xf32, #tpu.memory_space<vmem>>
    tpu.wait_dma2 semaphore(%arg10 : memref<!tpu.dma_semaphore, #tpu.memory_space<semaphore_mem>>) src(%dma_wait3A_426 : memref<24x2048xf32, #tpu.memory_space<vmem>>) dst(%dma_wait3A_423 : memref<24x2048xf32, #tpu.memory_space<hbm>>)
    %dma_start3A_427 = arith.constant 0 : i32
    %dma_start3A_428 = arith.constant 0 : i32
    %dma_start3A_429 = tpu.memref_slice %arg6[%dma_start3A_427, %dma_start3A_428] : memref<24x2048xf32, #tpu.memory_space<vmem>> -> memref<24x2048xf32, #tpu.memory_space<vmem>>
    %dma_start3A_430 = arith.constant 288 : i32
    %dma_start3A_431 = tpu.memref_slice %arg5[%dma_start3A_430] : memref<512xi32, #tpu.memory_space<vmem>> -> memref<24xi32, #tpu.memory_space<vmem>>
    %dma_start3A_432 = arith.constant 0 : i32
    %dma_start3A_433 = arith.constant 0 : i32
    %dma_start3A_434 = tpu.memref_slice %arg3[%dma_start3A_432, %dma_start3A_433] : memref<50304x2048xf32, #tpu.memory_space<hbm>> -> memref<50304x2048xf32, #tpu.memory_space<hbm>>
    tpu.enqueue_indirect_dma source(%dma_start3A_434 : memref<50304x2048xf32, #tpu.memory_space<hbm>>) target(%dma_start3A_429 : memref<24x2048xf32, #tpu.memory_space<vmem>>) offsets(%dma_start3A_431 : memref<24xi32, #tpu.memory_space<vmem>>) semaphore(%arg8 : memref<!tpu.dma_semaphore, #tpu.memory_space<semaphore_mem>>)
    %dma_wait3A_435 = arith.constant 0 : i32
    %dma_wait3A_436 = arith.constant 0 : i32
    %dma_wait3A_437 = tpu.memref_slice %arg7[%dma_wait3A_435, %dma_wait3A_436] : memref<24x2048xf32, #tpu.memory_space<vmem>> -> memref<24x2048xf32, #tpu.memory_space<vmem>>
    %dma_wait3A_438 = arith.constant 264 : i32
    %dma_wait3A_439 = tpu.memref_slice %arg5[%dma_wait3A_438] : memref<512xi32, #tpu.memory_space<vmem>> -> memref<24xi32, #tpu.memory_space<vmem>>
    %dma_wait3A_440 = arith.constant 0 : i32
    %dma_wait3A_441 = arith.constant 0 : i32
    %dma_wait3A_442 = tpu.memref_slice %arg3[%dma_wait3A_440, %dma_wait3A_441] : memref<50304x2048xf32, #tpu.memory_space<hbm>> -> memref<50304x2048xf32, #tpu.memory_space<hbm>>
    tpu.wait_indirect_dma semaphore(%arg9 : memref<!tpu.dma_semaphore, #tpu.memory_space<semaphore_mem>>) src(%dma_wait3A_442 : memref<50304x2048xf32, #tpu.memory_space<hbm>>) dst(%dma_wait3A_437 : memref<24x2048xf32, #tpu.memory_space<vmem>>)
    %add3A_443 = arith.constant 264 : i32
    %add3A_444 = arith.addi %mul3A_2, %add3A_443 : i32
    %dma_start3A_445 = arith.constant 0 : i32
    %dma_start3A_446 = arith.constant 0 : i32
    %dma_start3A_447 = tpu.memref_slice %arg7[%dma_start3A_445, %dma_start3A_446] : memref<24x2048xf32, #tpu.memory_space<vmem>> -> memref<24x2048xf32, #tpu.memory_space<vmem>>
    %dma_start3A_448 = arith.constant 0 : i32
    %dma_start3A_449 = tpu.memref_slice %arg4[%add3A_444, %dma_start3A_448] : memref<16384x2048xf32, #tpu.memory_space<hbm>> -> memref<24x2048xf32, #tpu.memory_space<hbm>>
    %dma_start3A_450 = arith.constant 0 : i32
    %dma_start3A_451 = tpu.memref_slice %arg4[%add3A_444, %dma_start3A_450] : memref<16384x2048xf32, #tpu.memory_space<hbm>> -> memref<24x2048xf32, #tpu.memory_space<hbm>>
    %dma_start3A_452 = arith.constant 0 : i32
    %dma_start3A_453 = arith.constant 0 : i32
    %dma_start3A_454 = tpu.memref_slice %arg7[%dma_start3A_452, %dma_start3A_453] : memref<24x2048xf32, #tpu.memory_space<vmem>> -> memref<24x2048xf32, #tpu.memory_space<vmem>>
    tpu.enqueue_dma source(%dma_start3A_454 : memref<24x2048xf32, #tpu.memory_space<vmem>>) target(%dma_start3A_451 : memref<24x2048xf32, #tpu.memory_space<hbm>>) target_semaphore(%arg11 : memref<!tpu.dma_semaphore, #tpu.memory_space<semaphore_mem>>)
    %dma_wait3A_455 = arith.constant 0 : i32
    %dma_wait3A_456 = arith.constant 0 : i32
    %dma_wait3A_457 = tpu.memref_slice %arg7[%dma_wait3A_455, %dma_wait3A_456] : memref<24x2048xf32, #tpu.memory_space<vmem>> -> memref<24x2048xf32, #tpu.memory_space<vmem>>
    %dma_wait3A_458 = arith.constant 0 : i32
    %dma_wait3A_459 = tpu.memref_slice %arg4[%add3A_444, %dma_wait3A_458] : memref<16384x2048xf32, #tpu.memory_space<hbm>> -> memref<24x2048xf32, #tpu.memory_space<hbm>>
    %dma_wait3A_460 = arith.constant 0 : i32
    %dma_wait3A_461 = tpu.memref_slice %arg4[%add3A_444, %dma_wait3A_460] : memref<16384x2048xf32, #tpu.memory_space<hbm>> -> memref<24x2048xf32, #tpu.memory_space<hbm>>
    %dma_wait3A_462 = arith.constant 0 : i32
    %dma_wait3A_463 = arith.constant 0 : i32
    %dma_wait3A_464 = tpu.memref_slice %arg7[%dma_wait3A_462, %dma_wait3A_463] : memref<24x2048xf32, #tpu.memory_space<vmem>> -> memref<24x2048xf32, #tpu.memory_space<vmem>>
    tpu.wait_dma2 semaphore(%arg11 : memref<!tpu.dma_semaphore, #tpu.memory_space<semaphore_mem>>) src(%dma_wait3A_464 : memref<24x2048xf32, #tpu.memory_space<vmem>>) dst(%dma_wait3A_461 : memref<24x2048xf32, #tpu.memory_space<hbm>>)
    %dma_start3A_465 = arith.constant 0 : i32
    %dma_start3A_466 = arith.constant 0 : i32
    %dma_start3A_467 = tpu.memref_slice %arg7[%dma_start3A_465, %dma_start3A_466] : memref<24x2048xf32, #tpu.memory_space<vmem>> -> memref<24x2048xf32, #tpu.memory_space<vmem>>
    %dma_start3A_468 = arith.constant 312 : i32
    %dma_start3A_469 = tpu.memref_slice %arg5[%dma_start3A_468] : memref<512xi32, #tpu.memory_space<vmem>> -> memref<24xi32, #tpu.memory_space<vmem>>
    %dma_start3A_470 = arith.constant 0 : i32
    %dma_start3A_471 = arith.constant 0 : i32
    %dma_start3A_472 = tpu.memref_slice %arg3[%dma_start3A_470, %dma_start3A_471] : memref<50304x2048xf32, #tpu.memory_space<hbm>> -> memref<50304x2048xf32, #tpu.memory_space<hbm>>
    tpu.enqueue_indirect_dma source(%dma_start3A_472 : memref<50304x2048xf32, #tpu.memory_space<hbm>>) target(%dma_start3A_467 : memref<24x2048xf32, #tpu.memory_space<vmem>>) offsets(%dma_start3A_469 : memref<24xi32, #tpu.memory_space<vmem>>) semaphore(%arg9 : memref<!tpu.dma_semaphore, #tpu.memory_space<semaphore_mem>>)
    %dma_wait3A_473 = arith.constant 0 : i32
    %dma_wait3A_474 = arith.constant 0 : i32
    %dma_wait3A_475 = tpu.memref_slice %arg6[%dma_wait3A_473, %dma_wait3A_474] : memref<24x2048xf32, #tpu.memory_space<vmem>> -> memref<24x2048xf32, #tpu.memory_space<vmem>>
    %dma_wait3A_476 = arith.constant 288 : i32
    %dma_wait3A_477 = tpu.memref_slice %arg5[%dma_wait3A_476] : memref<512xi32, #tpu.memory_space<vmem>> -> memref<24xi32, #tpu.memory_space<vmem>>
    %dma_wait3A_478 = arith.constant 0 : i32
    %dma_wait3A_479 = arith.constant 0 : i32
    %dma_wait3A_480 = tpu.memref_slice %arg3[%dma_wait3A_478, %dma_wait3A_479] : memref<50304x2048xf32, #tpu.memory_space<hbm>> -> memref<50304x2048xf32, #tpu.memory_space<hbm>>
    tpu.wait_indirect_dma semaphore(%arg8 : memref<!tpu.dma_semaphore, #tpu.memory_space<semaphore_mem>>) src(%dma_wait3A_480 : memref<50304x2048xf32, #tpu.memory_space<hbm>>) dst(%dma_wait3A_475 : memref<24x2048xf32, #tpu.memory_space<vmem>>)
    %add3A_481 = arith.constant 288 : i32
    %add3A_482 = arith.addi %mul3A_2, %add3A_481 : i32
    %dma_start3A_483 = arith.constant 0 : i32
    %dma_start3A_484 = arith.constant 0 : i32
    %dma_start3A_485 = tpu.memref_slice %arg6[%dma_start3A_483, %dma_start3A_484] : memref<24x2048xf32, #tpu.memory_space<vmem>> -> memref<24x2048xf32, #tpu.memory_space<vmem>>
    %dma_start3A_486 = arith.constant 0 : i32
    %dma_start3A_487 = tpu.memref_slice %arg4[%add3A_482, %dma_start3A_486] : memref<16384x2048xf32, #tpu.memory_space<hbm>> -> memref<24x2048xf32, #tpu.memory_space<hbm>>
    %dma_start3A_488 = arith.constant 0 : i32
    %dma_start3A_489 = tpu.memref_slice %arg4[%add3A_482, %dma_start3A_488] : memref<16384x2048xf32, #tpu.memory_space<hbm>> -> memref<24x2048xf32, #tpu.memory_space<hbm>>
    %dma_start3A_490 = arith.constant 0 : i32
    %dma_start3A_491 = arith.constant 0 : i32
    %dma_start3A_492 = tpu.memref_slice %arg6[%dma_start3A_490, %dma_start3A_491] : memref<24x2048xf32, #tpu.memory_space<vmem>> -> memref<24x2048xf32, #tpu.memory_space<vmem>>
    tpu.enqueue_dma source(%dma_start3A_492 : memref<24x2048xf32, #tpu.memory_space<vmem>>) target(%dma_start3A_489 : memref<24x2048xf32, #tpu.memory_space<hbm>>) target_semaphore(%arg10 : memref<!tpu.dma_semaphore, #tpu.memory_space<semaphore_mem>>)
    %dma_wait3A_493 = arith.constant 0 : i32
    %dma_wait3A_494 = arith.constant 0 : i32
    %dma_wait3A_495 = tpu.memref_slice %arg6[%dma_wait3A_493, %dma_wait3A_494] : memref<24x2048xf32, #tpu.memory_space<vmem>> -> memref<24x2048xf32, #tpu.memory_space<vmem>>
    %dma_wait3A_496 = arith.constant 0 : i32
    %dma_wait3A_497 = tpu.memref_slice %arg4[%add3A_482, %dma_wait3A_496] : memref<16384x2048xf32, #tpu.memory_space<hbm>> -> memref<24x2048xf32, #tpu.memory_space<hbm>>
    %dma_wait3A_498 = arith.constant 0 : i32
    %dma_wait3A_499 = tpu.memref_slice %arg4[%add3A_482, %dma_wait3A_498] : memref<16384x2048xf32, #tpu.memory_space<hbm>> -> memref<24x2048xf32, #tpu.memory_space<hbm>>
    %dma_wait3A_500 = arith.constant 0 : i32
    %dma_wait3A_501 = arith.constant 0 : i32
    %dma_wait3A_502 = tpu.memref_slice %arg6[%dma_wait3A_500, %dma_wait3A_501] : memref<24x2048xf32, #tpu.memory_space<vmem>> -> memref<24x2048xf32, #tpu.memory_space<vmem>>
    tpu.wait_dma2 semaphore(%arg10 : memref<!tpu.dma_semaphore, #tpu.memory_space<semaphore_mem>>) src(%dma_wait3A_502 : memref<24x2048xf32, #tpu.memory_space<vmem>>) dst(%dma_wait3A_499 : memref<24x2048xf32, #tpu.memory_space<hbm>>)
    %dma_start3A_503 = arith.constant 0 : i32
    %dma_start3A_504 = arith.constant 0 : i32
    %dma_start3A_505 = tpu.memref_slice %arg6[%dma_start3A_503, %dma_start3A_504] : memref<24x2048xf32, #tpu.memory_space<vmem>> -> memref<24x2048xf32, #tpu.memory_space<vmem>>
    %dma_start3A_506 = arith.constant 336 : i32
    %dma_start3A_507 = tpu.memref_slice %arg5[%dma_start3A_506] : memref<512xi32, #tpu.memory_space<vmem>> -> memref<24xi32, #tpu.memory_space<vmem>>
    %dma_start3A_508 = arith.constant 0 : i32
    %dma_start3A_509 = arith.constant 0 : i32
    %dma_start3A_510 = tpu.memref_slice %arg3[%dma_start3A_508, %dma_start3A_509] : memref<50304x2048xf32, #tpu.memory_space<hbm>> -> memref<50304x2048xf32, #tpu.memory_space<hbm>>
    tpu.enqueue_indirect_dma source(%dma_start3A_510 : memref<50304x2048xf32, #tpu.memory_space<hbm>>) target(%dma_start3A_505 : memref<24x2048xf32, #tpu.memory_space<vmem>>) offsets(%dma_start3A_507 : memref<24xi32, #tpu.memory_space<vmem>>) semaphore(%arg8 : memref<!tpu.dma_semaphore, #tpu.memory_space<semaphore_mem>>)
    %dma_wait3A_511 = arith.constant 0 : i32
    %dma_wait3A_512 = arith.constant 0 : i32
    %dma_wait3A_513 = tpu.memref_slice %arg7[%dma_wait3A_511, %dma_wait3A_512] : memref<24x2048xf32, #tpu.memory_space<vmem>> -> memref<24x2048xf32, #tpu.memory_space<vmem>>
    %dma_wait3A_514 = arith.constant 312 : i32
    %dma_wait3A_515 = tpu.memref_slice %arg5[%dma_wait3A_514] : memref<512xi32, #tpu.memory_space<vmem>> -> memref<24xi32, #tpu.memory_space<vmem>>
    %dma_wait3A_516 = arith.constant 0 : i32
    %dma_wait3A_517 = arith.constant 0 : i32
    %dma_wait3A_518 = tpu.memref_slice %arg3[%dma_wait3A_516, %dma_wait3A_517] : memref<50304x2048xf32, #tpu.memory_space<hbm>> -> memref<50304x2048xf32, #tpu.memory_space<hbm>>
    tpu.wait_indirect_dma semaphore(%arg9 : memref<!tpu.dma_semaphore, #tpu.memory_space<semaphore_mem>>) src(%dma_wait3A_518 : memref<50304x2048xf32, #tpu.memory_space<hbm>>) dst(%dma_wait3A_513 : memref<24x2048xf32, #tpu.memory_space<vmem>>)
    %add3A_519 = arith.constant 312 : i32
    %add3A_520 = arith.addi %mul3A_2, %add3A_519 : i32
    %dma_start3A_521 = arith.constant 0 : i32
    %dma_start3A_522 = arith.constant 0 : i32
    %dma_start3A_523 = tpu.memref_slice %arg7[%dma_start3A_521, %dma_start3A_522] : memref<24x2048xf32, #tpu.memory_space<vmem>> -> memref<24x2048xf32, #tpu.memory_space<vmem>>
    %dma_start3A_524 = arith.constant 0 : i32
    %dma_start3A_525 = tpu.memref_slice %arg4[%add3A_520, %dma_start3A_524] : memref<16384x2048xf32, #tpu.memory_space<hbm>> -> memref<24x2048xf32, #tpu.memory_space<hbm>>
    %dma_start3A_526 = arith.constant 0 : i32
    %dma_start3A_527 = tpu.memref_slice %arg4[%add3A_520, %dma_start3A_526] : memref<16384x2048xf32, #tpu.memory_space<hbm>> -> memref<24x2048xf32, #tpu.memory_space<hbm>>
    %dma_start3A_528 = arith.constant 0 : i32
    %dma_start3A_529 = arith.constant 0 : i32
    %dma_start3A_530 = tpu.memref_slice %arg7[%dma_start3A_528, %dma_start3A_529] : memref<24x2048xf32, #tpu.memory_space<vmem>> -> memref<24x2048xf32, #tpu.memory_space<vmem>>
    tpu.enqueue_dma source(%dma_start3A_530 : memref<24x2048xf32, #tpu.memory_space<vmem>>) target(%dma_start3A_527 : memref<24x2048xf32, #tpu.memory_space<hbm>>) target_semaphore(%arg11 : memref<!tpu.dma_semaphore, #tpu.memory_space<semaphore_mem>>)
    %dma_wait3A_531 = arith.constant 0 : i32
    %dma_wait3A_532 = arith.constant 0 : i32
    %dma_wait3A_533 = tpu.memref_slice %arg7[%dma_wait3A_531, %dma_wait3A_532] : memref<24x2048xf32, #tpu.memory_space<vmem>> -> memref<24x2048xf32, #tpu.memory_space<vmem>>
    %dma_wait3A_534 = arith.constant 0 : i32
    %dma_wait3A_535 = tpu.memref_slice %arg4[%add3A_520, %dma_wait3A_534] : memref<16384x2048xf32, #tpu.memory_space<hbm>> -> memref<24x2048xf32, #tpu.memory_space<hbm>>
    %dma_wait3A_536 = arith.constant 0 : i32
    %dma_wait3A_537 = tpu.memref_slice %arg4[%add3A_520, %dma_wait3A_536] : memref<16384x2048xf32, #tpu.memory_space<hbm>> -> memref<24x2048xf32, #tpu.memory_space<hbm>>
    %dma_wait3A_538 = arith.constant 0 : i32
    %dma_wait3A_539 = arith.constant 0 : i32
    %dma_wait3A_540 = tpu.memref_slice %arg7[%dma_wait3A_538, %dma_wait3A_539] : memref<24x2048xf32, #tpu.memory_space<vmem>> -> memref<24x2048xf32, #tpu.memory_space<vmem>>
    tpu.wait_dma2 semaphore(%arg11 : memref<!tpu.dma_semaphore, #tpu.memory_space<semaphore_mem>>) src(%dma_wait3A_540 : memref<24x2048xf32, #tpu.memory_space<vmem>>) dst(%dma_wait3A_537 : memref<24x2048xf32, #tpu.memory_space<hbm>>)
    %dma_start3A_541 = arith.constant 0 : i32
    %dma_start3A_542 = arith.constant 0 : i32
    %dma_start3A_543 = tpu.memref_slice %arg7[%dma_start3A_541, %dma_start3A_542] : memref<24x2048xf32, #tpu.memory_space<vmem>> -> memref<24x2048xf32, #tpu.memory_space<vmem>>
    %dma_start3A_544 = arith.constant 360 : i32
    %dma_start3A_545 = tpu.memref_slice %arg5[%dma_start3A_544] : memref<512xi32, #tpu.memory_space<vmem>> -> memref<24xi32, #tpu.memory_space<vmem>>
    %dma_start3A_546 = arith.constant 0 : i32
    %dma_start3A_547 = arith.constant 0 : i32
    %dma_start3A_548 = tpu.memref_slice %arg3[%dma_start3A_546, %dma_start3A_547] : memref<50304x2048xf32, #tpu.memory_space<hbm>> -> memref<50304x2048xf32, #tpu.memory_space<hbm>>
    tpu.enqueue_indirect_dma source(%dma_start3A_548 : memref<50304x2048xf32, #tpu.memory_space<hbm>>) target(%dma_start3A_543 : memref<24x2048xf32, #tpu.memory_space<vmem>>) offsets(%dma_start3A_545 : memref<24xi32, #tpu.memory_space<vmem>>) semaphore(%arg9 : memref<!tpu.dma_semaphore, #tpu.memory_space<semaphore_mem>>)
    %dma_wait3A_549 = arith.constant 0 : i32
    %dma_wait3A_550 = arith.constant 0 : i32
    %dma_wait3A_551 = tpu.memref_slice %arg6[%dma_wait3A_549, %dma_wait3A_550] : memref<24x2048xf32, #tpu.memory_space<vmem>> -> memref<24x2048xf32, #tpu.memory_space<vmem>>
    %dma_wait3A_552 = arith.constant 336 : i32
    %dma_wait3A_553 = tpu.memref_slice %arg5[%dma_wait3A_552] : memref<512xi32, #tpu.memory_space<vmem>> -> memref<24xi32, #tpu.memory_space<vmem>>
    %dma_wait3A_554 = arith.constant 0 : i32
    %dma_wait3A_555 = arith.constant 0 : i32
    %dma_wait3A_556 = tpu.memref_slice %arg3[%dma_wait3A_554, %dma_wait3A_555] : memref<50304x2048xf32, #tpu.memory_space<hbm>> -> memref<50304x2048xf32, #tpu.memory_space<hbm>>
    tpu.wait_indirect_dma semaphore(%arg8 : memref<!tpu.dma_semaphore, #tpu.memory_space<semaphore_mem>>) src(%dma_wait3A_556 : memref<50304x2048xf32, #tpu.memory_space<hbm>>) dst(%dma_wait3A_551 : memref<24x2048xf32, #tpu.memory_space<vmem>>)
    %add3A_557 = arith.constant 336 : i32
    %add3A_558 = arith.addi %mul3A_2, %add3A_557 : i32
    %dma_start3A_559 = arith.constant 0 : i32
    %dma_start3A_560 = arith.constant 0 : i32
    %dma_start3A_561 = tpu.memref_slice %arg6[%dma_start3A_559, %dma_start3A_560] : memref<24x2048xf32, #tpu.memory_space<vmem>> -> memref<24x2048xf32, #tpu.memory_space<vmem>>
    %dma_start3A_562 = arith.constant 0 : i32
    %dma_start3A_563 = tpu.memref_slice %arg4[%add3A_558, %dma_start3A_562] : memref<16384x2048xf32, #tpu.memory_space<hbm>> -> memref<24x2048xf32, #tpu.memory_space<hbm>>
    %dma_start3A_564 = arith.constant 0 : i32
    %dma_start3A_565 = tpu.memref_slice %arg4[%add3A_558, %dma_start3A_564] : memref<16384x2048xf32, #tpu.memory_space<hbm>> -> memref<24x2048xf32, #tpu.memory_space<hbm>>
    %dma_start3A_566 = arith.constant 0 : i32
    %dma_start3A_567 = arith.constant 0 : i32
    %dma_start3A_568 = tpu.memref_slice %arg6[%dma_start3A_566, %dma_start3A_567] : memref<24x2048xf32, #tpu.memory_space<vmem>> -> memref<24x2048xf32, #tpu.memory_space<vmem>>
    tpu.enqueue_dma source(%dma_start3A_568 : memref<24x2048xf32, #tpu.memory_space<vmem>>) target(%dma_start3A_565 : memref<24x2048xf32, #tpu.memory_space<hbm>>) target_semaphore(%arg10 : memref<!tpu.dma_semaphore, #tpu.memory_space<semaphore_mem>>)
    %dma_wait3A_569 = arith.constant 0 : i32
    %dma_wait3A_570 = arith.constant 0 : i32
    %dma_wait3A_571 = tpu.memref_slice %arg6[%dma_wait3A_569, %dma_wait3A_570] : memref<24x2048xf32, #tpu.memory_space<vmem>> -> memref<24x2048xf32, #tpu.memory_space<vmem>>
    %dma_wait3A_572 = arith.constant 0 : i32
    %dma_wait3A_573 = tpu.memref_slice %arg4[%add3A_558, %dma_wait3A_572] : memref<16384x2048xf32, #tpu.memory_space<hbm>> -> memref<24x2048xf32, #tpu.memory_space<hbm>>
    %dma_wait3A_574 = arith.constant 0 : i32
    %dma_wait3A_575 = tpu.memref_slice %arg4[%add3A_558, %dma_wait3A_574] : memref<16384x2048xf32, #tpu.memory_space<hbm>> -> memref<24x2048xf32, #tpu.memory_space<hbm>>
    %dma_wait3A_576 = arith.constant 0 : i32
    %dma_wait3A_577 = arith.constant 0 : i32
    %dma_wait3A_578 = tpu.memref_slice %arg6[%dma_wait3A_576, %dma_wait3A_577] : memref<24x2048xf32, #tpu.memory_space<vmem>> -> memref<24x2048xf32, #tpu.memory_space<vmem>>
    tpu.wait_dma2 semaphore(%arg10 : memref<!tpu.dma_semaphore, #tpu.memory_space<semaphore_mem>>) src(%dma_wait3A_578 : memref<24x2048xf32, #tpu.memory_space<vmem>>) dst(%dma_wait3A_575 : memref<24x2048xf32, #tpu.memory_space<hbm>>)
    %dma_start3A_579 = arith.constant 0 : i32
    %dma_start3A_580 = arith.constant 0 : i32
    %dma_start3A_581 = tpu.memref_slice %arg6[%dma_start3A_579, %dma_start3A_580] : memref<24x2048xf32, #tpu.memory_space<vmem>> -> memref<24x2048xf32, #tpu.memory_space<vmem>>
    %dma_start3A_582 = arith.constant 384 : i32
    %dma_start3A_583 = tpu.memref_slice %arg5[%dma_start3A_582] : memref<512xi32, #tpu.memory_space<vmem>> -> memref<24xi32, #tpu.memory_space<vmem>>
    %dma_start3A_584 = arith.constant 0 : i32
    %dma_start3A_585 = arith.constant 0 : i32
    %dma_start3A_586 = tpu.memref_slice %arg3[%dma_start3A_584, %dma_start3A_585] : memref<50304x2048xf32, #tpu.memory_space<hbm>> -> memref<50304x2048xf32, #tpu.memory_space<hbm>>
    tpu.enqueue_indirect_dma source(%dma_start3A_586 : memref<50304x2048xf32, #tpu.memory_space<hbm>>) target(%dma_start3A_581 : memref<24x2048xf32, #tpu.memory_space<vmem>>) offsets(%dma_start3A_583 : memref<24xi32, #tpu.memory_space<vmem>>) semaphore(%arg8 : memref<!tpu.dma_semaphore, #tpu.memory_space<semaphore_mem>>)
    %dma_wait3A_587 = arith.constant 0 : i32
    %dma_wait3A_588 = arith.constant 0 : i32
    %dma_wait3A_589 = tpu.memref_slice %arg7[%dma_wait3A_587, %dma_wait3A_588] : memref<24x2048xf32, #tpu.memory_space<vmem>> -> memref<24x2048xf32, #tpu.memory_space<vmem>>
    %dma_wait3A_590 = arith.constant 360 : i32
    %dma_wait3A_591 = tpu.memref_slice %arg5[%dma_wait3A_590] : memref<512xi32, #tpu.memory_space<vmem>> -> memref<24xi32, #tpu.memory_space<vmem>>
    %dma_wait3A_592 = arith.constant 0 : i32
    %dma_wait3A_593 = arith.constant 0 : i32
    %dma_wait3A_594 = tpu.memref_slice %arg3[%dma_wait3A_592, %dma_wait3A_593] : memref<50304x2048xf32, #tpu.memory_space<hbm>> -> memref<50304x2048xf32, #tpu.memory_space<hbm>>
    tpu.wait_indirect_dma semaphore(%arg9 : memref<!tpu.dma_semaphore, #tpu.memory_space<semaphore_mem>>) src(%dma_wait3A_594 : memref<50304x2048xf32, #tpu.memory_space<hbm>>) dst(%dma_wait3A_589 : memref<24x2048xf32, #tpu.memory_space<vmem>>)
    %add3A_595 = arith.constant 360 : i32
    %add3A_596 = arith.addi %mul3A_2, %add3A_595 : i32
    %dma_start3A_597 = arith.constant 0 : i32
    %dma_start3A_598 = arith.constant 0 : i32
    %dma_start3A_599 = tpu.memref_slice %arg7[%dma_start3A_597, %dma_start3A_598] : memref<24x2048xf32, #tpu.memory_space<vmem>> -> memref<24x2048xf32, #tpu.memory_space<vmem>>
    %dma_start3A_600 = arith.constant 0 : i32
    %dma_start3A_601 = tpu.memref_slice %arg4[%add3A_596, %dma_start3A_600] : memref<16384x2048xf32, #tpu.memory_space<hbm>> -> memref<24x2048xf32, #tpu.memory_space<hbm>>
    %dma_start3A_602 = arith.constant 0 : i32
    %dma_start3A_603 = tpu.memref_slice %arg4[%add3A_596, %dma_start3A_602] : memref<16384x2048xf32, #tpu.memory_space<hbm>> -> memref<24x2048xf32, #tpu.memory_space<hbm>>
    %dma_start3A_604 = arith.constant 0 : i32
    %dma_start3A_605 = arith.constant 0 : i32
    %dma_start3A_606 = tpu.memref_slice %arg7[%dma_start3A_604, %dma_start3A_605] : memref<24x2048xf32, #tpu.memory_space<vmem>> -> memref<24x2048xf32, #tpu.memory_space<vmem>>
    tpu.enqueue_dma source(%dma_start3A_606 : memref<24x2048xf32, #tpu.memory_space<vmem>>) target(%dma_start3A_603 : memref<24x2048xf32, #tpu.memory_space<hbm>>) target_semaphore(%arg11 : memref<!tpu.dma_semaphore, #tpu.memory_space<semaphore_mem>>)
    %dma_wait3A_607 = arith.constant 0 : i32
    %dma_wait3A_608 = arith.constant 0 : i32
    %dma_wait3A_609 = tpu.memref_slice %arg7[%dma_wait3A_607, %dma_wait3A_608] : memref<24x2048xf32, #tpu.memory_space<vmem>> -> memref<24x2048xf32, #tpu.memory_space<vmem>>
    %dma_wait3A_610 = arith.constant 0 : i32
    %dma_wait3A_611 = tpu.memref_slice %arg4[%add3A_596, %dma_wait3A_610] : memref<16384x2048xf32, #tpu.memory_space<hbm>> -> memref<24x2048xf32, #tpu.memory_space<hbm>>
    %dma_wait3A_612 = arith.constant 0 : i32
    %dma_wait3A_613 = tpu.memref_slice %arg4[%add3A_596, %dma_wait3A_612] : memref<16384x2048xf32, #tpu.memory_space<hbm>> -> memref<24x2048xf32, #tpu.memory_space<hbm>>
    %dma_wait3A_614 = arith.constant 0 : i32
    %dma_wait3A_615 = arith.constant 0 : i32
    %dma_wait3A_616 = tpu.memref_slice %arg7[%dma_wait3A_614, %dma_wait3A_615] : memref<24x2048xf32, #tpu.memory_space<vmem>> -> memref<24x2048xf32, #tpu.memory_space<vmem>>
    tpu.wait_dma2 semaphore(%arg11 : memref<!tpu.dma_semaphore, #tpu.memory_space<semaphore_mem>>) src(%dma_wait3A_616 : memref<24x2048xf32, #tpu.memory_space<vmem>>) dst(%dma_wait3A_613 : memref<24x2048xf32, #tpu.memory_space<hbm>>)
    %dma_start3A_617 = arith.constant 0 : i32
    %dma_start3A_618 = arith.constant 0 : i32
    %dma_start3A_619 = tpu.memref_slice %arg7[%dma_start3A_617, %dma_start3A_618] : memref<24x2048xf32, #tpu.memory_space<vmem>> -> memref<24x2048xf32, #tpu.memory_space<vmem>>
    %dma_start3A_620 = arith.constant 408 : i32
    %dma_start3A_621 = tpu.memref_slice %arg5[%dma_start3A_620] : memref<512xi32, #tpu.memory_space<vmem>> -> memref<24xi32, #tpu.memory_space<vmem>>
    %dma_start3A_622 = arith.constant 0 : i32
    %dma_start3A_623 = arith.constant 0 : i32
    %dma_start3A_624 = tpu.memref_slice %arg3[%dma_start3A_622, %dma_start3A_623] : memref<50304x2048xf32, #tpu.memory_space<hbm>> -> memref<50304x2048xf32, #tpu.memory_space<hbm>>
    tpu.enqueue_indirect_dma source(%dma_start3A_624 : memref<50304x2048xf32, #tpu.memory_space<hbm>>) target(%dma_start3A_619 : memref<24x2048xf32, #tpu.memory_space<vmem>>) offsets(%dma_start3A_621 : memref<24xi32, #tpu.memory_space<vmem>>) semaphore(%arg9 : memref<!tpu.dma_semaphore, #tpu.memory_space<semaphore_mem>>)
    %dma_wait3A_625 = arith.constant 0 : i32
    %dma_wait3A_626 = arith.constant 0 : i32
    %dma_wait3A_627 = tpu.memref_slice %arg6[%dma_wait3A_625, %dma_wait3A_626] : memref<24x2048xf32, #tpu.memory_space<vmem>> -> memref<24x2048xf32, #tpu.memory_space<vmem>>
    %dma_wait3A_628 = arith.constant 384 : i32
    %dma_wait3A_629 = tpu.memref_slice %arg5[%dma_wait3A_628] : memref<512xi32, #tpu.memory_space<vmem>> -> memref<24xi32, #tpu.memory_space<vmem>>
    %dma_wait3A_630 = arith.constant 0 : i32
    %dma_wait3A_631 = arith.constant 0 : i32
    %dma_wait3A_632 = tpu.memref_slice %arg3[%dma_wait3A_630, %dma_wait3A_631] : memref<50304x2048xf32, #tpu.memory_space<hbm>> -> memref<50304x2048xf32, #tpu.memory_space<hbm>>
    tpu.wait_indirect_dma semaphore(%arg8 : memref<!tpu.dma_semaphore, #tpu.memory_space<semaphore_mem>>) src(%dma_wait3A_632 : memref<50304x2048xf32, #tpu.memory_space<hbm>>) dst(%dma_wait3A_627 : memref<24x2048xf32, #tpu.memory_space<vmem>>)
    %add3A_633 = arith.constant 384 : i32
    %add3A_634 = arith.addi %mul3A_2, %add3A_633 : i32
    %dma_start3A_635 = arith.constant 0 : i32
    %dma_start3A_636 = arith.constant 0 : i32
    %dma_start3A_637 = tpu.memref_slice %arg6[%dma_start3A_635, %dma_start3A_636] : memref<24x2048xf32, #tpu.memory_space<vmem>> -> memref<24x2048xf32, #tpu.memory_space<vmem>>
    %dma_start3A_638 = arith.constant 0 : i32
    %dma_start3A_639 = tpu.memref_slice %arg4[%add3A_634, %dma_start3A_638] : memref<16384x2048xf32, #tpu.memory_space<hbm>> -> memref<24x2048xf32, #tpu.memory_space<hbm>>
    %dma_start3A_640 = arith.constant 0 : i32
    %dma_start3A_641 = tpu.memref_slice %arg4[%add3A_634, %dma_start3A_640] : memref<16384x2048xf32, #tpu.memory_space<hbm>> -> memref<24x2048xf32, #tpu.memory_space<hbm>>
    %dma_start3A_642 = arith.constant 0 : i32
    %dma_start3A_643 = arith.constant 0 : i32
    %dma_start3A_644 = tpu.memref_slice %arg6[%dma_start3A_642, %dma_start3A_643] : memref<24x2048xf32, #tpu.memory_space<vmem>> -> memref<24x2048xf32, #tpu.memory_space<vmem>>
    tpu.enqueue_dma source(%dma_start3A_644 : memref<24x2048xf32, #tpu.memory_space<vmem>>) target(%dma_start3A_641 : memref<24x2048xf32, #tpu.memory_space<hbm>>) target_semaphore(%arg10 : memref<!tpu.dma_semaphore, #tpu.memory_space<semaphore_mem>>)
    %dma_wait3A_645 = arith.constant 0 : i32
    %dma_wait3A_646 = arith.constant 0 : i32
    %dma_wait3A_647 = tpu.memref_slice %arg6[%dma_wait3A_645, %dma_wait3A_646] : memref<24x2048xf32, #tpu.memory_space<vmem>> -> memref<24x2048xf32, #tpu.memory_space<vmem>>
    %dma_wait3A_648 = arith.constant 0 : i32
    %dma_wait3A_649 = tpu.memref_slice %arg4[%add3A_634, %dma_wait3A_648] : memref<16384x2048xf32, #tpu.memory_space<hbm>> -> memref<24x2048xf32, #tpu.memory_space<hbm>>
    %dma_wait3A_650 = arith.constant 0 : i32
    %dma_wait3A_651 = tpu.memref_slice %arg4[%add3A_634, %dma_wait3A_650] : memref<16384x2048xf32, #tpu.memory_space<hbm>> -> memref<24x2048xf32, #tpu.memory_space<hbm>>
    %dma_wait3A_652 = arith.constant 0 : i32
    %dma_wait3A_653 = arith.constant 0 : i32
    %dma_wait3A_654 = tpu.memref_slice %arg6[%dma_wait3A_652, %dma_wait3A_653] : memref<24x2048xf32, #tpu.memory_space<vmem>> -> memref<24x2048xf32, #tpu.memory_space<vmem>>
    tpu.wait_dma2 semaphore(%arg10 : memref<!tpu.dma_semaphore, #tpu.memory_space<semaphore_mem>>) src(%dma_wait3A_654 : memref<24x2048xf32, #tpu.memory_space<vmem>>) dst(%dma_wait3A_651 : memref<24x2048xf32, #tpu.memory_space<hbm>>)
    %dma_start3A_655 = arith.constant 0 : i32
    %dma_start3A_656 = arith.constant 0 : i32
    %dma_start3A_657 = tpu.memref_slice %arg6[%dma_start3A_655, %dma_start3A_656] : memref<24x2048xf32, #tpu.memory_space<vmem>> -> memref<24x2048xf32, #tpu.memory_space<vmem>>
    %dma_start3A_658 = arith.constant 432 : i32
    %dma_start3A_659 = tpu.memref_slice %arg5[%dma_start3A_658] : memref<512xi32, #tpu.memory_space<vmem>> -> memref<24xi32, #tpu.memory_space<vmem>>
    %dma_start3A_660 = arith.constant 0 : i32
    %dma_start3A_661 = arith.constant 0 : i32
    %dma_start3A_662 = tpu.memref_slice %arg3[%dma_start3A_660, %dma_start3A_661] : memref<50304x2048xf32, #tpu.memory_space<hbm>> -> memref<50304x2048xf32, #tpu.memory_space<hbm>>
    tpu.enqueue_indirect_dma source(%dma_start3A_662 : memref<50304x2048xf32, #tpu.memory_space<hbm>>) target(%dma_start3A_657 : memref<24x2048xf32, #tpu.memory_space<vmem>>) offsets(%dma_start3A_659 : memref<24xi32, #tpu.memory_space<vmem>>) semaphore(%arg8 : memref<!tpu.dma_semaphore, #tpu.memory_space<semaphore_mem>>)
    %dma_wait3A_663 = arith.constant 0 : i32
    %dma_wait3A_664 = arith.constant 0 : i32
    %dma_wait3A_665 = tpu.memref_slice %arg7[%dma_wait3A_663, %dma_wait3A_664] : memref<24x2048xf32, #tpu.memory_space<vmem>> -> memref<24x2048xf32, #tpu.memory_space<vmem>>
    %dma_wait3A_666 = arith.constant 408 : i32
    %dma_wait3A_667 = tpu.memref_slice %arg5[%dma_wait3A_666] : memref<512xi32, #tpu.memory_space<vmem>> -> memref<24xi32, #tpu.memory_space<vmem>>
    %dma_wait3A_668 = arith.constant 0 : i32
    %dma_wait3A_669 = arith.constant 0 : i32
    %dma_wait3A_670 = tpu.memref_slice %arg3[%dma_wait3A_668, %dma_wait3A_669] : memref<50304x2048xf32, #tpu.memory_space<hbm>> -> memref<50304x2048xf32, #tpu.memory_space<hbm>>
    tpu.wait_indirect_dma semaphore(%arg9 : memref<!tpu.dma_semaphore, #tpu.memory_space<semaphore_mem>>) src(%dma_wait3A_670 : memref<50304x2048xf32, #tpu.memory_space<hbm>>) dst(%dma_wait3A_665 : memref<24x2048xf32, #tpu.memory_space<vmem>>)
    %add3A_671 = arith.constant 408 : i32
    %add3A_672 = arith.addi %mul3A_2, %add3A_671 : i32
    %dma_start3A_673 = arith.constant 0 : i32
    %dma_start3A_674 = arith.constant 0 : i32
    %dma_start3A_675 = tpu.memref_slice %arg7[%dma_start3A_673, %dma_start3A_674] : memref<24x2048xf32, #tpu.memory_space<vmem>> -> memref<24x2048xf32, #tpu.memory_space<vmem>>
    %dma_start3A_676 = arith.constant 0 : i32
    %dma_start3A_677 = tpu.memref_slice %arg4[%add3A_672, %dma_start3A_676] : memref<16384x2048xf32, #tpu.memory_space<hbm>> -> memref<24x2048xf32, #tpu.memory_space<hbm>>
    %dma_start3A_678 = arith.constant 0 : i32
    %dma_start3A_679 = tpu.memref_slice %arg4[%add3A_672, %dma_start3A_678] : memref<16384x2048xf32, #tpu.memory_space<hbm>> -> memref<24x2048xf32, #tpu.memory_space<hbm>>
    %dma_start3A_680 = arith.constant 0 : i32
    %dma_start3A_681 = arith.constant 0 : i32
    %dma_start3A_682 = tpu.memref_slice %arg7[%dma_start3A_680, %dma_start3A_681] : memref<24x2048xf32, #tpu.memory_space<vmem>> -> memref<24x2048xf32, #tpu.memory_space<vmem>>
    tpu.enqueue_dma source(%dma_start3A_682 : memref<24x2048xf32, #tpu.memory_space<vmem>>) target(%dma_start3A_679 : memref<24x2048xf32, #tpu.memory_space<hbm>>) target_semaphore(%arg11 : memref<!tpu.dma_semaphore, #tpu.memory_space<semaphore_mem>>)
    %dma_wait3A_683 = arith.constant 0 : i32
    %dma_wait3A_684 = arith.constant 0 : i32
    %dma_wait3A_685 = tpu.memref_slice %arg7[%dma_wait3A_683, %dma_wait3A_684] : memref<24x2048xf32, #tpu.memory_space<vmem>> -> memref<24x2048xf32, #tpu.memory_space<vmem>>
    %dma_wait3A_686 = arith.constant 0 : i32
    %dma_wait3A_687 = tpu.memref_slice %arg4[%add3A_672, %dma_wait3A_686] : memref<16384x2048xf32, #tpu.memory_space<hbm>> -> memref<24x2048xf32, #tpu.memory_space<hbm>>
    %dma_wait3A_688 = arith.constant 0 : i32
    %dma_wait3A_689 = tpu.memref_slice %arg4[%add3A_672, %dma_wait3A_688] : memref<16384x2048xf32, #tpu.memory_space<hbm>> -> memref<24x2048xf32, #tpu.memory_space<hbm>>
    %dma_wait3A_690 = arith.constant 0 : i32
    %dma_wait3A_691 = arith.constant 0 : i32
    %dma_wait3A_692 = tpu.memref_slice %arg7[%dma_wait3A_690, %dma_wait3A_691] : memref<24x2048xf32, #tpu.memory_space<vmem>> -> memref<24x2048xf32, #tpu.memory_space<vmem>>
    tpu.wait_dma2 semaphore(%arg11 : memref<!tpu.dma_semaphore, #tpu.memory_space<semaphore_mem>>) src(%dma_wait3A_692 : memref<24x2048xf32, #tpu.memory_space<vmem>>) dst(%dma_wait3A_689 : memref<24x2048xf32, #tpu.memory_space<hbm>>)
    %dma_start3A_693 = arith.constant 0 : i32
    %dma_start3A_694 = arith.constant 0 : i32
    %dma_start3A_695 = tpu.memref_slice %arg7[%dma_start3A_693, %dma_start3A_694] : memref<24x2048xf32, #tpu.memory_space<vmem>> -> memref<24x2048xf32, #tpu.memory_space<vmem>>
    %dma_start3A_696 = arith.constant 456 : i32
    %dma_start3A_697 = tpu.memref_slice %arg5[%dma_start3A_696] : memref<512xi32, #tpu.memory_space<vmem>> -> memref<24xi32, #tpu.memory_space<vmem>>
    %dma_start3A_698 = arith.constant 0 : i32
    %dma_start3A_699 = arith.constant 0 : i32
    %dma_start3A_700 = tpu.memref_slice %arg3[%dma_start3A_698, %dma_start3A_699] : memref<50304x2048xf32, #tpu.memory_space<hbm>> -> memref<50304x2048xf32, #tpu.memory_space<hbm>>
    tpu.enqueue_indirect_dma source(%dma_start3A_700 : memref<50304x2048xf32, #tpu.memory_space<hbm>>) target(%dma_start3A_695 : memref<24x2048xf32, #tpu.memory_space<vmem>>) offsets(%dma_start3A_697 : memref<24xi32, #tpu.memory_space<vmem>>) semaphore(%arg9 : memref<!tpu.dma_semaphore, #tpu.memory_space<semaphore_mem>>)
    %dma_wait3A_701 = arith.constant 0 : i32
    %dma_wait3A_702 = arith.constant 0 : i32
    %dma_wait3A_703 = tpu.memref_slice %arg6[%dma_wait3A_701, %dma_wait3A_702] : memref<24x2048xf32, #tpu.memory_space<vmem>> -> memref<24x2048xf32, #tpu.memory_space<vmem>>
    %dma_wait3A_704 = arith.constant 432 : i32
    %dma_wait3A_705 = tpu.memref_slice %arg5[%dma_wait3A_704] : memref<512xi32, #tpu.memory_space<vmem>> -> memref<24xi32, #tpu.memory_space<vmem>>
    %dma_wait3A_706 = arith.constant 0 : i32
    %dma_wait3A_707 = arith.constant 0 : i32
    %dma_wait3A_708 = tpu.memref_slice %arg3[%dma_wait3A_706, %dma_wait3A_707] : memref<50304x2048xf32, #tpu.memory_space<hbm>> -> memref<50304x2048xf32, #tpu.memory_space<hbm>>
    tpu.wait_indirect_dma semaphore(%arg8 : memref<!tpu.dma_semaphore, #tpu.memory_space<semaphore_mem>>) src(%dma_wait3A_708 : memref<50304x2048xf32, #tpu.memory_space<hbm>>) dst(%dma_wait3A_703 : memref<24x2048xf32, #tpu.memory_space<vmem>>)
    %add3A_709 = arith.constant 432 : i32
    %add3A_710 = arith.addi %mul3A_2, %add3A_709 : i32
    %dma_start3A_711 = arith.constant 0 : i32
    %dma_start3A_712 = arith.constant 0 : i32
    %dma_start3A_713 = tpu.memref_slice %arg6[%dma_start3A_711, %dma_start3A_712] : memref<24x2048xf32, #tpu.memory_space<vmem>> -> memref<24x2048xf32, #tpu.memory_space<vmem>>
    %dma_start3A_714 = arith.constant 0 : i32
    %dma_start3A_715 = tpu.memref_slice %arg4[%add3A_710, %dma_start3A_714] : memref<16384x2048xf32, #tpu.memory_space<hbm>> -> memref<24x2048xf32, #tpu.memory_space<hbm>>
    %dma_start3A_716 = arith.constant 0 : i32
    %dma_start3A_717 = tpu.memref_slice %arg4[%add3A_710, %dma_start3A_716] : memref<16384x2048xf32, #tpu.memory_space<hbm>> -> memref<24x2048xf32, #tpu.memory_space<hbm>>
    %dma_start3A_718 = arith.constant 0 : i32
    %dma_start3A_719 = arith.constant 0 : i32
    %dma_start3A_720 = tpu.memref_slice %arg6[%dma_start3A_718, %dma_start3A_719] : memref<24x2048xf32, #tpu.memory_space<vmem>> -> memref<24x2048xf32, #tpu.memory_space<vmem>>
    tpu.enqueue_dma source(%dma_start3A_720 : memref<24x2048xf32, #tpu.memory_space<vmem>>) target(%dma_start3A_717 : memref<24x2048xf32, #tpu.memory_space<hbm>>) target_semaphore(%arg10 : memref<!tpu.dma_semaphore, #tpu.memory_space<semaphore_mem>>)
    %dma_wait3A_721 = arith.constant 0 : i32
    %dma_wait3A_722 = arith.constant 0 : i32
    %dma_wait3A_723 = tpu.memref_slice %arg6[%dma_wait3A_721, %dma_wait3A_722] : memref<24x2048xf32, #tpu.memory_space<vmem>> -> memref<24x2048xf32, #tpu.memory_space<vmem>>
    %dma_wait3A_724 = arith.constant 0 : i32
    %dma_wait3A_725 = tpu.memref_slice %arg4[%add3A_710, %dma_wait3A_724] : memref<16384x2048xf32, #tpu.memory_space<hbm>> -> memref<24x2048xf32, #tpu.memory_space<hbm>>
    %dma_wait3A_726 = arith.constant 0 : i32
    %dma_wait3A_727 = tpu.memref_slice %arg4[%add3A_710, %dma_wait3A_726] : memref<16384x2048xf32, #tpu.memory_space<hbm>> -> memref<24x2048xf32, #tpu.memory_space<hbm>>
    %dma_wait3A_728 = arith.constant 0 : i32
    %dma_wait3A_729 = arith.constant 0 : i32
    %dma_wait3A_730 = tpu.memref_slice %arg6[%dma_wait3A_728, %dma_wait3A_729] : memref<24x2048xf32, #tpu.memory_space<vmem>> -> memref<24x2048xf32, #tpu.memory_space<vmem>>
    tpu.wait_dma2 semaphore(%arg10 : memref<!tpu.dma_semaphore, #tpu.memory_space<semaphore_mem>>) src(%dma_wait3A_730 : memref<24x2048xf32, #tpu.memory_space<vmem>>) dst(%dma_wait3A_727 : memref<24x2048xf32, #tpu.memory_space<hbm>>)
    %dma_start3A_731 = arith.constant 0 : i32
    %dma_start3A_732 = arith.constant 0 : i32
    %dma_start3A_733 = tpu.memref_slice %arg6[%dma_start3A_731, %dma_start3A_732] : memref<24x2048xf32, #tpu.memory_space<vmem>> -> memref<24x2048xf32, #tpu.memory_space<vmem>>
    %dma_start3A_734 = arith.constant 480 : i32
    %dma_start3A_735 = tpu.memref_slice %arg5[%dma_start3A_734] : memref<512xi32, #tpu.memory_space<vmem>> -> memref<24xi32, #tpu.memory_space<vmem>>
    %dma_start3A_736 = arith.constant 0 : i32
    %dma_start3A_737 = arith.constant 0 : i32
    %dma_start3A_738 = tpu.memref_slice %arg3[%dma_start3A_736, %dma_start3A_737] : memref<50304x2048xf32, #tpu.memory_space<hbm>> -> memref<50304x2048xf32, #tpu.memory_space<hbm>>
    tpu.enqueue_indirect_dma source(%dma_start3A_738 : memref<50304x2048xf32, #tpu.memory_space<hbm>>) target(%dma_start3A_733 : memref<24x2048xf32, #tpu.memory_space<vmem>>) offsets(%dma_start3A_735 : memref<24xi32, #tpu.memory_space<vmem>>) semaphore(%arg8 : memref<!tpu.dma_semaphore, #tpu.memory_space<semaphore_mem>>)
    %dma_wait3A_739 = arith.constant 0 : i32
    %dma_wait3A_740 = arith.constant 0 : i32
    %dma_wait3A_741 = tpu.memref_slice %arg7[%dma_wait3A_739, %dma_wait3A_740] : memref<24x2048xf32, #tpu.memory_space<vmem>> -> memref<24x2048xf32, #tpu.memory_space<vmem>>
    %dma_wait3A_742 = arith.constant 456 : i32
    %dma_wait3A_743 = tpu.memref_slice %arg5[%dma_wait3A_742] : memref<512xi32, #tpu.memory_space<vmem>> -> memref<24xi32, #tpu.memory_space<vmem>>
    %dma_wait3A_744 = arith.constant 0 : i32
    %dma_wait3A_745 = arith.constant 0 : i32
    %dma_wait3A_746 = tpu.memref_slice %arg3[%dma_wait3A_744, %dma_wait3A_745] : memref<50304x2048xf32, #tpu.memory_space<hbm>> -> memref<50304x2048xf32, #tpu.memory_space<hbm>>
    tpu.wait_indirect_dma semaphore(%arg9 : memref<!tpu.dma_semaphore, #tpu.memory_space<semaphore_mem>>) src(%dma_wait3A_746 : memref<50304x2048xf32, #tpu.memory_space<hbm>>) dst(%dma_wait3A_741 : memref<24x2048xf32, #tpu.memory_space<vmem>>)
    %add3A_747 = arith.constant 456 : i32
    %add3A_748 = arith.addi %mul3A_2, %add3A_747 : i32
    %dma_start3A_749 = arith.constant 0 : i32
    %dma_start3A_750 = arith.constant 0 : i32
    %dma_start3A_751 = tpu.memref_slice %arg7[%dma_start3A_749, %dma_start3A_750] : memref<24x2048xf32, #tpu.memory_space<vmem>> -> memref<24x2048xf32, #tpu.memory_space<vmem>>
    %dma_start3A_752 = arith.constant 0 : i32
    %dma_start3A_753 = tpu.memref_slice %arg4[%add3A_748, %dma_start3A_752] : memref<16384x2048xf32, #tpu.memory_space<hbm>> -> memref<24x2048xf32, #tpu.memory_space<hbm>>
    %dma_start3A_754 = arith.constant 0 : i32
    %dma_start3A_755 = tpu.memref_slice %arg4[%add3A_748, %dma_start3A_754] : memref<16384x2048xf32, #tpu.memory_space<hbm>> -> memref<24x2048xf32, #tpu.memory_space<hbm>>
    %dma_start3A_756 = arith.constant 0 : i32
    %dma_start3A_757 = arith.constant 0 : i32
    %dma_start3A_758 = tpu.memref_slice %arg7[%dma_start3A_756, %dma_start3A_757] : memref<24x2048xf32, #tpu.memory_space<vmem>> -> memref<24x2048xf32, #tpu.memory_space<vmem>>
    tpu.enqueue_dma source(%dma_start3A_758 : memref<24x2048xf32, #tpu.memory_space<vmem>>) target(%dma_start3A_755 : memref<24x2048xf32, #tpu.memory_space<hbm>>) target_semaphore(%arg11 : memref<!tpu.dma_semaphore, #tpu.memory_space<semaphore_mem>>)
    %dma_wait3A_759 = arith.constant 0 : i32
    %dma_wait3A_760 = arith.constant 0 : i32
    %dma_wait3A_761 = tpu.memref_slice %arg7[%dma_wait3A_759, %dma_wait3A_760] : memref<24x2048xf32, #tpu.memory_space<vmem>> -> memref<24x2048xf32, #tpu.memory_space<vmem>>
    %dma_wait3A_762 = arith.constant 0 : i32
    %dma_wait3A_763 = tpu.memref_slice %arg4[%add3A_748, %dma_wait3A_762] : memref<16384x2048xf32, #tpu.memory_space<hbm>> -> memref<24x2048xf32, #tpu.memory_space<hbm>>
    %dma_wait3A_764 = arith.constant 0 : i32
    %dma_wait3A_765 = tpu.memref_slice %arg4[%add3A_748, %dma_wait3A_764] : memref<16384x2048xf32, #tpu.memory_space<hbm>> -> memref<24x2048xf32, #tpu.memory_space<hbm>>
    %dma_wait3A_766 = arith.constant 0 : i32
    %dma_wait3A_767 = arith.constant 0 : i32
    %dma_wait3A_768 = tpu.memref_slice %arg7[%dma_wait3A_766, %dma_wait3A_767] : memref<24x2048xf32, #tpu.memory_space<vmem>> -> memref<24x2048xf32, #tpu.memory_space<vmem>>
    tpu.wait_dma2 semaphore(%arg11 : memref<!tpu.dma_semaphore, #tpu.memory_space<semaphore_mem>>) src(%dma_wait3A_768 : memref<24x2048xf32, #tpu.memory_space<vmem>>) dst(%dma_wait3A_765 : memref<24x2048xf32, #tpu.memory_space<hbm>>)
    %dma_start3A_769 = arith.constant 0 : i32
    %dma_start3A_770 = arith.constant 0 : i32
    %dma_start3A_771 = tpu.memref_slice %arg7[%dma_start3A_769, %dma_start3A_770] : memref<24x2048xf32, #tpu.memory_space<vmem>> -> memref<8x2048xf32, #tpu.memory_space<vmem>>
    %dma_start3A_772 = arith.constant 504 : i32
    %dma_start3A_773 = tpu.memref_slice %arg5[%dma_start3A_772] : memref<512xi32, #tpu.memory_space<vmem>> -> memref<8xi32, #tpu.memory_space<vmem>>
    %dma_start3A_774 = arith.constant 0 : i32
    %dma_start3A_775 = arith.constant 0 : i32
    %dma_start3A_776 = tpu.memref_slice %arg3[%dma_start3A_774, %dma_start3A_775] : memref<50304x2048xf32, #tpu.memory_space<hbm>> -> memref<50304x2048xf32, #tpu.memory_space<hbm>>
    tpu.enqueue_indirect_dma source(%dma_start3A_776 : memref<50304x2048xf32, #tpu.memory_space<hbm>>) target(%dma_start3A_771 : memref<8x2048xf32, #tpu.memory_space<vmem>>) offsets(%dma_start3A_773 : memref<8xi32, #tpu.memory_space<vmem>>) semaphore(%arg9 : memref<!tpu.dma_semaphore, #tpu.memory_space<semaphore_mem>>)
    %dma_wait3A_777 = arith.constant 0 : i32
    %dma_wait3A_778 = arith.constant 0 : i32
    %dma_wait3A_779 = tpu.memref_slice %arg6[%dma_wait3A_777, %dma_wait3A_778] : memref<24x2048xf32, #tpu.memory_space<vmem>> -> memref<24x2048xf32, #tpu.memory_space<vmem>>
    %dma_wait3A_780 = arith.constant 480 : i32
    %dma_wait3A_781 = tpu.memref_slice %arg5[%dma_wait3A_780] : memref<512xi32, #tpu.memory_space<vmem>> -> memref<24xi32, #tpu.memory_space<vmem>>
    %dma_wait3A_782 = arith.constant 0 : i32
    %dma_wait3A_783 = arith.constant 0 : i32
    %dma_wait3A_784 = tpu.memref_slice %arg3[%dma_wait3A_782, %dma_wait3A_783] : memref<50304x2048xf32, #tpu.memory_space<hbm>> -> memref<50304x2048xf32, #tpu.memory_space<hbm>>
    tpu.wait_indirect_dma semaphore(%arg8 : memref<!tpu.dma_semaphore, #tpu.memory_space<semaphore_mem>>) src(%dma_wait3A_784 : memref<50304x2048xf32, #tpu.memory_space<hbm>>) dst(%dma_wait3A_779 : memref<24x2048xf32, #tpu.memory_space<vmem>>)
    %add3A_785 = arith.constant 480 : i32
    %add3A_786 = arith.addi %mul3A_2, %add3A_785 : i32
    %dma_start3A_787 = arith.constant 0 : i32
    %dma_start3A_788 = arith.constant 0 : i32
    %dma_start3A_789 = tpu.memref_slice %arg6[%dma_start3A_787, %dma_start3A_788] : memref<24x2048xf32, #tpu.memory_space<vmem>> -> memref<24x2048xf32, #tpu.memory_space<vmem>>
    %dma_start3A_790 = arith.constant 0 : i32
    %dma_start3A_791 = tpu.memref_slice %arg4[%add3A_786, %dma_start3A_790] : memref<16384x2048xf32, #tpu.memory_space<hbm>> -> memref<24x2048xf32, #tpu.memory_space<hbm>>
    %dma_start3A_792 = arith.constant 0 : i32
    %dma_start3A_793 = tpu.memref_slice %arg4[%add3A_786, %dma_start3A_792] : memref<16384x2048xf32, #tpu.memory_space<hbm>> -> memref<24x2048xf32, #tpu.memory_space<hbm>>
    %dma_start3A_794 = arith.constant 0 : i32
    %dma_start3A_795 = arith.constant 0 : i32
    %dma_start3A_796 = tpu.memref_slice %arg6[%dma_start3A_794, %dma_start3A_795] : memref<24x2048xf32, #tpu.memory_space<vmem>> -> memref<24x2048xf32, #tpu.memory_space<vmem>>
    tpu.enqueue_dma source(%dma_start3A_796 : memref<24x2048xf32, #tpu.memory_space<vmem>>) target(%dma_start3A_793 : memref<24x2048xf32, #tpu.memory_space<hbm>>) target_semaphore(%arg10 : memref<!tpu.dma_semaphore, #tpu.memory_space<semaphore_mem>>)
    %dma_wait3A_797 = arith.constant 0 : i32
    %dma_wait3A_798 = arith.constant 0 : i32
    %dma_wait3A_799 = tpu.memref_slice %arg7[%dma_wait3A_797, %dma_wait3A_798] : memref<24x2048xf32, #tpu.memory_space<vmem>> -> memref<8x2048xf32, #tpu.memory_space<vmem>>
    %dma_wait3A_800 = arith.constant 504 : i32
    %dma_wait3A_801 = tpu.memref_slice %arg5[%dma_wait3A_800] : memref<512xi32, #tpu.memory_space<vmem>> -> memref<8xi32, #tpu.memory_space<vmem>>
    %dma_wait3A_802 = arith.constant 0 : i32
    %dma_wait3A_803 = arith.constant 0 : i32
    %dma_wait3A_804 = tpu.memref_slice %arg3[%dma_wait3A_802, %dma_wait3A_803] : memref<50304x2048xf32, #tpu.memory_space<hbm>> -> memref<50304x2048xf32, #tpu.memory_space<hbm>>
    tpu.wait_indirect_dma semaphore(%arg9 : memref<!tpu.dma_semaphore, #tpu.memory_space<semaphore_mem>>) src(%dma_wait3A_804 : memref<50304x2048xf32, #tpu.memory_space<hbm>>) dst(%dma_wait3A_799 : memref<8x2048xf32, #tpu.memory_space<vmem>>)
    %add3A_805 = arith.constant 504 : i32
    %add3A_806 = arith.addi %mul3A_2, %add3A_805 : i32
    %dma_start3A_807 = arith.constant 0 : i32
    %dma_start3A_808 = arith.constant 0 : i32
    %dma_start3A_809 = tpu.memref_slice %arg7[%dma_start3A_807, %dma_start3A_808] : memref<24x2048xf32, #tpu.memory_space<vmem>> -> memref<8x2048xf32, #tpu.memory_space<vmem>>
    %dma_start3A_810 = arith.constant 0 : i32
    %dma_start3A_811 = tpu.memref_slice %arg4[%add3A_806, %dma_start3A_810] : memref<16384x2048xf32, #tpu.memory_space<hbm>> -> memref<8x2048xf32, #tpu.memory_space<hbm>>
    %dma_start3A_812 = arith.constant 0 : i32
    %dma_start3A_813 = tpu.memref_slice %arg4[%add3A_806, %dma_start3A_812] : memref<16384x2048xf32, #tpu.memory_space<hbm>> -> memref<8x2048xf32, #tpu.memory_space<hbm>>
    %dma_start3A_814 = arith.constant 0 : i32
    %dma_start3A_815 = arith.constant 0 : i32
    %dma_start3A_816 = tpu.memref_slice %arg7[%dma_start3A_814, %dma_start3A_815] : memref<24x2048xf32, #tpu.memory_space<vmem>> -> memref<8x2048xf32, #tpu.memory_space<vmem>>
    tpu.enqueue_dma source(%dma_start3A_816 : memref<8x2048xf32, #tpu.memory_space<vmem>>) target(%dma_start3A_813 : memref<8x2048xf32, #tpu.memory_space<hbm>>) target_semaphore(%arg11 : memref<!tpu.dma_semaphore, #tpu.memory_space<semaphore_mem>>)
    %dma_wait3A_817 = arith.constant 0 : i32
    %dma_wait3A_818 = arith.constant 0 : i32
    %dma_wait3A_819 = tpu.memref_slice %arg6[%dma_wait3A_817, %dma_wait3A_818] : memref<24x2048xf32, #tpu.memory_space<vmem>> -> memref<24x2048xf32, #tpu.memory_space<vmem>>
    %dma_wait3A_820 = arith.constant 0 : i32
    %dma_wait3A_821 = tpu.memref_slice %arg4[%add3A_786, %dma_wait3A_820] : memref<16384x2048xf32, #tpu.memory_space<hbm>> -> memref<24x2048xf32, #tpu.memory_space<hbm>>
    %dma_wait3A_822 = arith.constant 0 : i32
    %dma_wait3A_823 = tpu.memref_slice %arg4[%add3A_786, %dma_wait3A_822] : memref<16384x2048xf32, #tpu.memory_space<hbm>> -> memref<24x2048xf32, #tpu.memory_space<hbm>>
    %dma_wait3A_824 = arith.constant 0 : i32
    %dma_wait3A_825 = arith.constant 0 : i32
    %dma_wait3A_826 = tpu.memref_slice %arg6[%dma_wait3A_824, %dma_wait3A_825] : memref<24x2048xf32, #tpu.memory_space<vmem>> -> memref<24x2048xf32, #tpu.memory_space<vmem>>
    tpu.wait_dma2 semaphore(%arg10 : memref<!tpu.dma_semaphore, #tpu.memory_space<semaphore_mem>>) src(%dma_wait3A_826 : memref<24x2048xf32, #tpu.memory_space<vmem>>) dst(%dma_wait3A_823 : memref<24x2048xf32, #tpu.memory_space<hbm>>)
    %dma_wait3A_827 = arith.constant 0 : i32
    %dma_wait3A_828 = arith.constant 0 : i32
    %dma_wait3A_829 = tpu.memref_slice %arg7[%dma_wait3A_827, %dma_wait3A_828] : memref<24x2048xf32, #tpu.memory_space<vmem>> -> memref<8x2048xf32, #tpu.memory_space<vmem>>
    %dma_wait3A_830 = arith.constant 0 : i32
    %dma_wait3A_831 = tpu.memref_slice %arg4[%add3A_806, %dma_wait3A_830] : memref<16384x2048xf32, #tpu.memory_space<hbm>> -> memref<8x2048xf32, #tpu.memory_space<hbm>>
    %dma_wait3A_832 = arith.constant 0 : i32
    %dma_wait3A_833 = tpu.memref_slice %arg4[%add3A_806, %dma_wait3A_832] : memref<16384x2048xf32, #tpu.memory_space<hbm>> -> memref<8x2048xf32, #tpu.memory_space<hbm>>
    %dma_wait3A_834 = arith.constant 0 : i32
    %dma_wait3A_835 = arith.constant 0 : i32
    %dma_wait3A_836 = tpu.memref_slice %arg7[%dma_wait3A_834, %dma_wait3A_835] : memref<24x2048xf32, #tpu.memory_space<vmem>> -> memref<8x2048xf32, #tpu.memory_space<vmem>>
    tpu.wait_dma2 semaphore(%arg11 : memref<!tpu.dma_semaphore, #tpu.memory_space<semaphore_mem>>) src(%dma_wait3A_836 : memref<8x2048xf32, #tpu.memory_space<vmem>>) dst(%dma_wait3A_833 : memref<8x2048xf32, #tpu.memory_space<hbm>>)
    return
  }
}

</mosaic_0001>

<sc_bundles>
// kernel: kernel.3.cloned.1.call-start
scs
__scs_entry_jumppad:
0x0: {  	(pc) =	sbr.rel $0x88, $3  }
0x1: {  	(tag) =	ssettag $0x0;
	lr =	simm.s32 $0x1  }
0x2: {  	[smem:$0x3F9F] =	sst lr;
	_ =	strace $0xD0000000  }
0x3: {  	_ = 	snop  }
0x4: {  	_ = 	snop  }
0x5: {  	_ = 	snop  }
0x6: {  	_ = 	snop  }
0x7: {  	_ = 	snop  }
__scs_overlays_trampoline_lowered:
0x8: {  	[smem:$0x3FAE] =	sst s0  }
0x9: {  	[smem:$0x3FAF] =	sst s1  }
0xa: {  	[smem:$0x3FB0] =	sst s2  }
0xb: {  	[smem:$0x3FB1] =	sst s3  }
0xc: {  	[smem:$0x3FB2] =	sst s4  }
0xd: {  	[smem:$0x3FB3] =	sst s5  }
0xe: {  	[smem:$0x3FB4] =	sst s6  }
0xf: {  	[smem:$0x3FB5] =	sst s7  }
0x10: {  	[smem:$0x3FB6] =	sst s8  }
0x11: {  	[smem:$0x3FB7] =	sst s9;
	s0 =	simm.s32 @!p0 $0x0  }
0x12: {  	s1 =	sld [smem:$0x3F9D];
	s0 =	simm.s32 @p0 $0x1  }
0x13: {  	[smem:$0x3FB8] =	sst s0;
	s0 =	simm.s32 @!p1 $0x0  }
0x14: {  	s2 =	sld [smem:$0x3F9C];
	s0 =	simm.s32 @p1 $0x1  }
0x15: {  	[smem:$0x3FB9] =	sst s0;
	s0 =	simm.s32 @!p2 $0x0  }
0x16: {  	s3 =	sld [smem:$0x3FDB];
	s0 =	simm.s32 @p2 $0x1  }
0x17: {  	s4 =	simm.s32 $0x1BF5;
	[smem:$0x3FBB] =	sst s0  }
0x18: {  	s0 =	sld [smem:$0x3F9E];
	_ =	swait.ge [sflag:s4], $0x0  }
0x19: {  	s7 =	sld [smem:$0x3F9F]  }
0x1a: {  	s8 =	sadd.s32 $0xFFFFE003, lr  }
0x1b: {  	s9 =	sadd.s32 $0xFFFFFEF7, lr;
	s5 =	simm.s32 $0xFFFFFFFF;
	p2 =	slt.u32 s8, $0xFFFFF086  }
0x1c: {  	p1 =	slt.u32 s9, $0xF7A;
	s5 =	simm.s32 @!p2 $0x0  }
0x1d: {  	s5 =	simm.s32 @p1 $0x1;
	p0 =	seq.s32 s7, s2  }
0x1e: {  	s7 =	smul.u32 @!p0 $0xF7A, s2;
	p2 =	seq.s32 @!p0 s5, $0x0  }
0x1f: {  	s9 =	smul.u32 $0xF7A, s1;
	s8 =	simm.s32 @!p0 $0x1BF5;
	p2 =	por !p2, p0  }
0x20: {  	[sflag:s8] =	ssyncset.s32 @!p0 $0xFFFFF086;
	s6 =	sadd.s32 @!p0 s3, s7;
	s7 =	simm.s32 @!p0 $0x108  }
0x21: {  	s3 =	sadd.s32 s3, s9;
	s6 =	sadd.s32 @!p0 $0x88, s6;
	s7 =	simm.s32 @p2 $0x1082  }
0x22: {  	[simem:s7], [sflag:s8] =	dma.local @!p0 [hbm:s6], $0xF7A  }
0x23: {  	s9 =	sor.u32 $0xD0000000, s2;
	s6 =	simm.s32 $0x108;
	_ =	swait.ge @!p0 [sflag:s8], $0x0  }
0x24: {  	s3 =	sadd.s32 $0x88, s3;
	s6 =	simm.s32 @!p1 $0x1082;
	[sflag:s4] =	ssyncset.s32 $0xFFFFF086  }
0x25: {  	[simem:s6], [sflag:s4] =	dma.local [hbm:s3], $0xF7A  }
0x26: {  	[smem:$0x3F9F] =	sst s1;
	(tag) =	ssettag s2;
	_ =	strace s9  }
0x27: {  	s1 =	sld [smem:$0x3FAF]  }
0x28: {  	s2 =	sld [smem:$0x3FB0]  }
0x29: {  	s4 =	sld [smem:$0x3FB2]  }
0x2a: {  	p0 =	seq.s32 s5, $0x0;
	s5 =	sld [smem:$0x3FB3]  }
0x2b: {  	s6 =	sld [smem:$0x3FB4]  }
0x2c: {  	s7 =	sld [smem:$0x3FB5]  }
0x2d: {  	s3 =	simm.s32 $0x108;
	s8 =	sld [smem:$0x3FB6]  }
0x2e: {  	s3 =	simm.s32 @!p0 $0x1082;
	s9 =	sld [smem:$0x3FB7]  }
0x2f: {  	lr =	sadd.s32 s0, s3;
	s0 =	sld [smem:$0x3FAE]  }
0x30: {  	s3 =	sld [smem:$0x3FB1]  }
0x31: {  	[smem:$0x3FBA] =	sst s10  }
0x32: {  	s10 =	sld [smem:$0x3FB8];
	_ =	sdelay $0x3  }
0x33: {  	p0 =	seq.s32 s10, $0x1;
	s10 =	sld [smem:$0x3FBA];
	_ =	sdelay $0x3  }
0x34: {  	[smem:$0x3FBA] =	sst s10  }
0x35: {  	s10 =	sld [smem:$0x3FB9];
	_ =	sdelay $0x3  }
0x36: {  	p1 =	seq.s32 s10, $0x1;
	s10 =	sld [smem:$0x3FBA];
	_ =	sdelay $0x3  }
0x37: {  	[smem:$0x3FBA] =	sst s10  }
0x38: {  	s10 =	sld [smem:$0x3FBB]  }
0x39: {  	_ = 	snop;
	(pc) =	sbr.ind lr, $3  }
0x3a: {  	_ = 	snop  }
0x3b: {  	_ = 	snop  }
0x3c: {  	p2 =	seq.s32 s10, $0x1;
	s10 =	sld [smem:$0x3FBA]  }
0x3d: {  	_ =	shalt  }
0x3e: {  	_ =	shalt  }
0x3f: {  	_ =	shalt  }
0x40: {  	_ =	shalt  }
0x41: {  	_ =	shalt  }
0x42: {  	_ =	shalt  }
0x43: {  	_ =	shalt  }
0x44: {  	_ =	shalt  }
0x45: {  	_ =	shalt  }
0x46: {  	_ =	shalt  }
0x47: {  	_ =	shalt  }
0x48: {  	_ =	shalt  }
0x49: {  	_ =	shalt  }
0x4a: {  	_ =	shalt  }
0x4b: {  	_ =	shalt  }
0x4c: {  	_ =	shalt  }
0x4d: {  	_ =	shalt  }
0x4e: {  	_ =	shalt  }
0x4f: {  	_ =	shalt  }
0x50: {  	_ =	shalt  }
0x51: {  	_ =	shalt  }
0x52: {  	_ =	shalt  }
0x53: {  	_ =	shalt  }
0x54: {  	_ =	shalt  }
0x55: {  	_ =	shalt  }
0x56: {  	_ =	shalt  }
0x57: {  	_ =	shalt  }
0x58: {  	_ =	shalt  }
0x59: {  	_ =	shalt  }
0x5a: {  	_ =	shalt  }
0x5b: {  	_ =	shalt  }
0x5c: {  	_ =	shalt  }
0x5d: {  	_ =	shalt  }
0x5e: {  	_ =	shalt  }
0x5f: {  	_ =	shalt  }
0x60: {  	_ =	shalt  }
0x61: {  	_ =	shalt  }
0x62: {  	_ =	shalt  }
0x63: {  	_ =	shalt  }
0x64: {  	_ =	shalt  }
0x65: {  	_ =	shalt  }
0x66: {  	_ =	shalt  }
0x67: {  	_ =	shalt  }
0x68: {  	_ =	shalt  }
0x69: {  	_ =	shalt  }
0x6a: {  	_ =	shalt  }
0x6b: {  	_ =	shalt  }
0x6c: {  	_ =	shalt  }
0x6d: {  	_ =	shalt  }
0x6e: {  	_ =	shalt  }
0x6f: {  	_ =	shalt  }
0x70: {  	_ =	shalt  }
0x71: {  	_ =	shalt  }
0x72: {  	_ =	shalt  }
0x73: {  	_ =	shalt  }
0x74: {  	_ =	shalt  }
0x75: {  	_ =	shalt  }
0x76: {  	_ =	shalt  }
0x77: {  	_ =	shalt  }
0x78: {  	_ =	shalt  }
0x79: {  	_ =	shalt  }
0x7a: {  	_ =	shalt  }
0x7b: {  	_ =	shalt  }
0x7c: {  	_ =	shalt  }
0x7d: {  	_ =	shalt  }
0x7e: {  	_ =	shalt  }
0x7f: {  	_ =	shalt  }
0x80: {  	_ =	shalt  }
0x81: {  	_ =	shalt  }
0x82: {  	_ =	shalt  }
0x83: {  	_ =	shalt  }
0x84: {  	_ =	shalt  }
0x85: {  	_ =	shalt  }
0x86: {  	_ =	shalt  }
0x87: {  	_ =	shalt  }
.Lfunc_end0:
.L_simem_size_0:
called_computation_lowered:
.L_overlay_start_0:
0x88: {  	s2 =	sld [smem:$0x3FD9]  }
0x89: {  	s3 =	sld [smem:$0x3FFE];
	_ =	sdelay $0x1  }
0x8a: {  	s1 =	srdreg.scid  }
0x8b: {  	s0 =	sand.u32 $0x1, s1  }
0x8c: {  	s17 =	sshll.u32 s0, $0xA;
	s2 =	sadd.s32 s3, s2  }
0x8d: {  	s2 =	sadd.s32 s2, s17  }
0x8e: {  	[smem:$0x3FC6] =	sst s2  }
0x8f: {  	_ = 	snop  }
0x90: {  	s2 =	sld [smem:$0x3FC8]  }
0x91: {  	s18 =	sld [smem:$0x3FD0];
	(tm) =	ssettm $0x1  }
0x92: {  	s4 =	sld [smem:$0x3FFB];
	_ =	sdelay $0x3  }
0x93: {  	_ =	strace s4  }
0x94: {  	s4 =	sld [smem:$0x3FFC];
	_ =	sdelay $0x3  }
0x95: {  	_ =	strace s4  }
0x96: {  	s4 =	sld [smem:$0x3FFD];
	_ =	sdelay $0x3  }
0x97: {  	_ =	strace s4  }
0x98: {  	_ =	strace $0x8FFFFFFF  }
0x99: {  	s19 =	sld [smem:$0x3FDB];
	_ =	sdelay $0x1  }
0x9a: {  	s5 =	simm.s32 $_scs_section_size  }
0x9b: {  	s6 =	simm.s32 $_size__tile_overlayer_lowered;
	s7 =	simm.s32 $_tile_overlayer_lowered  }
0x9c: {  	s22 =	simm.s32 $0x1BFF;
	s21 =	sshll.u32 s7, $0x1;
	s4 =	sadd.s32 s5, s19  }
0x9d: {  	s8 =	simm.s32 $0x0;
	s20 =	sshll.u32 s6, $0x1;
	s6 =	sadd.s32 s21, s4  }
0x9e: {  	[timem:s8], [sflag:s22] =	dma.local [hbm:s6], s20  }
0x9f: {  	_ =	swait.ge [sflag:s22], s20  }
0xa0: {  	s5 =	ssub.s32 $0x0, s20;
	[sflag:s22] =	ssyncset.done $0x0  }
0xa1: {  	[sflag:s22] =	ssyncadd.s32 s5;
	_ =	sdelay $0x1  }
0xa2: {  	s23 =	simm.s32 $0x1B8B  }
0xa3: {  	_ =	swait.ge [sflag:s23], $0x1  }
0xa4: {  	[sflag:s23] =	ssyncset.done $0x0  }
0xa5: {  	s25 =	simm.s32 $0x1B8E;
	s24 =	sld [smem:$0x3FFE];
	[sflag:s23] =	ssyncadd.s32 $0xFFFFFFFF  }
0xa6: {  	s26 =	simm.s32 $execute0_lowered;
	[smem:$0x3FD2] =	sst s25  }
0xa7: {  	s6 =	sshll.u32 s26, $0x1;
	_ =	strace $0x80000046;
	[dreg:$0x1] =	wrdreg $0xFFFFFFFF  }
0xa8: {  	s28 =	simm.s32 $_size_execute0_lowered;
	s4 =	sadd.s32 s4, s6;
	[dreg:$0x0] =	wrdreg $0x0  }
0xa9: {  	s6 =	sshll.u32 s28, $0x1;
	[dreg:$0x2] =	wrdreg s4  }
0xaa: {  	[dreg:$0x3] =	wrdreg s6  }
0xab: {  	[dreg:$0x4] =	wrdreg $0xC0  }
0xac: {  	_ =	task [dreg:s8], $0x5FFFF  }
0xad: {  	[dreg:$0x1] =	wrdreg $0xFFFFFFFF  }
0xae: {  	[dreg:$0x0] =	wrdreg $0x60  }
0xaf: {  	[dreg:$0x2] =	wrdreg s24  }
0xb0: {  	[dreg:$0x3] =	wrdreg s2  }
0xb1: {  	[dreg:$0x4] =	wrdreg s18  }
0xb2: {  	[dreg:$0x5] =	wrdreg $0x9  }
0xb3: {  	_ =	task.clear_ibuf [dreg:s8], $0x6FFFF;
	_ =	strace $0x90000046  }
0xb4: {  	s29 =	simm.s32 $0x9;
	_ =	strace $0x80000048  }
0xb5: {  	_ =	swait.ge [sflag:s29], $0x1  }
0xb6: {  	[sflag:s29] =	ssyncadd.s32 $0xFFFFFFFF  }
0xb7: {  	_ =	strace $0x90000048  }
0xb8: {  	_ =	sfence  }
0xb9: {  	s30 =	sld [smem:$0x0];
	_ =	sdelay $0x2  }
0xba: {  	s31 =	sshll.u32 s1, $0xD;
	s1 =	sshrl.u32 s1, $0x2  }
0xbb: {  	s3 =	sand.u32 $0x4000, s31;
	s1 =	sadd.s32 s1, s30  }
0xbc: {  	s0 =	sor.u32 s3, s0;
	s1 =	sshll.u32 s1, $0x11  }
0xbd: {  	s0 =	sor.u32 s1, s0  }
0xbe: {  	s0 =	sadd.s32 $0x8F2B, s0  }
0xbf: {  	[sflag:s0] =	ssyncadd.remote.s32 $0x1  }
0xc0: {  	_ =	sfence.sel $0xFFFF  }
0xc1: {  	[dreg:$0x0] =	wrdreg $0xFFFFFFFF;
	(pc) =	sbr.abs _section_cstart, $3  }
0xc2: {  	[dreg:$0x1] =	wrdreg $0xFFFFFFFF  }
0xc3: {  	_ =	task.clear_ibuf [dreg:s8], $0x2FFFF;
	_ =	strace $0x9FFFFFFF  }
0xc4: {  	(tm) =	ssettm $0x7FFFFFFF  }
0xc5: {  	_ =	shalt  }
tec
execute0_lowered:
.L_overlay_start_1:
0x0: {  	(tag) =	ssettag $0x1  }
0x1: {  	s0 =	srdreg.scid  }
0x2: {  	s1 =	rddreg [dreg:$0x0];
	s3 =	stileid.u32;
	s0 =	sand.u32 $0x1, s0  }
0x3: {  	s2 =	rddreg [dreg:$0x1];
	s3 =	sshll.u32 s3, $0xA;
	s4 =	sshll.u32 s0, $0x9  }
0x4: {  	s5 =	rddreg [dreg:$0x2];
	s4 =	sor.u32 s4, s3  }
0x5: {  	s3 =	simm.s32 $0x0;
	s6 =	sshrl.u32 s4, $0x3;
	s4 =	sshll.u32 s4, $0x8  }
0x6: {  	[smem:$0x7FF] =	sst s3;
	s1 =	sadd.s32 s6, s1;
	s10 =	sadd.s32 s5, s4  }
0x7: {  	_ =	strace $0x80000047;
	s1 =	sadd.s32 $0x400, s1;
	[dreg:$0x1a] =	wrdreg s10  }
0x8: {  	s5 =	sadd.s32 $0x1800, s10;
	[dreg:$0x4] =	wrdreg s1  }
0x9: {  	s6 =	sadd.s32 $0x3000, s10;
	[dreg:$0x5] =	wrdreg s5  }
0xa: {  	s7 =	sadd.s32 $0x4800, s10;
	[dreg:$0x6] =	wrdreg s6  }
0xb: {  	s8 =	sadd.s32 $0x6000, s10;
	[dreg:$0x7] =	wrdreg s7  }
0xc: {  	s9 =	sadd.s32 $0x7800, s10;
	[dreg:$0x8] =	wrdreg s8  }
0xd: {  	s11 =	sadd.s32 $0x9000, s10;
	[dreg:$0x9] =	wrdreg s9  }
0xe: {  	s12 =	sadd.s32 $0xA800, s10;
	[dreg:$0xa] =	wrdreg s11  }
0xf: {  	s13 =	sadd.s32 $0xC000, s10;
	[dreg:$0xb] =	wrdreg s12  }
0x10: {  	s28 =	simm.s32 $0x3;
	s14 =	sadd.s32 $0xD800, s10;
	[dreg:$0xc] =	wrdreg s13  }
0x11: {  	s29 =	simm.s32 $0x2;
	s15 =	sadd.s32 $0xF000, s10;
	[dreg:$0xd] =	wrdreg s14  }
0x12: {  	s30 =	simm.s32 $0x4;
	s16 =	sadd.s32 $0x10800, s10;
	[dreg:$0xe] =	wrdreg s15  }
0x13: {  	s0 =	ssub.s32 $0x2, s0;
	s17 =	sadd.s32 $0x12000, s10;
	[dreg:$0xf] =	wrdreg s16  }
0x14: {  	s20 =	sshrl.u32 s0, $0x1;
	s18 =	sadd.s32 $0x13800, s10;
	[dreg:$0x10] =	wrdreg s17  }
0x15: {  	s0 =	ssub.s32 s0, s20;
	s19 =	sadd.s32 $0x15000, s10;
	[dreg:$0x11] =	wrdreg s18  }
0x16: {  	s0 =	smax.u32 s0, $0x1;
	s21 =	sadd.s32 $0x16800, s10;
	[dreg:$0x12] =	wrdreg s19  }
0x17: {  	s22 =	sadd.s32 $0x18000, s10;
	s23 =	sadd.s32 $0x19800, s10;
	[dreg:$0x13] =	wrdreg s21  }
0x18: {  	s24 =	sadd.s32 $0x1B000, s10;
	s25 =	sadd.s32 $0x1C800, s10;
	[dreg:$0x14] =	wrdreg s22  }
0x19: {  	s26 =	sadd.s32 $0x1E000, s10;
	s31 =	sadd.s32 $0x1F800, s10;
	[dreg:$0x15] =	wrdreg s23  }
0x1a: {  	s10 =	sadd.s32 $0x600, s2;
	s5 =	sadd.s32 $0x100, s2;
	[dreg:$0x16] =	wrdreg s24  }
0x1b: {  	v2 =	vlaneseq.u32;
	s6 =	sadd.s32 $0x200, s2;
	s7 =	sadd.s32 $0x300, s2;
	[dreg:$0x17] =	wrdreg s25  }
0x1c: {  	vm0 =	vmmov $0xffff;
	v1 =	vshrl.u32 v2, $0x3;
	s8 =	sadd.s32 $0x400, s2;
	s9 =	sadd.s32 $0x500, s2;
	[dreg:$0x18] =	wrdreg s26  }
0x1d: {  	v0 =	vand.u32 $0x7, v2;
	v2 =	vor.u32 $0x8, v2;
	v1 =	vmul.u32 $0x8, v1;
	s11 =	sadd.s32 $0x700, s2;
	[dreg:$0x19] =	wrdreg s31;
	s26 =	simm.s32 $0x1  }
.LBB2_1:
0x1e: {  	[dreg:$0x1b] =	wrdreg s0  }
0x1f: {  	s31 =	rddreg [dreg:$0x4];
	s22 =	simm.s32 $0x5  }
0x20: {  	[tilespmem:s3], [sflag:$0x5] =	stream.linear.gather [hbm4b:s31+s3], $0x200, $0x38;
	[tilespmem:$0x18200] =	vst v63  }
0x21: {  	_ =	swait.ge [sflag:s22], $0x200  }
0x22: {  	[sflag:s22] =	ssyncset.done $0x0  }
0x23: {  	[sflag:s22] =	ssyncadd.s32 $0xFFFFFE00  }
0x24: {  	v3 =	vld [tilespmem:$0x0];
	_ =	sdelay $0x4  }
0x25: {  	v4 =	vshll.u32 v3, $0x4  }
0x26: {  	v3 =	vand.u32 $0x7, v3;
	v4 =	vand.u32 $0xFFFFFF80, v4  }
0x27: {  	v3 =	vor.u32 v3, v4  }
0x28: {  	v4 =	vperm.xlane v3, v0;
	_ =	sdelay $0x1  }
0x29: {  	v4 =	vadd.s32 v1, v4;
	_ =	sdelay $0x3  }
0x2a: {  	s23 =	simm.s32 $0x200  }
0x2b: {  	[tilespmem:s23], [sflag:$0x1] =	stream.indirect_vreg.gather [hbm4b:s2+s3], $0x80, v4, vm0, $0xb8;
	[tilespmem:$0x18200] =	vst v63  }
0x2c: {  	s24 =	simm.s32 $0xA00  }
0x2d: {  	[tilespmem:s24], [sflag:$0x1] =	stream.indirect_vreg.gather [hbm4b:s5+s3], $0x80, v4, vm0, $0xb8;
	[tilespmem:$0x18200] =	vst v63  }
0x2e: {  	s25 =	simm.s32 $0x1200  }
0x2f: {  	[tilespmem:s25], [sflag:$0x1] =	stream.indirect_vreg.gather [hbm4b:s6+s3], $0x80, v4, vm0, $0xb8;
	[tilespmem:$0x18200] =	vst v63  }
0x30: {  	s31 =	simm.s32 $0x1A00  }
0x31: {  	[tilespmem:s31], [sflag:$0x1] =	stream.indirect_vreg.gather [hbm4b:s7+s3], $0x80, v4, vm0, $0xb8;
	[tilespmem:$0x18200] =	vst v63  }
0x32: {  	s1 =	simm.s32 $0x2200  }
0x33: {  	[tilespmem:s1], [sflag:$0x1] =	stream.indirect_vreg.gather [hbm4b:s8+s3], $0x80, v4, vm0, $0xb8;
	[tilespmem:$0x18200] =	vst v63  }
0x34: {  	s13 =	simm.s32 $0x2A00;
	v3 =	vperm.xlane v3, v2  }
0x35: {  	[tilespmem:s13], [sflag:$0x1] =	stream.indirect_vreg.gather [hbm4b:s9+s3], $0x80, v4, vm0, $0xb8;
	[tilespmem:$0x18200] =	vst v63  }
0x36: {  	s14 =	simm.s32 $0x3200;
	v3 =	vadd.s32 v1, v3  }
0x37: {  	[tilespmem:s14], [sflag:$0x1] =	stream.indirect_vreg.gather [hbm4b:s10+s3], $0x80, v4, vm0, $0xb8;
	[tilespmem:$0x18200] =	vst v63  }
0x38: {  	s15 =	simm.s32 $0x3A00  }
0x39: {  	[tilespmem:s15], [sflag:$0x1] =	stream.indirect_vreg.gather [hbm4b:s11+s3], $0x80, v4, vm0, $0xb8;
	[tilespmem:$0x18200] =	vst v63  }
0x3a: {  	s16 =	simm.s32 $0x4200  }
0x3b: {  	[tilespmem:s16], [sflag:$0x1] =	stream.indirect_vreg.gather [hbm4b:s2+s3], $0x80, v3, vm0, $0xb8;
	[tilespmem:$0x18200] =	vst v63  }
0x3c: {  	s17 =	simm.s32 $0x4A00  }
0x3d: {  	[tilespmem:s17], [sflag:$0x1] =	stream.indirect_vreg.gather [hbm4b:s5+s3], $0x80, v3, vm0, $0xb8;
	[tilespmem:$0x18200] =	vst v63  }
0x3e: {  	s19 =	simm.s32 $0x5200  }
0x3f: {  	[tilespmem:s19], [sflag:$0x1] =	stream.indirect_vreg.gather [hbm4b:s6+s3], $0x80, v3, vm0, $0xb8;
	[tilespmem:$0x18200] =	vst v63  }
0x40: {  	s21 =	simm.s32 $0x5A00  }
0x41: {  	[tilespmem:s21], [sflag:$0x1] =	stream.indirect_vreg.gather [hbm4b:s7+s3], $0x80, v3, vm0, $0xb8;
	[tilespmem:$0x18200] =	vst v63  }
0x42: {  	s22 =	simm.s32 $0x6200  }
0x43: {  	[tilespmem:s22], [sflag:$0x1] =	stream.indirect_vreg.gather [hbm4b:s8+s3], $0x80, v3, vm0, $0xb8;
	[tilespmem:$0x18200] =	vst v63  }
0x44: {  	s23 =	simm.s32 $0x6A00  }
0x45: {  	[tilespmem:s23], [sflag:$0x1] =	stream.indirect_vreg.gather [hbm4b:s9+s3], $0x80, v3, vm0, $0xb8;
	[tilespmem:$0x18200] =	vst v63  }
0x46: {  	s24 =	simm.s32 $0x7200  }
0x47: {  	[tilespmem:s24], [sflag:$0x1] =	stream.indirect_vreg.gather [hbm4b:s10+s3], $0x80, v3, vm0, $0xb8;
	[tilespmem:$0x18200] =	vst v63  }
0x48: {  	s25 =	simm.s32 $0x7A00  }
0x49: {  	[tilespmem:s25], [sflag:$0x1] =	stream.indirect_vreg.gather [hbm4b:s11+s3], $0x80, v3, vm0, $0xb8;
	[tilespmem:$0x18200] =	vst v63  }
0x4a: {  	v3 =	vld.msk [tilespmem:$0x10], $0xff;
	_ =	sdelay $0x4  }
0x4b: {  	v22 =	vshll.u32 v3, $0x4  }
0x4c: {  	v3 =	vand.u32 $0x7, v3;
	v4 =	vand.u32 $0xFFFFFF80, v22  }
0x4d: {  	v3 =	vor.u32 v3, v4  }
0x4e: {  	v3 =	vperm.xlane v3, v0;
	_ =	sdelay $0x1  }
0x4f: {  	v3 =	vadd.s32 v1, v3;
	_ =	sdelay $0x3  }
0x50: {  	s31 =	simm.s32 $0x8200  }
0x51: {  	[tilespmem:s31], [sflag:$0x1] =	stream.indirect_vreg.gather [hbm4b:s2+s3], $0x80, v3, vm0, $0xb8;
	[tilespmem:$0x18200] =	vst v63  }
0x52: {  	s1 =	simm.s32 $0x8A00  }
0x53: {  	[tilespmem:s1], [sflag:$0x1] =	stream.indirect_vreg.gather [hbm4b:s5+s3], $0x80, v3, vm0, $0xb8;
	[tilespmem:$0x18200] =	vst v63  }
0x54: {  	s21 =	simm.s32 $0x9200  }
0x55: {  	[tilespmem:s21], [sflag:$0x1] =	stream.indirect_vreg.gather [hbm4b:s6+s3], $0x80, v3, vm0, $0xb8;
	[tilespmem:$0x18200] =	vst v63  }
0x56: {  	s23 =	simm.s32 $0x9A00  }
0x57: {  	[tilespmem:s23], [sflag:$0x1] =	stream.indirect_vreg.gather [hbm4b:s7+s3], $0x80, v3, vm0, $0xb8;
	[tilespmem:$0x18200] =	vst v63  }
0x58: {  	s31 =	simm.s32 $0xA200  }
0x59: {  	[tilespmem:s31], [sflag:$0x1] =	stream.indirect_vreg.gather [hbm4b:s8+s3], $0x80, v3, vm0, $0xb8;
	[tilespmem:$0x18200] =	vst v63  }
0x5a: {  	s1 =	simm.s32 $0xAA00  }
0x5b: {  	[tilespmem:s1], [sflag:$0x1] =	stream.indirect_vreg.gather [hbm4b:s9+s3], $0x80, v3, vm0, $0xb8;
	[tilespmem:$0x18200] =	vst v63  }
0x5c: {  	s21 =	simm.s32 $0xB200  }
0x5d: {  	[tilespmem:s21], [sflag:$0x1] =	stream.indirect_vreg.gather [hbm4b:s10+s3], $0x80, v3, vm0, $0xb8;
	[tilespmem:$0x18200] =	vst v63  }
0x5e: {  	s23 =	simm.s32 $0xBA00  }
0x5f: {  	[tilespmem:s23], [sflag:$0x1] =	stream.indirect_vreg.gather [hbm4b:s11+s3], $0x80, v3, vm0, $0xb8;
	[tilespmem:$0x18200] =	vst v63  }
0x60: {  	v3 =	vld [tilespmem:$0x18];
	_ =	sdelay $0x4  }
0x61: {  	v23 =	vshll.u32 v3, $0x4  }
0x62: {  	v3 =	vand.u32 $0x7, v3;
	v4 =	vand.u32 $0xFFFFFF80, v23  }
0x63: {  	v3 =	vor.u32 v3, v4  }
0x64: {  	v4 =	vperm.xlane v3, v0;
	_ =	sdelay $0x1  }
0x65: {  	v4 =	vadd.s32 v1, v4;
	_ =	sdelay $0x3  }
0x66: {  	s31 =	simm.s32 $0xC200  }
0x67: {  	[tilespmem:s31], [sflag:$0x2] =	stream.indirect_vreg.gather [hbm4b:s2+s3], $0x80, v4, vm0, $0xb8;
	[tilespmem:$0x18200] =	vst v63  }
0x68: {  	s1 =	simm.s32 $0xCA00  }
0x69: {  	[tilespmem:s1], [sflag:$0x2] =	stream.indirect_vreg.gather [hbm4b:s5+s3], $0x80, v4, vm0, $0xb8;
	[tilespmem:$0x18200] =	vst v63  }
0x6a: {  	s21 =	simm.s32 $0xD200  }
0x6b: {  	[tilespmem:s21], [sflag:$0x2] =	stream.indirect_vreg.gather [hbm4b:s6+s3], $0x80, v4, vm0, $0xb8;
	[tilespmem:$0x18200] =	vst v63  }
0x6c: {  	s23 =	simm.s32 $0xDA00  }
0x6d: {  	[tilespmem:s23], [sflag:$0x2] =	stream.indirect_vreg.gather [hbm4b:s7+s3], $0x80, v4, vm0, $0xb8;
	[tilespmem:$0x18200] =	vst v63  }
0x6e: {  	s31 =	simm.s32 $0xE200  }
0x6f: {  	[tilespmem:s31], [sflag:$0x2] =	stream.indirect_vreg.gather [hbm4b:s8+s3], $0x80, v4, vm0, $0xb8;
	[tilespmem:$0x18200] =	vst v63  }
0x70: {  	v3 =	vperm.xlane v3, v2;
	s1 =	simm.s32 $0xEA00  }
0x71: {  	[tilespmem:s1], [sflag:$0x2] =	stream.indirect_vreg.gather [hbm4b:s9+s3], $0x80, v4, vm0, $0xb8;
	[tilespmem:$0x18200] =	vst v63  }
0x72: {  	v3 =	vadd.s32 v1, v3;
	s21 =	simm.s32 $0xF200  }
0x73: {  	[tilespmem:s21], [sflag:$0x2] =	stream.indirect_vreg.gather [hbm4b:s10+s3], $0x80, v4, vm0, $0xb8;
	[tilespmem:$0x18200] =	vst v63  }
0x74: {  	s23 =	simm.s32 $0xFA00  }
0x75: {  	[tilespmem:s23], [sflag:$0x2] =	stream.indirect_vreg.gather [hbm4b:s11+s3], $0x80, v4, vm0, $0xb8;
	[tilespmem:$0x18200] =	vst v63  }
0x76: {  	s31 =	simm.s32 $0x10200  }
0x77: {  	[tilespmem:s31], [sflag:$0x2] =	stream.indirect_vreg.gather [hbm4b:s2+s3], $0x80, v3, vm0, $0xb8;
	[tilespmem:$0x18200] =	vst v63  }
0x78: {  	s1 =	simm.s32 $0x10A00  }
0x79: {  	[tilespmem:s1], [sflag:$0x2] =	stream.indirect_vreg.gather [hbm4b:s5+s3], $0x80, v3, vm0, $0xb8;
	[tilespmem:$0x18200] =	vst v63  }
0x7a: {  	s21 =	simm.s32 $0x11200  }
0x7b: {  	[tilespmem:s21], [sflag:$0x2] =	stream.indirect_vreg.gather [hbm4b:s6+s3], $0x80, v3, vm0, $0xb8;
	[tilespmem:$0x18200] =	vst v63  }
0x7c: {  	s31 =	simm.s32 $0x11A00  }
0x7d: {  	[tilespmem:s31], [sflag:$0x2] =	stream.indirect_vreg.gather [hbm4b:s7+s3], $0x80, v3, vm0, $0xb8;
	[tilespmem:$0x18200] =	vst v63  }
0x7e: {  	s1 =	simm.s32 $0x12200  }
0x7f: {  	[tilespmem:s1], [sflag:$0x2] =	stream.indirect_vreg.gather [hbm4b:s8+s3], $0x80, v3, vm0, $0xb8;
	[tilespmem:$0x18200] =	vst v63  }
0x80: {  	s21 =	simm.s32 $0x12A00  }
0x81: {  	[tilespmem:s21], [sflag:$0x2] =	stream.indirect_vreg.gather [hbm4b:s9+s3], $0x80, v3, vm0, $0xb8;
	[tilespmem:$0x18200] =	vst v63  }
0x82: {  	s31 =	simm.s32 $0x13200  }
0x83: {  	[tilespmem:s31], [sflag:$0x2] =	stream.indirect_vreg.gather [hbm4b:s10+s3], $0x80, v3, vm0, $0xb8;
	[tilespmem:$0x18200] =	vst v63  }
0x84: {  	s1 =	simm.s32 $0x13A00  }
0x85: {  	[tilespmem:s1], [sflag:$0x2] =	stream.indirect_vreg.gather [hbm4b:s11+s3], $0x80, v3, vm0, $0xb8;
	[tilespmem:$0x18200] =	vst v63  }
0x86: {  	v3 =	vld.msk [tilespmem:$0x28], $0xff;
	_ =	sdelay $0x4  }
0x87: {  	v24 =	vshll.u32 v3, $0x4  }
0x88: {  	v3 =	vand.u32 $0x7, v3;
	v4 =	vand.u32 $0xFFFFFF80, v24  }
0x89: {  	v3 =	vor.u32 v3, v4  }
0x8a: {  	v3 =	vperm.xlane v3, v0;
	_ =	sdelay $0x1  }
0x8b: {  	v3 =	vadd.s32 v1, v3;
	_ =	sdelay $0x3  }
0x8c: {  	s21 =	simm.s32 $0x14200  }
0x8d: {  	[tilespmem:s21], [sflag:$0x2] =	stream.indirect_vreg.gather [hbm4b:s2+s3], $0x80, v3, vm0, $0xb8;
	[tilespmem:$0x18200] =	vst v63  }
0x8e: {  	s31 =	simm.s32 $0x14A00  }
0x8f: {  	[tilespmem:s31], [sflag:$0x2] =	stream.indirect_vreg.gather [hbm4b:s5+s3], $0x80, v3, vm0, $0xb8;
	[tilespmem:$0x18200] =	vst v63  }
0x90: {  	s1 =	simm.s32 $0x15200  }
0x91: {  	[tilespmem:s1], [sflag:$0x2] =	stream.indirect_vreg.gather [hbm4b:s6+s3], $0x80, v3, vm0, $0xb8;
	[tilespmem:$0x18200] =	vst v63  }
0x92: {  	s21 =	simm.s32 $0x15A00  }
0x93: {  	[tilespmem:s21], [sflag:$0x2] =	stream.indirect_vreg.gather [hbm4b:s7+s3], $0x80, v3, vm0, $0xb8;
	[tilespmem:$0x18200] =	vst v63  }
0x94: {  	s31 =	simm.s32 $0x16200  }
0x95: {  	[tilespmem:s31], [sflag:$0x2] =	stream.indirect_vreg.gather [hbm4b:s8+s3], $0x80, v3, vm0, $0xb8;
	[tilespmem:$0x18200] =	vst v63  }
0x96: {  	s1 =	simm.s32 $0x16A00  }
0x97: {  	[tilespmem:s1], [sflag:$0x2] =	stream.indirect_vreg.gather [hbm4b:s9+s3], $0x80, v3, vm0, $0xb8;
	[tilespmem:$0x18200] =	vst v63  }
0x98: {  	s21 =	simm.s32 $0x17200  }
0x99: {  	[tilespmem:s21], [sflag:$0x2] =	stream.indirect_vreg.gather [hbm4b:s10+s3], $0x80, v3, vm0, $0xb8;
	[tilespmem:$0x18200] =	vst v63  }
0x9a: {  	s31 =	simm.s32 $0x17A00  }
0x9b: {  	[tilespmem:s31], [sflag:$0x2] =	stream.indirect_vreg.gather [hbm4b:s11+s3], $0x80, v3, vm0, $0xb8;
	[tilespmem:$0x18200] =	vst v63  }
0x9c: {  	_ =	swait.ge [sflag:s26], $0xC000  }
0x9d: {  	[sflag:s26] =	ssyncset.done $0x0  }
0x9e: {  	s1 =	simm.s32 $0x200;
	s0 =	rddreg [dreg:$0x1a];
	[sflag:s26] =	ssyncadd.s32 $0xFFFF4000  }
0x9f: {  	[hbm4b:s0+s3] =	stream.linear.scatter [tilespmem:s1], [sflag:$0x3], $0xC000, $0x38;
	[tilespmem:$0x18200] =	vst v63  }
0xa0: {  	_ =	swait.ge [sflag:s28], $0xC000  }
0xa1: {  	[sflag:s28] =	ssyncset.done $0x0  }
0xa2: {  	[sflag:s28] =	ssyncadd.s32 $0xFFFF4000  }
0xa3: {  	v3 =	vld [tilespmem:$0x30];
	_ =	sdelay $0x4  }
0xa4: {  	v25 =	vshll.u32 v3, $0x4  }
0xa5: {  	v3 =	vand.u32 $0x7, v3;
	v4 =	vand.u32 $0xFFFFFF80, v25  }
0xa6: {  	v3 =	vor.u32 v3, v4  }
0xa7: {  	v4 =	vperm.xlane v3, v0;
	_ =	sdelay $0x1  }
0xa8: {  	v4 =	vadd.s32 v1, v4;
	_ =	sdelay $0x4  }
0xa9: {  	[tilespmem:s1], [sflag:$0x1] =	stream.indirect_vreg.gather [hbm4b:s2+s3], $0x80, v4, vm0, $0xb8;
	[tilespmem:$0x18200] =	vst v63  }
0xaa: {  	s18 =	simm.s32 $0xA00  }
0xab: {  	[tilespmem:s18], [sflag:$0x1] =	stream.indirect_vreg.gather [hbm4b:s5+s3], $0x80, v4, vm0, $0xb8;
	[tilespmem:$0x18200] =	vst v63  }
0xac: {  	s4 =	simm.s32 $0x1200  }
0xad: {  	[tilespmem:s4], [sflag:$0x1] =	stream.indirect_vreg.gather [hbm4b:s6+s3], $0x80, v4, vm0, $0xb8;
	[tilespmem:$0x18200] =	vst v63  }
0xae: {  	s12 =	simm.s32 $0x1A00  }
0xaf: {  	[tilespmem:s12], [sflag:$0x1] =	stream.indirect_vreg.gather [hbm4b:s7+s3], $0x80, v4, vm0, $0xb8;
	[tilespmem:$0x18200] =	vst v63  }
0xb0: {  	s20 =	simm.s32 $0x2200  }
0xb1: {  	[tilespmem:s20], [sflag:$0x1] =	stream.indirect_vreg.gather [hbm4b:s8+s3], $0x80, v4, vm0, $0xb8;
	[tilespmem:$0x18200] =	vst v63  }
0xb2: {  	s21 =	simm.s32 $0x2A00;
	v3 =	vperm.xlane v3, v2  }
0xb3: {  	[tilespmem:s21], [sflag:$0x1] =	stream.indirect_vreg.gather [hbm4b:s9+s3], $0x80, v4, vm0, $0xb8;
	[tilespmem:$0x18200] =	vst v63  }
0xb4: {  	s13 =	simm.s32 $0x3200;
	v3 =	vadd.s32 v1, v3  }
0xb5: {  	[tilespmem:s13], [sflag:$0x1] =	stream.indirect_vreg.gather [hbm4b:s10+s3], $0x80, v4, vm0, $0xb8;
	[tilespmem:$0x18200] =	vst v63  }
0xb6: {  	s15 =	simm.s32 $0x3A00  }
0xb7: {  	[tilespmem:s15], [sflag:$0x1] =	stream.indirect_vreg.gather [hbm4b:s11+s3], $0x80, v4, vm0, $0xb8;
	[tilespmem:$0x18200] =	vst v63  }
0xb8: {  	s14 =	simm.s32 $0x4200  }
0xb9: {  	[tilespmem:s14], [sflag:$0x1] =	stream.indirect_vreg.gather [hbm4b:s2+s3], $0x80, v3, vm0, $0xb8;
	[tilespmem:$0x18200] =	vst v63  }
0xba: {  	s16 =	simm.s32 $0x4A00  }
0xbb: {  	[tilespmem:s16], [sflag:$0x1] =	stream.indirect_vreg.gather [hbm4b:s5+s3], $0x80, v3, vm0, $0xb8;
	[tilespmem:$0x18200] =	vst v63  }
0xbc: {  	s17 =	simm.s32 $0x5200  }
0xbd: {  	[tilespmem:s17], [sflag:$0x1] =	stream.indirect_vreg.gather [hbm4b:s6+s3], $0x80, v3, vm0, $0xb8;
	[tilespmem:$0x18200] =	vst v63  }
0xbe: {  	s19 =	simm.s32 $0x5A00  }
0xbf: {  	[tilespmem:s19], [sflag:$0x1] =	stream.indirect_vreg.gather [hbm4b:s7+s3], $0x80, v3, vm0, $0xb8;
	[tilespmem:$0x18200] =	vst v63  }
0xc0: {  	s12 =	simm.s32 $0x6200  }
0xc1: {  	[tilespmem:s12], [sflag:$0x1] =	stream.indirect_vreg.gather [hbm4b:s8+s3], $0x80, v3, vm0, $0xb8;
	[tilespmem:$0x18200] =	vst v63  }
0xc2: {  	s22 =	simm.s32 $0x6A00  }
0xc3: {  	[tilespmem:s22], [sflag:$0x1] =	stream.indirect_vreg.gather [hbm4b:s9+s3], $0x80, v3, vm0, $0xb8;
	[tilespmem:$0x18200] =	vst v63  }
0xc4: {  	s24 =	simm.s32 $0x7200  }
0xc5: {  	[tilespmem:s24], [sflag:$0x1] =	stream.indirect_vreg.gather [hbm4b:s10+s3], $0x80, v3, vm0, $0xb8;
	[tilespmem:$0x18200] =	vst v63  }
0xc6: {  	s24 =	simm.s32 $0x7A00  }
0xc7: {  	[tilespmem:s24], [sflag:$0x1] =	stream.indirect_vreg.gather [hbm4b:s11+s3], $0x80, v3, vm0, $0xb8;
	[tilespmem:$0x18200] =	vst v63  }
0xc8: {  	v3 =	vld.msk [tilespmem:$0x40], $0xff;
	_ =	sdelay $0x4  }
0xc9: {  	v26 =	vshll.u32 v3, $0x4  }
0xca: {  	v3 =	vand.u32 $0x7, v3;
	v4 =	vand.u32 $0xFFFFFF80, v26  }
0xcb: {  	v3 =	vor.u32 v3, v4  }
0xcc: {  	v3 =	vperm.xlane v3, v0;
	_ =	sdelay $0x1  }
0xcd: {  	v3 =	vadd.s32 v1, v3;
	_ =	sdelay $0x3  }
0xce: {  	s25 =	simm.s32 $0x8200  }
0xcf: {  	[tilespmem:s25], [sflag:$0x1] =	stream.indirect_vreg.gather [hbm4b:s2+s3], $0x80, v3, vm0, $0xb8;
	[tilespmem:$0x18200] =	vst v63  }
0xd0: {  	s25 =	simm.s32 $0x8A00  }
0xd1: {  	[tilespmem:s25], [sflag:$0x1] =	stream.indirect_vreg.gather [hbm4b:s5+s3], $0x80, v3, vm0, $0xb8;
	[tilespmem:$0x18200] =	vst v63  }
0xd2: {  	s14 =	simm.s32 $0x9200  }
0xd3: {  	[tilespmem:s14], [sflag:$0x1] =	stream.indirect_vreg.gather [hbm4b:s6+s3], $0x80, v3, vm0, $0xb8;
	[tilespmem:$0x18200] =	vst v63  }
0xd4: {  	s16 =	simm.s32 $0x9A00  }
0xd5: {  	[tilespmem:s16], [sflag:$0x1] =	stream.indirect_vreg.gather [hbm4b:s7+s3], $0x80, v3, vm0, $0xb8;
	[tilespmem:$0x18200] =	vst v63  }
0xd6: {  	s17 =	simm.s32 $0xA200  }
0xd7: {  	[tilespmem:s17], [sflag:$0x1] =	stream.indirect_vreg.gather [hbm4b:s8+s3], $0x80, v3, vm0, $0xb8;
	[tilespmem:$0x18200] =	vst v63  }
0xd8: {  	s19 =	simm.s32 $0xAA00  }
0xd9: {  	[tilespmem:s19], [sflag:$0x1] =	stream.indirect_vreg.gather [hbm4b:s9+s3], $0x80, v3, vm0, $0xb8;
	[tilespmem:$0x18200] =	vst v63  }
0xda: {  	s20 =	simm.s32 $0xB200  }
0xdb: {  	[tilespmem:s20], [sflag:$0x1] =	stream.indirect_vreg.gather [hbm4b:s10+s3], $0x80, v3, vm0, $0xb8;
	[tilespmem:$0x18200] =	vst v63  }
0xdc: {  	s22 =	simm.s32 $0xBA00  }
0xdd: {  	[tilespmem:s22], [sflag:$0x1] =	stream.indirect_vreg.gather [hbm4b:s11+s3], $0x80, v3, vm0, $0xb8;
	[tilespmem:$0x18200] =	vst v63  }
0xde: {  	_ =	swait.ge [sflag:s29], $0xC000  }
0xdf: {  	[sflag:s29] =	ssyncset.done $0x0  }
0xe0: {  	s15 =	simm.s32 $0xC200;
	s13 =	rddreg [dreg:$0x5];
	[sflag:s29] =	ssyncadd.s32 $0xFFFF4000  }
0xe1: {  	[hbm4b:s13+s3] =	stream.linear.scatter [tilespmem:s15], [sflag:$0x4], $0xC000, $0x38;
	[tilespmem:$0x18200] =	vst v63  }
0xe2: {  	_ =	swait.ge [sflag:s30], $0xC000  }
0xe3: {  	[sflag:s30] =	ssyncset.done $0x0  }
0xe4: {  	[sflag:s30] =	ssyncadd.s32 $0xFFFF4000  }
0xe5: {  	v3 =	vld [tilespmem:$0x48];
	_ =	sdelay $0x4  }
0xe6: {  	v27 =	vshll.u32 v3, $0x4  }
0xe7: {  	v3 =	vand.u32 $0x7, v3;
	v4 =	vand.u32 $0xFFFFFF80, v27  }
0xe8: {  	v3 =	vor.u32 v3, v4  }
0xe9: {  	v4 =	vperm.xlane v3, v0;
	_ =	sdelay $0x1  }
0xea: {  	v4 =	vadd.s32 v1, v4;
	_ =	sdelay $0x4  }
0xeb: {  	[tilespmem:s15], [sflag:$0x2] =	stream.indirect_vreg.gather [hbm4b:s2+s3], $0x80, v4, vm0, $0xb8;
	[tilespmem:$0x18200] =	vst v63  }
0xec: {  	s0 =	simm.s32 $0xCA00  }
0xed: {  	[tilespmem:s0], [sflag:$0x2] =	stream.indirect_vreg.gather [hbm4b:s5+s3], $0x80, v4, vm0, $0xb8;
	[tilespmem:$0x18200] =	vst v63  }
0xee: {  	s18 =	simm.s32 $0xD200  }
0xef: {  	[tilespmem:s18], [sflag:$0x2] =	stream.indirect_vreg.gather [hbm4b:s6+s3], $0x80, v4, vm0, $0xb8;
	[tilespmem:$0x18200] =	vst v63  }
0xf0: {  	s4 =	simm.s32 $0xDA00  }
0xf1: {  	[tilespmem:s4], [sflag:$0x2] =	stream.indirect_vreg.gather [hbm4b:s7+s3], $0x80, v4, vm0, $0xb8;
	[tilespmem:$0x18200] =	vst v63  }
0xf2: {  	s12 =	simm.s32 $0xE200  }
0xf3: {  	[tilespmem:s12], [sflag:$0x2] =	stream.indirect_vreg.gather [hbm4b:s8+s3], $0x80, v4, vm0, $0xb8;
	[tilespmem:$0x18200] =	vst v63  }
0xf4: {  	s13 =	simm.s32 $0xEA00;
	v3 =	vperm.xlane v3, v2  }
0xf5: {  	[tilespmem:s13], [sflag:$0x2] =	stream.indirect_vreg.gather [hbm4b:s9+s3], $0x80, v4, vm0, $0xb8;
	[tilespmem:$0x18200] =	vst v63  }
0xf6: {  	v3 =	vadd.s32 v1, v3;
	s15 =	simm.s32 $0xF200  }
0xf7: {  	[tilespmem:s15], [sflag:$0x2] =	stream.indirect_vreg.gather [hbm4b:s10+s3], $0x80, v4, vm0, $0xb8;
	[tilespmem:$0x18200] =	vst v63  }
0xf8: {  	s23 =	simm.s32 $0xFA00  }
0xf9: {  	[tilespmem:s23], [sflag:$0x2] =	stream.indirect_vreg.gather [hbm4b:s11+s3], $0x80, v4, vm0, $0xb8;
	[tilespmem:$0x18200] =	vst v63  }
0xfa: {  	s23 =	simm.s32 $0x10200  }
0xfb: {  	[tilespmem:s23], [sflag:$0x2] =	stream.indirect_vreg.gather [hbm4b:s2+s3], $0x80, v3, vm0, $0xb8;
	[tilespmem:$0x18200] =	vst v63  }
0xfc: {  	s18 =	simm.s32 $0x10A00  }
0xfd: {  	[tilespmem:s18], [sflag:$0x2] =	stream.indirect_vreg.gather [hbm4b:s5+s3], $0x80, v3, vm0, $0xb8;
	[tilespmem:$0x18200] =	vst v63  }
0xfe: {  	s31 =	simm.s32 $0x11200  }
0xff: {  	[tilespmem:s31], [sflag:$0x2] =	stream.indirect_vreg.gather [hbm4b:s6+s3], $0x80, v3, vm0, $0xb8;
	[tilespmem:$0x18200] =	vst v63  }
0x100: {  	s31 =	simm.s32 $0x11A00  }
0x101: {  	[tilespmem:s31], [sflag:$0x2] =	stream.indirect_vreg.gather [hbm4b:s7+s3], $0x80, v3, vm0, $0xb8;
	[tilespmem:$0x18200] =	vst v63  }
0x102: {  	s31 =	simm.s32 $0x12200  }
0x103: {  	[tilespmem:s31], [sflag:$0x2] =	stream.indirect_vreg.gather [hbm4b:s8+s3], $0x80, v3, vm0, $0xb8;
	[tilespmem:$0x18200] =	vst v63  }
0x104: {  	s31 =	simm.s32 $0x12A00  }
0x105: {  	[tilespmem:s31], [sflag:$0x2] =	stream.indirect_vreg.gather [hbm4b:s9+s3], $0x80, v3, vm0, $0xb8;
	[tilespmem:$0x18200] =	vst v63  }
0x106: {  	s31 =	simm.s32 $0x13200  }
0x107: {  	[tilespmem:s31], [sflag:$0x2] =	stream.indirect_vreg.gather [hbm4b:s10+s3], $0x80, v3, vm0, $0xb8;
	[tilespmem:$0x18200] =	vst v63  }
0x108: {  	s31 =	simm.s32 $0x13A00  }
0x109: {  	[tilespmem:s31], [sflag:$0x2] =	stream.indirect_vreg.gather [hbm4b:s11+s3], $0x80, v3, vm0, $0xb8;
	[tilespmem:$0x18200] =	vst v63  }
0x10a: {  	v3 =	vld.msk [tilespmem:$0x58], $0xff;
	_ =	sdelay $0x4  }
0x10b: {  	v28 =	vshll.u32 v3, $0x4  }
0x10c: {  	v3 =	vand.u32 $0x7, v3;
	v4 =	vand.u32 $0xFFFFFF80, v28  }
0x10d: {  	v3 =	vor.u32 v3, v4  }
0x10e: {  	v3 =	vperm.xlane v3, v0;
	_ =	sdelay $0x1  }
0x10f: {  	v3 =	vadd.s32 v1, v3;
	_ =	sdelay $0x3  }
0x110: {  	s31 =	simm.s32 $0x14200  }
0x111: {  	[tilespmem:s31], [sflag:$0x2] =	stream.indirect_vreg.gather [hbm4b:s2+s3], $0x80, v3, vm0, $0xb8;
	[tilespmem:$0x18200] =	vst v63  }
0x112: {  	s31 =	simm.s32 $0x14A00  }
0x113: {  	[tilespmem:s31], [sflag:$0x2] =	stream.indirect_vreg.gather [hbm4b:s5+s3], $0x80, v3, vm0, $0xb8;
	[tilespmem:$0x18200] =	vst v63  }
0x114: {  	s31 =	simm.s32 $0x15200  }
0x115: {  	[tilespmem:s31], [sflag:$0x2] =	stream.indirect_vreg.gather [hbm4b:s6+s3], $0x80, v3, vm0, $0xb8;
	[tilespmem:$0x18200] =	vst v63  }
0x116: {  	s31 =	simm.s32 $0x15A00  }
0x117: {  	[tilespmem:s31], [sflag:$0x2] =	stream.indirect_vreg.gather [hbm4b:s7+s3], $0x80, v3, vm0, $0xb8;
	[tilespmem:$0x18200] =	vst v63  }
0x118: {  	s31 =	simm.s32 $0x16200  }
0x119: {  	[tilespmem:s31], [sflag:$0x2] =	stream.indirect_vreg.gather [hbm4b:s8+s3], $0x80, v3, vm0, $0xb8;
	[tilespmem:$0x18200] =	vst v63  }
0x11a: {  	s31 =	simm.s32 $0x16A00  }
0x11b: {  	[tilespmem:s31], [sflag:$0x2] =	stream.indirect_vreg.gather [hbm4b:s9+s3], $0x80, v3, vm0, $0xb8;
	[tilespmem:$0x18200] =	vst v63  }
0x11c: {  	s31 =	simm.s32 $0x17200  }
0x11d: {  	[tilespmem:s31], [sflag:$0x2] =	stream.indirect_vreg.gather [hbm4b:s10+s3], $0x80, v3, vm0, $0xb8;
	[tilespmem:$0x18200] =	vst v63  }
0x11e: {  	s31 =	simm.s32 $0x17A00  }
0x11f: {  	[tilespmem:s31], [sflag:$0x2] =	stream.indirect_vreg.gather [hbm4b:s11+s3], $0x80, v3, vm0, $0xb8;
	[tilespmem:$0x18200] =	vst v63  }
0x120: {  	_ =	swait.ge [sflag:s26], $0xC000  }
0x121: {  	[sflag:s26] =	ssyncset.done $0x0  }
0x122: {  	s1 =	simm.s32 $0x200;
	s31 =	rddreg [dreg:$0x6];
	[sflag:s26] =	ssyncadd.s32 $0xFFFF4000  }
0x123: {  	[hbm4b:s31+s3] =	stream.linear.scatter [tilespmem:s1], [sflag:$0x3], $0xC000, $0x38;
	[tilespmem:$0x18200] =	vst v63  }
0x124: {  	_ =	swait.ge [sflag:s28], $0xC000  }
0x125: {  	[sflag:s28] =	ssyncset.done $0x0  }
0x126: {  	[sflag:s28] =	ssyncadd.s32 $0xFFFF4000  }
0x127: {  	v3 =	vld [tilespmem:$0x60];
	_ =	sdelay $0x4  }
0x128: {  	v29 =	vshll.u32 v3, $0x4  }
0x129: {  	v3 =	vand.u32 $0x7, v3;
	v4 =	vand.u32 $0xFFFFFF80, v29  }
0x12a: {  	v3 =	vor.u32 v3, v4  }
0x12b: {  	v4 =	vperm.xlane v3, v0;
	_ =	sdelay $0x1  }
0x12c: {  	v4 =	vadd.s32 v1, v4;
	_ =	sdelay $0x4  }
0x12d: {  	[tilespmem:s1], [sflag:$0x1] =	stream.indirect_vreg.gather [hbm4b:s2+s3], $0x80, v4, vm0, $0xb8;
	[tilespmem:$0x18200] =	vst v63  }
0x12e: {  	s31 =	simm.s32 $0xA00  }
0x12f: {  	[tilespmem:s31], [sflag:$0x1] =	stream.indirect_vreg.gather [hbm4b:s5+s3], $0x80, v4, vm0, $0xb8;
	[tilespmem:$0x18200] =	vst v63  }
0x130: {  	s31 =	simm.s32 $0x1200  }
0x131: {  	[tilespmem:s31], [sflag:$0x1] =	stream.indirect_vreg.gather [hbm4b:s6+s3], $0x80, v4, vm0, $0xb8;
	[tilespmem:$0x18200] =	vst v63  }
0x132: {  	s31 =	simm.s32 $0x1A00  }
0x133: {  	[tilespmem:s31], [sflag:$0x1] =	stream.indirect_vreg.gather [hbm4b:s7+s3], $0x80, v4, vm0, $0xb8;
	[tilespmem:$0x18200] =	vst v63  }
0x134: {  	s31 =	simm.s32 $0x2200  }
0x135: {  	[tilespmem:s31], [sflag:$0x1] =	stream.indirect_vreg.gather [hbm4b:s8+s3], $0x80, v4, vm0, $0xb8;
	[tilespmem:$0x18200] =	vst v63  }
0x136: {  	v3 =	vperm.xlane v3, v2  }
0x137: {  	[tilespmem:s21], [sflag:$0x1] =	stream.indirect_vreg.gather [hbm4b:s9+s3], $0x80, v4, vm0, $0xb8;
	[tilespmem:$0x18200] =	vst v63  }
0x138: {  	v3 =	vadd.s32 v1, v3;
	s21 =	simm.s32 $0x3200  }
0x139: {  	[tilespmem:s21], [sflag:$0x1] =	stream.indirect_vreg.gather [hbm4b:s10+s3], $0x80, v4, vm0, $0xb8;
	[tilespmem:$0x18200] =	vst v63  }
0x13a: {  	s31 =	simm.s32 $0x3A00  }
0x13b: {  	[tilespmem:s31], [sflag:$0x1] =	stream.indirect_vreg.gather [hbm4b:s11+s3], $0x80, v4, vm0, $0xb8;
	[tilespmem:$0x18200] =	vst v63  }
0x13c: {  	s21 =	simm.s32 $0x4200  }
0x13d: {  	[tilespmem:s21], [sflag:$0x1] =	stream.indirect_vreg.gather [hbm4b:s2+s3], $0x80, v3, vm0, $0xb8;
	[tilespmem:$0x18200] =	vst v63  }
0x13e: {  	s31 =	simm.s32 $0x4A00  }
0x13f: {  	[tilespmem:s31], [sflag:$0x1] =	stream.indirect_vreg.gather [hbm4b:s5+s3], $0x80, v3, vm0, $0xb8;
	[tilespmem:$0x18200] =	vst v63  }
0x140: {  	s21 =	simm.s32 $0x5200  }
0x141: {  	[tilespmem:s21], [sflag:$0x1] =	stream.indirect_vreg.gather [hbm4b:s6+s3], $0x80, v3, vm0, $0xb8;
	[tilespmem:$0x18200] =	vst v63  }
0x142: {  	s31 =	simm.s32 $0x5A00  }
0x143: {  	[tilespmem:s31], [sflag:$0x1] =	stream.indirect_vreg.gather [hbm4b:s7+s3], $0x80, v3, vm0, $0xb8;
	[tilespmem:$0x18200] =	vst v63  }
0x144: {  	s21 =	simm.s32 $0x6200  }
0x145: {  	[tilespmem:s21], [sflag:$0x1] =	stream.indirect_vreg.gather [hbm4b:s8+s3], $0x80, v3, vm0, $0xb8;
	[tilespmem:$0x18200] =	vst v63  }
0x146: {  	s31 =	simm.s32 $0x6A00  }
0x147: {  	[tilespmem:s31], [sflag:$0x1] =	stream.indirect_vreg.gather [hbm4b:s9+s3], $0x80, v3, vm0, $0xb8;
	[tilespmem:$0x18200] =	vst v63  }
0x148: {  	s21 =	simm.s32 $0x7200  }
0x149: {  	[tilespmem:s21], [sflag:$0x1] =	stream.indirect_vreg.gather [hbm4b:s10+s3], $0x80, v3, vm0, $0xb8;
	[tilespmem:$0x18200] =	vst v63  }
0x14a: {  	_ = 	snop  }
0x14b: {  	[tilespmem:s24], [sflag:$0x1] =	stream.indirect_vreg.gather [hbm4b:s11+s3], $0x80, v3, vm0, $0xb8;
	[tilespmem:$0x18200] =	vst v63  }
0x14c: {  	v3 =	vld.msk [tilespmem:$0x70], $0xff;
	_ =	sdelay $0x4  }
0x14d: {  	v30 =	vshll.u32 v3, $0x4  }
0x14e: {  	v3 =	vand.u32 $0x7, v3;
	v4 =	vand.u32 $0xFFFFFF80, v30  }
0x14f: {  	v3 =	vor.u32 v3, v4  }
0x150: {  	v3 =	vperm.xlane v3, v0;
	_ =	sdelay $0x1  }
0x151: {  	v3 =	vadd.s32 v1, v3;
	_ =	sdelay $0x3  }
0x152: {  	s24 =	simm.s32 $0x8200  }
0x153: {  	[tilespmem:s24], [sflag:$0x1] =	stream.indirect_vreg.gather [hbm4b:s2+s3], $0x80, v3, vm0, $0xb8;
	[tilespmem:$0x18200] =	vst v63  }
0x154: {  	_ = 	snop  }
0x155: {  	[tilespmem:s25], [sflag:$0x1] =	stream.indirect_vreg.gather [hbm4b:s5+s3], $0x80, v3, vm0, $0xb8;
	[tilespmem:$0x18200] =	vst v63  }
0x156: {  	_ = 	snop  }
0x157: {  	[tilespmem:s14], [sflag:$0x1] =	stream.indirect_vreg.gather [hbm4b:s6+s3], $0x80, v3, vm0, $0xb8;
	[tilespmem:$0x18200] =	vst v63  }
0x158: {  	_ = 	snop  }
0x159: {  	[tilespmem:s16], [sflag:$0x1] =	stream.indirect_vreg.gather [hbm4b:s7+s3], $0x80, v3, vm0, $0xb8;
	[tilespmem:$0x18200] =	vst v63  }
0x15a: {  	_ = 	snop  }
0x15b: {  	[tilespmem:s17], [sflag:$0x1] =	stream.indirect_vreg.gather [hbm4b:s8+s3], $0x80, v3, vm0, $0xb8;
	[tilespmem:$0x18200] =	vst v63  }
0x15c: {  	_ = 	snop  }
0x15d: {  	[tilespmem:s19], [sflag:$0x1] =	stream.indirect_vreg.gather [hbm4b:s9+s3], $0x80, v3, vm0, $0xb8;
	[tilespmem:$0x18200] =	vst v63  }
0x15e: {  	_ = 	snop  }
0x15f: {  	[tilespmem:s20], [sflag:$0x1] =	stream.indirect_vreg.gather [hbm4b:s10+s3], $0x80, v3, vm0, $0xb8;
	[tilespmem:$0x18200] =	vst v63  }
0x160: {  	_ = 	snop  }
0x161: {  	[tilespmem:s22], [sflag:$0x1] =	stream.indirect_vreg.gather [hbm4b:s11+s3], $0x80, v3, vm0, $0xb8;
	[tilespmem:$0x18200] =	vst v63  }
0x162: {  	_ =	swait.ge [sflag:s29], $0xC000  }
0x163: {  	[sflag:s29] =	ssyncset.done $0x0  }
0x164: {  	s1 =	simm.s32 $0xC200;
	s25 =	rddreg [dreg:$0x7];
	[sflag:s29] =	ssyncadd.s32 $0xFFFF4000  }
0x165: {  	[hbm4b:s25+s3] =	stream.linear.scatter [tilespmem:s1], [sflag:$0x4], $0xC000, $0x38;
	[tilespmem:$0x18200] =	vst v63  }
0x166: {  	_ =	swait.ge [sflag:s30], $0xC000  }
0x167: {  	[sflag:s30] =	ssyncset.done $0x0  }
0x168: {  	[sflag:s30] =	ssyncadd.s32 $0xFFFF4000  }
0x169: {  	v3 =	vld [tilespmem:$0x78];
	_ =	sdelay $0x4  }
0x16a: {  	v31 =	vshll.u32 v3, $0x4  }
0x16b: {  	v3 =	vand.u32 $0x7, v3;
	v4 =	vand.u32 $0xFFFFFF80, v31  }
0x16c: {  	v3 =	vor.u32 v3, v4  }
0x16d: {  	v4 =	vperm.xlane v3, v0;
	_ =	sdelay $0x1  }
0x16e: {  	v4 =	vadd.s32 v1, v4;
	_ =	sdelay $0x4  }
0x16f: {  	[tilespmem:s1], [sflag:$0x2] =	stream.indirect_vreg.gather [hbm4b:s2+s3], $0x80, v4, vm0, $0xb8;
	[tilespmem:$0x18200] =	vst v63  }
0x170: {  	_ = 	snop  }
0x171: {  	[tilespmem:s0], [sflag:$0x2] =	stream.indirect_vreg.gather [hbm4b:s5+s3], $0x80, v4, vm0, $0xb8;
	[tilespmem:$0x18200] =	vst v63  }
0x172: {  	s14 =	simm.s32 $0xD200  }
0x173: {  	[tilespmem:s14], [sflag:$0x2] =	stream.indirect_vreg.gather [hbm4b:s6+s3], $0x80, v4, vm0, $0xb8;
	[tilespmem:$0x18200] =	vst v63  }
0x174: {  	_ = 	snop  }
0x175: {  	[tilespmem:s4], [sflag:$0x2] =	stream.indirect_vreg.gather [hbm4b:s7+s3], $0x80, v4, vm0, $0xb8;
	[tilespmem:$0x18200] =	vst v63  }
0x176: {  	_ = 	snop  }
0x177: {  	[tilespmem:s12], [sflag:$0x2] =	stream.indirect_vreg.gather [hbm4b:s8+s3], $0x80, v4, vm0, $0xb8;
	[tilespmem:$0x18200] =	vst v63  }
0x178: {  	v3 =	vperm.xlane v3, v2  }
0x179: {  	[tilespmem:s13], [sflag:$0x2] =	stream.indirect_vreg.gather [hbm4b:s9+s3], $0x80, v4, vm0, $0xb8;
	[tilespmem:$0x18200] =	vst v63  }
0x17a: {  	v3 =	vadd.s32 v1, v3  }
0x17b: {  	[tilespmem:s15], [sflag:$0x2] =	stream.indirect_vreg.gather [hbm4b:s10+s3], $0x80, v4, vm0, $0xb8;
	[tilespmem:$0x18200] =	vst v63  }
0x17c: {  	s15 =	simm.s32 $0xFA00  }
0x17d: {  	[tilespmem:s15], [sflag:$0x2] =	stream.indirect_vreg.gather [hbm4b:s11+s3], $0x80, v4, vm0, $0xb8;
	[tilespmem:$0x18200] =	vst v63  }
0x17e: {  	_ = 	snop  }
0x17f: {  	[tilespmem:s23], [sflag:$0x2] =	stream.indirect_vreg.gather [hbm4b:s2+s3], $0x80, v3, vm0, $0xb8;
	[tilespmem:$0x18200] =	vst v63  }
0x180: {  	_ = 	snop  }
0x181: {  	[tilespmem:s18], [sflag:$0x2] =	stream.indirect_vreg.gather [hbm4b:s5+s3], $0x80, v3, vm0, $0xb8;
	[tilespmem:$0x18200] =	vst v63  }
0x182: {  	s16 =	simm.s32 $0x11200  }
0x183: {  	[tilespmem:s16], [sflag:$0x2] =	stream.indirect_vreg.gather [hbm4b:s6+s3], $0x80, v3, vm0, $0xb8;
	[tilespmem:$0x18200] =	vst v63  }
0x184: {  	s17 =	simm.s32 $0x11A00  }
0x185: {  	[tilespmem:s17], [sflag:$0x2] =	stream.indirect_vreg.gather [hbm4b:s7+s3], $0x80, v3, vm0, $0xb8;
	[tilespmem:$0x18200] =	vst v63  }
0x186: {  	s18 =	simm.s32 $0x12200  }
0x187: {  	[tilespmem:s18], [sflag:$0x2] =	stream.indirect_vreg.gather [hbm4b:s8+s3], $0x80, v3, vm0, $0xb8;
	[tilespmem:$0x18200] =	vst v63  }
0x188: {  	s19 =	simm.s32 $0x12A00  }
0x189: {  	[tilespmem:s19], [sflag:$0x2] =	stream.indirect_vreg.gather [hbm4b:s9+s3], $0x80, v3, vm0, $0xb8;
	[tilespmem:$0x18200] =	vst v63  }
0x18a: {  	s20 =	simm.s32 $0x13200  }
0x18b: {  	[tilespmem:s20], [sflag:$0x2] =	stream.indirect_vreg.gather [hbm4b:s10+s3], $0x80, v3, vm0, $0xb8;
	[tilespmem:$0x18200] =	vst v63  }
0x18c: {  	s21 =	simm.s32 $0x13A00  }
0x18d: {  	[tilespmem:s21], [sflag:$0x2] =	stream.indirect_vreg.gather [hbm4b:s11+s3], $0x80, v3, vm0, $0xb8;
	[tilespmem:$0x18200] =	vst v63  }
0x18e: {  	v3 =	vld.msk [tilespmem:$0x88], $0xff;
	_ =	sdelay $0x4  }
0x18f: {  	v32 =	vshll.u32 v3, $0x4  }
0x190: {  	v3 =	vand.u32 $0x7, v3;
	v4 =	vand.u32 $0xFFFFFF80, v32  }
0x191: {  	v3 =	vor.u32 v3, v4  }
0x192: {  	v3 =	vperm.xlane v3, v0;
	_ =	sdelay $0x1  }
0x193: {  	v3 =	vadd.s32 v1, v3;
	_ =	sdelay $0x3  }
0x194: {  	s22 =	simm.s32 $0x14200  }
0x195: {  	[tilespmem:s22], [sflag:$0x2] =	stream.indirect_vreg.gather [hbm4b:s2+s3], $0x80, v3, vm0, $0xb8;
	[tilespmem:$0x18200] =	vst v63  }
0x196: {  	s23 =	simm.s32 $0x14A00  }
0x197: {  	[tilespmem:s23], [sflag:$0x2] =	stream.indirect_vreg.gather [hbm4b:s5+s3], $0x80, v3, vm0, $0xb8;
	[tilespmem:$0x18200] =	vst v63  }
0x198: {  	s24 =	simm.s32 $0x15200  }
0x199: {  	[tilespmem:s24], [sflag:$0x2] =	stream.indirect_vreg.gather [hbm4b:s6+s3], $0x80, v3, vm0, $0xb8;
	[tilespmem:$0x18200] =	vst v63  }
0x19a: {  	s25 =	simm.s32 $0x15A00  }
0x19b: {  	[tilespmem:s25], [sflag:$0x2] =	stream.indirect_vreg.gather [hbm4b:s7+s3], $0x80, v3, vm0, $0xb8;
	[tilespmem:$0x18200] =	vst v63  }
0x19c: {  	s31 =	simm.s32 $0x16200  }
0x19d: {  	[tilespmem:s31], [sflag:$0x2] =	stream.indirect_vreg.gather [hbm4b:s8+s3], $0x80, v3, vm0, $0xb8;
	[tilespmem:$0x18200] =	vst v63  }
0x19e: {  	s4 =	simm.s32 $0x16A00  }
0x19f: {  	[tilespmem:s4], [sflag:$0x2] =	stream.indirect_vreg.gather [hbm4b:s9+s3], $0x80, v3, vm0, $0xb8;
	[tilespmem:$0x18200] =	vst v63  }
0x1a0: {  	s12 =	simm.s32 $0x17200  }
0x1a1: {  	[tilespmem:s12], [sflag:$0x2] =	stream.indirect_vreg.gather [hbm4b:s10+s3], $0x80, v3, vm0, $0xb8;
	[tilespmem:$0x18200] =	vst v63  }
0x1a2: {  	s13 =	simm.s32 $0x17A00  }
0x1a3: {  	[tilespmem:s13], [sflag:$0x2] =	stream.indirect_vreg.gather [hbm4b:s11+s3], $0x80, v3, vm0, $0xb8;
	[tilespmem:$0x18200] =	vst v63  }
0x1a4: {  	_ =	swait.ge [sflag:s26], $0xC000  }
0x1a5: {  	[sflag:s26] =	ssyncset.done $0x0  }
0x1a6: {  	s15 =	simm.s32 $0x200;
	s14 =	rddreg [dreg:$0x8];
	[sflag:s26] =	ssyncadd.s32 $0xFFFF4000  }
0x1a7: {  	[hbm4b:s14+s3] =	stream.linear.scatter [tilespmem:s15], [sflag:$0x3], $0xC000, $0x38;
	[tilespmem:$0x18200] =	vst v63  }
0x1a8: {  	_ =	swait.ge [sflag:s28], $0xC000  }
0x1a9: {  	[sflag:s28] =	ssyncset.done $0x0  }
0x1aa: {  	[sflag:s28] =	ssyncadd.s32 $0xFFFF4000  }
0x1ab: {  	v3 =	vld [tilespmem:$0x90];
	_ =	sdelay $0x4  }
0x1ac: {  	v33 =	vshll.u32 v3, $0x4  }
0x1ad: {  	v3 =	vand.u32 $0x7, v3;
	v4 =	vand.u32 $0xFFFFFF80, v33  }
0x1ae: {  	v3 =	vor.u32 v3, v4  }
0x1af: {  	v4 =	vperm.xlane v3, v0;
	_ =	sdelay $0x1  }
0x1b0: {  	v4 =	vadd.s32 v1, v4;
	_ =	sdelay $0x4  }
0x1b1: {  	[tilespmem:s15], [sflag:$0x1] =	stream.indirect_vreg.gather [hbm4b:s2+s3], $0x80, v4, vm0, $0xb8;
	[tilespmem:$0x18200] =	vst v63  }
0x1b2: {  	s18 =	simm.s32 $0xA00  }
0x1b3: {  	[tilespmem:s18], [sflag:$0x1] =	stream.indirect_vreg.gather [hbm4b:s5+s3], $0x80, v4, vm0, $0xb8;
	[tilespmem:$0x18200] =	vst v63  }
0x1b4: {  	s19 =	simm.s32 $0x1200  }
0x1b5: {  	[tilespmem:s19], [sflag:$0x1] =	stream.indirect_vreg.gather [hbm4b:s6+s3], $0x80, v4, vm0, $0xb8;
	[tilespmem:$0x18200] =	vst v63  }
0x1b6: {  	s20 =	simm.s32 $0x1A00  }
0x1b7: {  	[tilespmem:s20], [sflag:$0x1] =	stream.indirect_vreg.gather [hbm4b:s7+s3], $0x80, v4, vm0, $0xb8;
	[tilespmem:$0x18200] =	vst v63  }
0x1b8: {  	s16 =	simm.s32 $0x2200  }
0x1b9: {  	[tilespmem:s16], [sflag:$0x1] =	stream.indirect_vreg.gather [hbm4b:s8+s3], $0x80, v4, vm0, $0xb8;
	[tilespmem:$0x18200] =	vst v63  }
0x1ba: {  	v3 =	vperm.xlane v3, v2;
	s15 =	simm.s32 $0x2A00  }
0x1bb: {  	[tilespmem:s15], [sflag:$0x1] =	stream.indirect_vreg.gather [hbm4b:s9+s3], $0x80, v4, vm0, $0xb8;
	[tilespmem:$0x18200] =	vst v63  }
0x1bc: {  	s21 =	simm.s32 $0x3200;
	v3 =	vadd.s32 v1, v3  }
0x1bd: {  	[tilespmem:s21], [sflag:$0x1] =	stream.indirect_vreg.gather [hbm4b:s10+s3], $0x80, v4, vm0, $0xb8;
	[tilespmem:$0x18200] =	vst v63  }
0x1be: {  	s22 =	simm.s32 $0x3A00  }
0x1bf: {  	[tilespmem:s22], [sflag:$0x1] =	stream.indirect_vreg.gather [hbm4b:s11+s3], $0x80, v4, vm0, $0xb8;
	[tilespmem:$0x18200] =	vst v63  }
0x1c0: {  	s23 =	simm.s32 $0x4200  }
0x1c1: {  	[tilespmem:s23], [sflag:$0x1] =	stream.indirect_vreg.gather [hbm4b:s2+s3], $0x80, v3, vm0, $0xb8;
	[tilespmem:$0x18200] =	vst v63  }
0x1c2: {  	s24 =	simm.s32 $0x4A00  }
0x1c3: {  	[tilespmem:s24], [sflag:$0x1] =	stream.indirect_vreg.gather [hbm4b:s5+s3], $0x80, v3, vm0, $0xb8;
	[tilespmem:$0x18200] =	vst v63  }
0x1c4: {  	s25 =	simm.s32 $0x5200  }
0x1c5: {  	[tilespmem:s25], [sflag:$0x1] =	stream.indirect_vreg.gather [hbm4b:s6+s3], $0x80, v3, vm0, $0xb8;
	[tilespmem:$0x18200] =	vst v63  }
0x1c6: {  	s17 =	simm.s32 $0x5A00  }
0x1c7: {  	[tilespmem:s17], [sflag:$0x1] =	stream.indirect_vreg.gather [hbm4b:s7+s3], $0x80, v3, vm0, $0xb8;
	[tilespmem:$0x18200] =	vst v63  }
0x1c8: {  	s31 =	simm.s32 $0x6200  }
0x1c9: {  	[tilespmem:s31], [sflag:$0x1] =	stream.indirect_vreg.gather [hbm4b:s8+s3], $0x80, v3, vm0, $0xb8;
	[tilespmem:$0x18200] =	vst v63  }
0x1ca: {  	s4 =	simm.s32 $0x6A00  }
0x1cb: {  	[tilespmem:s4], [sflag:$0x1] =	stream.indirect_vreg.gather [hbm4b:s9+s3], $0x80, v3, vm0, $0xb8;
	[tilespmem:$0x18200] =	vst v63  }
0x1cc: {  	s12 =	simm.s32 $0x7200  }
0x1cd: {  	[tilespmem:s12], [sflag:$0x1] =	stream.indirect_vreg.gather [hbm4b:s10+s3], $0x80, v3, vm0, $0xb8;
	[tilespmem:$0x18200] =	vst v63  }
0x1ce: {  	s16 =	simm.s32 $0x7A00  }
0x1cf: {  	[tilespmem:s16], [sflag:$0x1] =	stream.indirect_vreg.gather [hbm4b:s11+s3], $0x80, v3, vm0, $0xb8;
	[tilespmem:$0x18200] =	vst v63  }
0x1d0: {  	v3 =	vld.msk [tilespmem:$0xA0], $0xff;
	_ =	sdelay $0x4  }
0x1d1: {  	v34 =	vshll.u32 v3, $0x4  }
0x1d2: {  	v3 =	vand.u32 $0x7, v3;
	v4 =	vand.u32 $0xFFFFFF80, v34  }
0x1d3: {  	v3 =	vor.u32 v3, v4  }
0x1d4: {  	v3 =	vperm.xlane v3, v0;
	_ =	sdelay $0x1  }
0x1d5: {  	v3 =	vadd.s32 v1, v3;
	_ =	sdelay $0x3  }
0x1d6: {  	s13 =	simm.s32 $0x8200  }
0x1d7: {  	[tilespmem:s13], [sflag:$0x1] =	stream.indirect_vreg.gather [hbm4b:s2+s3], $0x80, v3, vm0, $0xb8;
	[tilespmem:$0x18200] =	vst v63  }
0x1d8: {  	s14 =	simm.s32 $0x8A00  }
0x1d9: {  	[tilespmem:s14], [sflag:$0x1] =	stream.indirect_vreg.gather [hbm4b:s5+s3], $0x80, v3, vm0, $0xb8;
	[tilespmem:$0x18200] =	vst v63  }
0x1da: {  	s17 =	simm.s32 $0x9200  }
0x1db: {  	[tilespmem:s17], [sflag:$0x1] =	stream.indirect_vreg.gather [hbm4b:s6+s3], $0x80, v3, vm0, $0xb8;
	[tilespmem:$0x18200] =	vst v63  }
0x1dc: {  	s4 =	simm.s32 $0x9A00  }
0x1dd: {  	[tilespmem:s4], [sflag:$0x1] =	stream.indirect_vreg.gather [hbm4b:s7+s3], $0x80, v3, vm0, $0xb8;
	[tilespmem:$0x18200] =	vst v63  }
0x1de: {  	s12 =	simm.s32 $0xA200  }
0x1df: {  	[tilespmem:s12], [sflag:$0x1] =	stream.indirect_vreg.gather [hbm4b:s8+s3], $0x80, v3, vm0, $0xb8;
	[tilespmem:$0x18200] =	vst v63  }
0x1e0: {  	s13 =	simm.s32 $0xAA00  }
0x1e1: {  	[tilespmem:s13], [sflag:$0x1] =	stream.indirect_vreg.gather [hbm4b:s9+s3], $0x80, v3, vm0, $0xb8;
	[tilespmem:$0x18200] =	vst v63  }
0x1e2: {  	s14 =	simm.s32 $0xB200  }
0x1e3: {  	[tilespmem:s14], [sflag:$0x1] =	stream.indirect_vreg.gather [hbm4b:s10+s3], $0x80, v3, vm0, $0xb8;
	[tilespmem:$0x18200] =	vst v63  }
0x1e4: {  	s17 =	simm.s32 $0xBA00  }
0x1e5: {  	[tilespmem:s17], [sflag:$0x1] =	stream.indirect_vreg.gather [hbm4b:s11+s3], $0x80, v3, vm0, $0xb8;
	[tilespmem:$0x18200] =	vst v63  }
0x1e6: {  	_ =	swait.ge [sflag:s29], $0xC000  }
0x1e7: {  	[sflag:s29] =	ssyncset.done $0x0  }
0x1e8: {  	s0 =	simm.s32 $0xC200;
	s31 =	rddreg [dreg:$0x9];
	[sflag:s29] =	ssyncadd.s32 $0xFFFF4000  }
0x1e9: {  	[hbm4b:s31+s3] =	stream.linear.scatter [tilespmem:s0], [sflag:$0x4], $0xC000, $0x38;
	[tilespmem:$0x18200] =	vst v63  }
0x1ea: {  	_ =	swait.ge [sflag:s30], $0xC000  }
0x1eb: {  	[sflag:s30] =	ssyncset.done $0x0  }
0x1ec: {  	[sflag:s30] =	ssyncadd.s32 $0xFFFF4000  }
0x1ed: {  	v3 =	vld [tilespmem:$0xA8];
	_ =	sdelay $0x4  }
0x1ee: {  	v35 =	vshll.u32 v3, $0x4  }
0x1ef: {  	v3 =	vand.u32 $0x7, v3;
	v4 =	vand.u32 $0xFFFFFF80, v35  }
0x1f0: {  	v3 =	vor.u32 v3, v4  }
0x1f1: {  	v4 =	vperm.xlane v3, v0;
	_ =	sdelay $0x1  }
0x1f2: {  	v4 =	vadd.s32 v1, v4;
	_ =	sdelay $0x4  }
0x1f3: {  	[tilespmem:s0], [sflag:$0x2] =	stream.indirect_vreg.gather [hbm4b:s2+s3], $0x80, v4, vm0, $0xb8;
	[tilespmem:$0x18200] =	vst v63  }
0x1f4: {  	s1 =	simm.s32 $0xCA00  }
0x1f5: {  	[tilespmem:s1], [sflag:$0x2] =	stream.indirect_vreg.gather [hbm4b:s5+s3], $0x80, v4, vm0, $0xb8;
	[tilespmem:$0x18200] =	vst v63  }
0x1f6: {  	s31 =	simm.s32 $0xD200  }
0x1f7: {  	[tilespmem:s31], [sflag:$0x2] =	stream.indirect_vreg.gather [hbm4b:s6+s3], $0x80, v4, vm0, $0xb8;
	[tilespmem:$0x18200] =	vst v63  }
0x1f8: {  	s1 =	simm.s32 $0xDA00  }
0x1f9: {  	[tilespmem:s1], [sflag:$0x2] =	stream.indirect_vreg.gather [hbm4b:s7+s3], $0x80, v4, vm0, $0xb8;
	[tilespmem:$0x18200] =	vst v63  }
0x1fa: {  	s31 =	simm.s32 $0xE200  }
0x1fb: {  	[tilespmem:s31], [sflag:$0x2] =	stream.indirect_vreg.gather [hbm4b:s8+s3], $0x80, v4, vm0, $0xb8;
	[tilespmem:$0x18200] =	vst v63  }
0x1fc: {  	v3 =	vperm.xlane v3, v2;
	s1 =	simm.s32 $0xEA00  }
0x1fd: {  	[tilespmem:s1], [sflag:$0x2] =	stream.indirect_vreg.gather [hbm4b:s9+s3], $0x80, v4, vm0, $0xb8;
	[tilespmem:$0x18200] =	vst v63  }
0x1fe: {  	v3 =	vadd.s32 v1, v3;
	s31 =	simm.s32 $0xF200  }
0x1ff: {  	[tilespmem:s31], [sflag:$0x2] =	stream.indirect_vreg.gather [hbm4b:s10+s3], $0x80, v4, vm0, $0xb8;
	[tilespmem:$0x18200] =	vst v63  }
0x200: {  	s1 =	simm.s32 $0xFA00  }
0x201: {  	[tilespmem:s1], [sflag:$0x2] =	stream.indirect_vreg.gather [hbm4b:s11+s3], $0x80, v4, vm0, $0xb8;
	[tilespmem:$0x18200] =	vst v63  }
0x202: {  	s1 =	simm.s32 $0x10200  }
0x203: {  	[tilespmem:s1], [sflag:$0x2] =	stream.indirect_vreg.gather [hbm4b:s2+s3], $0x80, v3, vm0, $0xb8;
	[tilespmem:$0x18200] =	vst v63  }
0x204: {  	s31 =	simm.s32 $0x10A00  }
0x205: {  	[tilespmem:s31], [sflag:$0x2] =	stream.indirect_vreg.gather [hbm4b:s5+s3], $0x80, v3, vm0, $0xb8;
	[tilespmem:$0x18200] =	vst v63  }
0x206: {  	s31 =	simm.s32 $0x11200  }
0x207: {  	[tilespmem:s31], [sflag:$0x2] =	stream.indirect_vreg.gather [hbm4b:s6+s3], $0x80, v3, vm0, $0xb8;
	[tilespmem:$0x18200] =	vst v63  }
0x208: {  	s31 =	simm.s32 $0x11A00  }
0x209: {  	[tilespmem:s31], [sflag:$0x2] =	stream.indirect_vreg.gather [hbm4b:s7+s3], $0x80, v3, vm0, $0xb8;
	[tilespmem:$0x18200] =	vst v63  }
0x20a: {  	s31 =	simm.s32 $0x12200  }
0x20b: {  	[tilespmem:s31], [sflag:$0x2] =	stream.indirect_vreg.gather [hbm4b:s8+s3], $0x80, v3, vm0, $0xb8;
	[tilespmem:$0x18200] =	vst v63  }
0x20c: {  	s31 =	simm.s32 $0x12A00  }
0x20d: {  	[tilespmem:s31], [sflag:$0x2] =	stream.indirect_vreg.gather [hbm4b:s9+s3], $0x80, v3, vm0, $0xb8;
	[tilespmem:$0x18200] =	vst v63  }
0x20e: {  	s31 =	simm.s32 $0x13200  }
0x20f: {  	[tilespmem:s31], [sflag:$0x2] =	stream.indirect_vreg.gather [hbm4b:s10+s3], $0x80, v3, vm0, $0xb8;
	[tilespmem:$0x18200] =	vst v63  }
0x210: {  	s31 =	simm.s32 $0x13A00  }
0x211: {  	[tilespmem:s31], [sflag:$0x2] =	stream.indirect_vreg.gather [hbm4b:s11+s3], $0x80, v3, vm0, $0xb8;
	[tilespmem:$0x18200] =	vst v63  }
0x212: {  	v3 =	vld.msk [tilespmem:$0xB8], $0xff;
	_ =	sdelay $0x4  }
0x213: {  	v36 =	vshll.u32 v3, $0x4  }
0x214: {  	v3 =	vand.u32 $0x7, v3;
	v4 =	vand.u32 $0xFFFFFF80, v36  }
0x215: {  	v3 =	vor.u32 v3, v4  }
0x216: {  	v3 =	vperm.xlane v3, v0;
	_ =	sdelay $0x1  }
0x217: {  	v3 =	vadd.s32 v1, v3;
	_ =	sdelay $0x3  }
0x218: {  	s31 =	simm.s32 $0x14200  }
0x219: {  	[tilespmem:s31], [sflag:$0x2] =	stream.indirect_vreg.gather [hbm4b:s2+s3], $0x80, v3, vm0, $0xb8;
	[tilespmem:$0x18200] =	vst v63  }
0x21a: {  	s31 =	simm.s32 $0x14A00  }
0x21b: {  	[tilespmem:s31], [sflag:$0x2] =	stream.indirect_vreg.gather [hbm4b:s5+s3], $0x80, v3, vm0, $0xb8;
	[tilespmem:$0x18200] =	vst v63  }
0x21c: {  	s31 =	simm.s32 $0x15200  }
0x21d: {  	[tilespmem:s31], [sflag:$0x2] =	stream.indirect_vreg.gather [hbm4b:s6+s3], $0x80, v3, vm0, $0xb8;
	[tilespmem:$0x18200] =	vst v63  }
0x21e: {  	s31 =	simm.s32 $0x15A00  }
0x21f: {  	[tilespmem:s31], [sflag:$0x2] =	stream.indirect_vreg.gather [hbm4b:s7+s3], $0x80, v3, vm0, $0xb8;
	[tilespmem:$0x18200] =	vst v63  }
0x220: {  	s31 =	simm.s32 $0x16200  }
0x221: {  	[tilespmem:s31], [sflag:$0x2] =	stream.indirect_vreg.gather [hbm4b:s8+s3], $0x80, v3, vm0, $0xb8;
	[tilespmem:$0x18200] =	vst v63  }
0x222: {  	s31 =	simm.s32 $0x16A00  }
0x223: {  	[tilespmem:s31], [sflag:$0x2] =	stream.indirect_vreg.gather [hbm4b:s9+s3], $0x80, v3, vm0, $0xb8;
	[tilespmem:$0x18200] =	vst v63  }
0x224: {  	s31 =	simm.s32 $0x17200  }
0x225: {  	[tilespmem:s31], [sflag:$0x2] =	stream.indirect_vreg.gather [hbm4b:s10+s3], $0x80, v3, vm0, $0xb8;
	[tilespmem:$0x18200] =	vst v63  }
0x226: {  	s31 =	simm.s32 $0x17A00  }
0x227: {  	[tilespmem:s31], [sflag:$0x2] =	stream.indirect_vreg.gather [hbm4b:s11+s3], $0x80, v3, vm0, $0xb8;
	[tilespmem:$0x18200] =	vst v63  }
0x228: {  	_ =	swait.ge [sflag:s26], $0xC000  }
0x229: {  	[sflag:s26] =	ssyncset.done $0x0  }
0x22a: {  	s0 =	simm.s32 $0x200;
	s31 =	rddreg [dreg:$0xa];
	[sflag:s26] =	ssyncadd.s32 $0xFFFF4000  }
0x22b: {  	[hbm4b:s31+s3] =	stream.linear.scatter [tilespmem:s0], [sflag:$0x3], $0xC000, $0x38;
	[tilespmem:$0x18200] =	vst v63  }
0x22c: {  	_ =	swait.ge [sflag:s28], $0xC000  }
0x22d: {  	[sflag:s28] =	ssyncset.done $0x0  }
0x22e: {  	[sflag:s28] =	ssyncadd.s32 $0xFFFF4000  }
0x22f: {  	v3 =	vld [tilespmem:$0xC0];
	_ =	sdelay $0x4  }
0x230: {  	v37 =	vshll.u32 v3, $0x4  }
0x231: {  	v3 =	vand.u32 $0x7, v3;
	v4 =	vand.u32 $0xFFFFFF80, v37  }
0x232: {  	v3 =	vor.u32 v3, v4  }
0x233: {  	v4 =	vperm.xlane v3, v0;
	_ =	sdelay $0x1  }
0x234: {  	v4 =	vadd.s32 v1, v4;
	_ =	sdelay $0x4  }
0x235: {  	[tilespmem:s0], [sflag:$0x1] =	stream.indirect_vreg.gather [hbm4b:s2+s3], $0x80, v4, vm0, $0xb8;
	[tilespmem:$0x18200] =	vst v63  }
0x236: {  	_ = 	snop  }
0x237: {  	[tilespmem:s18], [sflag:$0x1] =	stream.indirect_vreg.gather [hbm4b:s5+s3], $0x80, v4, vm0, $0xb8;
	[tilespmem:$0x18200] =	vst v63  }
0x238: {  	_ = 	snop  }
0x239: {  	[tilespmem:s19], [sflag:$0x1] =	stream.indirect_vreg.gather [hbm4b:s6+s3], $0x80, v4, vm0, $0xb8;
	[tilespmem:$0x18200] =	vst v63  }
0x23a: {  	_ = 	snop  }
0x23b: {  	[tilespmem:s20], [sflag:$0x1] =	stream.indirect_vreg.gather [hbm4b:s7+s3], $0x80, v4, vm0, $0xb8;
	[tilespmem:$0x18200] =	vst v63  }
0x23c: {  	s31 =	simm.s32 $0x2200  }
0x23d: {  	[tilespmem:s31], [sflag:$0x1] =	stream.indirect_vreg.gather [hbm4b:s8+s3], $0x80, v4, vm0, $0xb8;
	[tilespmem:$0x18200] =	vst v63  }
0x23e: {  	v3 =	vperm.xlane v3, v2  }
0x23f: {  	[tilespmem:s15], [sflag:$0x1] =	stream.indirect_vreg.gather [hbm4b:s9+s3], $0x80, v4, vm0, $0xb8;
	[tilespmem:$0x18200] =	vst v63  }
0x240: {  	v3 =	vadd.s32 v1, v3  }
0x241: {  	[tilespmem:s21], [sflag:$0x1] =	stream.indirect_vreg.gather [hbm4b:s10+s3], $0x80, v4, vm0, $0xb8;
	[tilespmem:$0x18200] =	vst v63  }
0x242: {  	_ = 	snop  }
0x243: {  	[tilespmem:s22], [sflag:$0x1] =	stream.indirect_vreg.gather [hbm4b:s11+s3], $0x80, v4, vm0, $0xb8;
	[tilespmem:$0x18200] =	vst v63  }
0x244: {  	_ = 	snop  }
0x245: {  	[tilespmem:s23], [sflag:$0x1] =	stream.indirect_vreg.gather [hbm4b:s2+s3], $0x80, v3, vm0, $0xb8;
	[tilespmem:$0x18200] =	vst v63  }
0x246: {  	_ = 	snop  }
0x247: {  	[tilespmem:s24], [sflag:$0x1] =	stream.indirect_vreg.gather [hbm4b:s5+s3], $0x80, v3, vm0, $0xb8;
	[tilespmem:$0x18200] =	vst v63  }
0x248: {  	_ = 	snop  }
0x249: {  	[tilespmem:s25], [sflag:$0x1] =	stream.indirect_vreg.gather [hbm4b:s6+s3], $0x80, v3, vm0, $0xb8;
	[tilespmem:$0x18200] =	vst v63  }
0x24a: {  	s31 =	simm.s32 $0x5A00  }
0x24b: {  	[tilespmem:s31], [sflag:$0x1] =	stream.indirect_vreg.gather [hbm4b:s7+s3], $0x80, v3, vm0, $0xb8;
	[tilespmem:$0x18200] =	vst v63  }
0x24c: {  	s25 =	simm.s32 $0x6200  }
0x24d: {  	[tilespmem:s25], [sflag:$0x1] =	stream.indirect_vreg.gather [hbm4b:s8+s3], $0x80, v3, vm0, $0xb8;
	[tilespmem:$0x18200] =	vst v63  }
0x24e: {  	s31 =	simm.s32 $0x6A00  }
0x24f: {  	[tilespmem:s31], [sflag:$0x1] =	stream.indirect_vreg.gather [hbm4b:s9+s3], $0x80, v3, vm0, $0xb8;
	[tilespmem:$0x18200] =	vst v63  }
0x250: {  	s25 =	simm.s32 $0x7200  }
0x251: {  	[tilespmem:s25], [sflag:$0x1] =	stream.indirect_vreg.gather [hbm4b:s10+s3], $0x80, v3, vm0, $0xb8;
	[tilespmem:$0x18200] =	vst v63  }
0x252: {  	_ = 	snop  }
0x253: {  	[tilespmem:s16], [sflag:$0x1] =	stream.indirect_vreg.gather [hbm4b:s11+s3], $0x80, v3, vm0, $0xb8;
	[tilespmem:$0x18200] =	vst v63  }
0x254: {  	v3 =	vld.msk [tilespmem:$0xD0], $0xff;
	_ =	sdelay $0x4  }
0x255: {  	v38 =	vshll.u32 v3, $0x4  }
0x256: {  	v3 =	vand.u32 $0x7, v3;
	v4 =	vand.u32 $0xFFFFFF80, v38  }
0x257: {  	v3 =	vor.u32 v3, v4  }
0x258: {  	v3 =	vperm.xlane v3, v0;
	_ =	sdelay $0x1  }
0x259: {  	v3 =	vadd.s32 v1, v3;
	_ =	sdelay $0x3  }
0x25a: {  	s31 =	simm.s32 $0x8200  }
0x25b: {  	[tilespmem:s31], [sflag:$0x1] =	stream.indirect_vreg.gather [hbm4b:s2+s3], $0x80, v3, vm0, $0xb8;
	[tilespmem:$0x18200] =	vst v63  }
0x25c: {  	s25 =	simm.s32 $0x8A00  }
0x25d: {  	[tilespmem:s25], [sflag:$0x1] =	stream.indirect_vreg.gather [hbm4b:s5+s3], $0x80, v3, vm0, $0xb8;
	[tilespmem:$0x18200] =	vst v63  }
0x25e: {  	s31 =	simm.s32 $0x9200  }
0x25f: {  	[tilespmem:s31], [sflag:$0x1] =	stream.indirect_vreg.gather [hbm4b:s6+s3], $0x80, v3, vm0, $0xb8;
	[tilespmem:$0x18200] =	vst v63  }
0x260: {  	_ = 	snop  }
0x261: {  	[tilespmem:s4], [sflag:$0x1] =	stream.indirect_vreg.gather [hbm4b:s7+s3], $0x80, v3, vm0, $0xb8;
	[tilespmem:$0x18200] =	vst v63  }
0x262: {  	_ = 	snop  }
0x263: {  	[tilespmem:s12], [sflag:$0x1] =	stream.indirect_vreg.gather [hbm4b:s8+s3], $0x80, v3, vm0, $0xb8;
	[tilespmem:$0x18200] =	vst v63  }
0x264: {  	_ = 	snop  }
0x265: {  	[tilespmem:s13], [sflag:$0x1] =	stream.indirect_vreg.gather [hbm4b:s9+s3], $0x80, v3, vm0, $0xb8;
	[tilespmem:$0x18200] =	vst v63  }
0x266: {  	_ = 	snop  }
0x267: {  	[tilespmem:s14], [sflag:$0x1] =	stream.indirect_vreg.gather [hbm4b:s10+s3], $0x80, v3, vm0, $0xb8;
	[tilespmem:$0x18200] =	vst v63  }
0x268: {  	_ = 	snop  }
0x269: {  	[tilespmem:s17], [sflag:$0x1] =	stream.indirect_vreg.gather [hbm4b:s11+s3], $0x80, v3, vm0, $0xb8;
	[tilespmem:$0x18200] =	vst v63  }
0x26a: {  	_ =	swait.ge [sflag:s29], $0xC000  }
0x26b: {  	[sflag:s29] =	ssyncset.done $0x0  }
0x26c: {  	s4 =	simm.s32 $0xC200;
	s0 =	rddreg [dreg:$0xb];
	[sflag:s29] =	ssyncadd.s32 $0xFFFF4000  }
0x26d: {  	[hbm4b:s0+s3] =	stream.linear.scatter [tilespmem:s4], [sflag:$0x4], $0xC000, $0x38;
	[tilespmem:$0x18200] =	vst v63  }
0x26e: {  	_ =	swait.ge [sflag:s30], $0xC000  }
0x26f: {  	[sflag:s30] =	ssyncset.done $0x0  }
0x270: {  	[sflag:s30] =	ssyncadd.s32 $0xFFFF4000  }
0x271: {  	v3 =	vld [tilespmem:$0xD8];
	_ =	sdelay $0x4  }
0x272: {  	v39 =	vshll.u32 v3, $0x4  }
0x273: {  	v3 =	vand.u32 $0x7, v3;
	v4 =	vand.u32 $0xFFFFFF80, v39  }
0x274: {  	v3 =	vor.u32 v3, v4  }
0x275: {  	v4 =	vperm.xlane v3, v0;
	_ =	sdelay $0x1  }
0x276: {  	v4 =	vadd.s32 v1, v4;
	_ =	sdelay $0x4  }
0x277: {  	[tilespmem:s4], [sflag:$0x2] =	stream.indirect_vreg.gather [hbm4b:s2+s3], $0x80, v4, vm0, $0xb8;
	[tilespmem:$0x18200] =	vst v63  }
0x278: {  	s31 =	simm.s32 $0xCA00  }
0x279: {  	[tilespmem:s31], [sflag:$0x2] =	stream.indirect_vreg.gather [hbm4b:s5+s3], $0x80, v4, vm0, $0xb8;
	[tilespmem:$0x18200] =	vst v63  }
0x27a: {  	s31 =	simm.s32 $0xD200  }
0x27b: {  	[tilespmem:s31], [sflag:$0x2] =	stream.indirect_vreg.gather [hbm4b:s6+s3], $0x80, v4, vm0, $0xb8;
	[tilespmem:$0x18200] =	vst v63  }
0x27c: {  	s31 =	simm.s32 $0xDA00  }
0x27d: {  	[tilespmem:s31], [sflag:$0x2] =	stream.indirect_vreg.gather [hbm4b:s7+s3], $0x80, v4, vm0, $0xb8;
	[tilespmem:$0x18200] =	vst v63  }
0x27e: {  	s31 =	simm.s32 $0xE200  }
0x27f: {  	[tilespmem:s31], [sflag:$0x2] =	stream.indirect_vreg.gather [hbm4b:s8+s3], $0x80, v4, vm0, $0xb8;
	[tilespmem:$0x18200] =	vst v63  }
0x280: {  	v3 =	vperm.xlane v3, v2;
	s31 =	simm.s32 $0xEA00  }
0x281: {  	[tilespmem:s31], [sflag:$0x2] =	stream.indirect_vreg.gather [hbm4b:s9+s3], $0x80, v4, vm0, $0xb8;
	[tilespmem:$0x18200] =	vst v63  }
0x282: {  	v3 =	vadd.s32 v1, v3;
	s31 =	simm.s32 $0xF200  }
0x283: {  	[tilespmem:s31], [sflag:$0x2] =	stream.indirect_vreg.gather [hbm4b:s10+s3], $0x80, v4, vm0, $0xb8;
	[tilespmem:$0x18200] =	vst v63  }
0x284: {  	s31 =	simm.s32 $0xFA00  }
0x285: {  	[tilespmem:s31], [sflag:$0x2] =	stream.indirect_vreg.gather [hbm4b:s11+s3], $0x80, v4, vm0, $0xb8;
	[tilespmem:$0x18200] =	vst v63  }
0x286: {  	_ = 	snop  }
0x287: {  	[tilespmem:s1], [sflag:$0x2] =	stream.indirect_vreg.gather [hbm4b:s2+s3], $0x80, v3, vm0, $0xb8;
	[tilespmem:$0x18200] =	vst v63  }
0x288: {  	s31 =	simm.s32 $0x10A00  }
0x289: {  	[tilespmem:s31], [sflag:$0x2] =	stream.indirect_vreg.gather [hbm4b:s5+s3], $0x80, v3, vm0, $0xb8;
	[tilespmem:$0x18200] =	vst v63  }
0x28a: {  	s31 =	simm.s32 $0x11200  }
0x28b: {  	[tilespmem:s31], [sflag:$0x2] =	stream.indirect_vreg.gather [hbm4b:s6+s3], $0x80, v3, vm0, $0xb8;
	[tilespmem:$0x18200] =	vst v63  }
0x28c: {  	s31 =	simm.s32 $0x11A00  }
0x28d: {  	[tilespmem:s31], [sflag:$0x2] =	stream.indirect_vreg.gather [hbm4b:s7+s3], $0x80, v3, vm0, $0xb8;
	[tilespmem:$0x18200] =	vst v63  }
0x28e: {  	s31 =	simm.s32 $0x12200  }
0x28f: {  	[tilespmem:s31], [sflag:$0x2] =	stream.indirect_vreg.gather [hbm4b:s8+s3], $0x80, v3, vm0, $0xb8;
	[tilespmem:$0x18200] =	vst v63  }
0x290: {  	s31 =	simm.s32 $0x12A00  }
0x291: {  	[tilespmem:s31], [sflag:$0x2] =	stream.indirect_vreg.gather [hbm4b:s9+s3], $0x80, v3, vm0, $0xb8;
	[tilespmem:$0x18200] =	vst v63  }
0x292: {  	s31 =	simm.s32 $0x13200  }
0x293: {  	[tilespmem:s31], [sflag:$0x2] =	stream.indirect_vreg.gather [hbm4b:s10+s3], $0x80, v3, vm0, $0xb8;
	[tilespmem:$0x18200] =	vst v63  }
0x294: {  	s31 =	simm.s32 $0x13A00  }
0x295: {  	[tilespmem:s31], [sflag:$0x2] =	stream.indirect_vreg.gather [hbm4b:s11+s3], $0x80, v3, vm0, $0xb8;
	[tilespmem:$0x18200] =	vst v63  }
0x296: {  	v3 =	vld.msk [tilespmem:$0xE8], $0xff;
	_ =	sdelay $0x4  }
0x297: {  	v40 =	vshll.u32 v3, $0x4  }
0x298: {  	v3 =	vand.u32 $0x7, v3;
	v4 =	vand.u32 $0xFFFFFF80, v40  }
0x299: {  	v3 =	vor.u32 v3, v4  }
0x29a: {  	v3 =	vperm.xlane v3, v0;
	_ =	sdelay $0x1  }
0x29b: {  	v3 =	vadd.s32 v1, v3;
	_ =	sdelay $0x3  }
0x29c: {  	s31 =	simm.s32 $0x14200  }
0x29d: {  	[tilespmem:s31], [sflag:$0x2] =	stream.indirect_vreg.gather [hbm4b:s2+s3], $0x80, v3, vm0, $0xb8;
	[tilespmem:$0x18200] =	vst v63  }
0x29e: {  	s31 =	simm.s32 $0x14A00  }
0x29f: {  	[tilespmem:s31], [sflag:$0x2] =	stream.indirect_vreg.gather [hbm4b:s5+s3], $0x80, v3, vm0, $0xb8;
	[tilespmem:$0x18200] =	vst v63  }
0x2a0: {  	s31 =	simm.s32 $0x15200  }
0x2a1: {  	[tilespmem:s31], [sflag:$0x2] =	stream.indirect_vreg.gather [hbm4b:s6+s3], $0x80, v3, vm0, $0xb8;
	[tilespmem:$0x18200] =	vst v63  }
0x2a2: {  	s31 =	simm.s32 $0x15A00  }
0x2a3: {  	[tilespmem:s31], [sflag:$0x2] =	stream.indirect_vreg.gather [hbm4b:s7+s3], $0x80, v3, vm0, $0xb8;
	[tilespmem:$0x18200] =	vst v63  }
0x2a4: {  	s31 =	simm.s32 $0x16200  }
0x2a5: {  	[tilespmem:s31], [sflag:$0x2] =	stream.indirect_vreg.gather [hbm4b:s8+s3], $0x80, v3, vm0, $0xb8;
	[tilespmem:$0x18200] =	vst v63  }
0x2a6: {  	s31 =	simm.s32 $0x16A00  }
0x2a7: {  	[tilespmem:s31], [sflag:$0x2] =	stream.indirect_vreg.gather [hbm4b:s9+s3], $0x80, v3, vm0, $0xb8;
	[tilespmem:$0x18200] =	vst v63  }
0x2a8: {  	s31 =	simm.s32 $0x17200  }
0x2a9: {  	[tilespmem:s31], [sflag:$0x2] =	stream.indirect_vreg.gather [hbm4b:s10+s3], $0x80, v3, vm0, $0xb8;
	[tilespmem:$0x18200] =	vst v63  }
0x2aa: {  	s31 =	simm.s32 $0x17A00  }
0x2ab: {  	[tilespmem:s31], [sflag:$0x2] =	stream.indirect_vreg.gather [hbm4b:s11+s3], $0x80, v3, vm0, $0xb8;
	[tilespmem:$0x18200] =	vst v63  }
0x2ac: {  	_ =	swait.ge [sflag:s26], $0xC000  }
0x2ad: {  	[sflag:s26] =	ssyncset.done $0x0  }
0x2ae: {  	s0 =	simm.s32 $0x200;
	s31 =	rddreg [dreg:$0xc];
	[sflag:s26] =	ssyncadd.s32 $0xFFFF4000  }
0x2af: {  	[hbm4b:s31+s3] =	stream.linear.scatter [tilespmem:s0], [sflag:$0x3], $0xC000, $0x38;
	[tilespmem:$0x18200] =	vst v63  }
0x2b0: {  	_ =	swait.ge [sflag:s28], $0xC000  }
0x2b1: {  	[sflag:s28] =	ssyncset.done $0x0  }
0x2b2: {  	[sflag:s28] =	ssyncadd.s32 $0xFFFF4000  }
0x2b3: {  	v3 =	vld [tilespmem:$0xF0];
	_ =	sdelay $0x4  }
0x2b4: {  	v41 =	vshll.u32 v3, $0x4  }
0x2b5: {  	v3 =	vand.u32 $0x7, v3;
	v4 =	vand.u32 $0xFFFFFF80, v41  }
0x2b6: {  	v3 =	vor.u32 v3, v4  }
0x2b7: {  	v4 =	vperm.xlane v3, v0;
	_ =	sdelay $0x1  }
0x2b8: {  	v4 =	vadd.s32 v1, v4;
	_ =	sdelay $0x4  }
0x2b9: {  	[tilespmem:s0], [sflag:$0x1] =	stream.indirect_vreg.gather [hbm4b:s2+s3], $0x80, v4, vm0, $0xb8;
	[tilespmem:$0x18200] =	vst v63  }
0x2ba: {  	s18 =	simm.s32 $0xA00  }
0x2bb: {  	[tilespmem:s18], [sflag:$0x1] =	stream.indirect_vreg.gather [hbm4b:s5+s3], $0x80, v4, vm0, $0xb8;
	[tilespmem:$0x18200] =	vst v63  }
0x2bc: {  	s19 =	simm.s32 $0x1200  }
0x2bd: {  	[tilespmem:s19], [sflag:$0x1] =	stream.indirect_vreg.gather [hbm4b:s6+s3], $0x80, v4, vm0, $0xb8;
	[tilespmem:$0x18200] =	vst v63  }
0x2be: {  	s20 =	simm.s32 $0x1A00  }
0x2bf: {  	[tilespmem:s20], [sflag:$0x1] =	stream.indirect_vreg.gather [hbm4b:s7+s3], $0x80, v4, vm0, $0xb8;
	[tilespmem:$0x18200] =	vst v63  }
0x2c0: {  	s19 =	simm.s32 $0x2200  }
0x2c1: {  	[tilespmem:s19], [sflag:$0x1] =	stream.indirect_vreg.gather [hbm4b:s8+s3], $0x80, v4, vm0, $0xb8;
	[tilespmem:$0x18200] =	vst v63  }
0x2c2: {  	s15 =	simm.s32 $0x2A00;
	v3 =	vperm.xlane v3, v2  }
0x2c3: {  	[tilespmem:s15], [sflag:$0x1] =	stream.indirect_vreg.gather [hbm4b:s9+s3], $0x80, v4, vm0, $0xb8;
	[tilespmem:$0x18200] =	vst v63  }
0x2c4: {  	s21 =	simm.s32 $0x3200;
	v3 =	vadd.s32 v1, v3  }
0x2c5: {  	[tilespmem:s21], [sflag:$0x1] =	stream.indirect_vreg.gather [hbm4b:s10+s3], $0x80, v4, vm0, $0xb8;
	[tilespmem:$0x18200] =	vst v63  }
0x2c6: {  	s22 =	simm.s32 $0x3A00  }
0x2c7: {  	[tilespmem:s22], [sflag:$0x1] =	stream.indirect_vreg.gather [hbm4b:s11+s3], $0x80, v4, vm0, $0xb8;
	[tilespmem:$0x18200] =	vst v63  }
0x2c8: {  	s23 =	simm.s32 $0x4200  }
0x2c9: {  	[tilespmem:s23], [sflag:$0x1] =	stream.indirect_vreg.gather [hbm4b:s2+s3], $0x80, v3, vm0, $0xb8;
	[tilespmem:$0x18200] =	vst v63  }
0x2ca: {  	s24 =	simm.s32 $0x4A00  }
0x2cb: {  	[tilespmem:s24], [sflag:$0x1] =	stream.indirect_vreg.gather [hbm4b:s5+s3], $0x80, v3, vm0, $0xb8;
	[tilespmem:$0x18200] =	vst v63  }
0x2cc: {  	s20 =	simm.s32 $0x5200  }
0x2cd: {  	[tilespmem:s20], [sflag:$0x1] =	stream.indirect_vreg.gather [hbm4b:s6+s3], $0x80, v3, vm0, $0xb8;
	[tilespmem:$0x18200] =	vst v63  }
0x2ce: {  	s31 =	simm.s32 $0x5A00  }
0x2cf: {  	[tilespmem:s31], [sflag:$0x1] =	stream.indirect_vreg.gather [hbm4b:s7+s3], $0x80, v3, vm0, $0xb8;
	[tilespmem:$0x18200] =	vst v63  }
0x2d0: {  	s18 =	simm.s32 $0x6200  }
0x2d1: {  	[tilespmem:s18], [sflag:$0x1] =	stream.indirect_vreg.gather [hbm4b:s8+s3], $0x80, v3, vm0, $0xb8;
	[tilespmem:$0x18200] =	vst v63  }
0x2d2: {  	s20 =	simm.s32 $0x6A00  }
0x2d3: {  	[tilespmem:s20], [sflag:$0x1] =	stream.indirect_vreg.gather [hbm4b:s9+s3], $0x80, v3, vm0, $0xb8;
	[tilespmem:$0x18200] =	vst v63  }
0x2d4: {  	s31 =	simm.s32 $0x7200  }
0x2d5: {  	[tilespmem:s31], [sflag:$0x1] =	stream.indirect_vreg.gather [hbm4b:s10+s3], $0x80, v3, vm0, $0xb8;
	[tilespmem:$0x18200] =	vst v63  }
0x2d6: {  	s16 =	simm.s32 $0x7A00  }
0x2d7: {  	[tilespmem:s16], [sflag:$0x1] =	stream.indirect_vreg.gather [hbm4b:s11+s3], $0x80, v3, vm0, $0xb8;
	[tilespmem:$0x18200] =	vst v63  }
0x2d8: {  	v3 =	vld.msk [tilespmem:$0x100], $0xff;
	_ =	sdelay $0x4  }
0x2d9: {  	v42 =	vshll.u32 v3, $0x4  }
0x2da: {  	v3 =	vand.u32 $0x7, v3;
	v4 =	vand.u32 $0xFFFFFF80, v42  }
0x2db: {  	v3 =	vor.u32 v3, v4  }
0x2dc: {  	v3 =	vperm.xlane v3, v0;
	_ =	sdelay $0x1  }
0x2dd: {  	v3 =	vadd.s32 v1, v3;
	_ =	sdelay $0x3  }
0x2de: {  	s18 =	simm.s32 $0x8200  }
0x2df: {  	[tilespmem:s18], [sflag:$0x1] =	stream.indirect_vreg.gather [hbm4b:s2+s3], $0x80, v3, vm0, $0xb8;
	[tilespmem:$0x18200] =	vst v63  }
0x2e0: {  	s25 =	simm.s32 $0x8A00  }
0x2e1: {  	[tilespmem:s25], [sflag:$0x1] =	stream.indirect_vreg.gather [hbm4b:s5+s3], $0x80, v3, vm0, $0xb8;
	[tilespmem:$0x18200] =	vst v63  }
0x2e2: {  	s25 =	simm.s32 $0x9200  }
0x2e3: {  	[tilespmem:s25], [sflag:$0x1] =	stream.indirect_vreg.gather [hbm4b:s6+s3], $0x80, v3, vm0, $0xb8;
	[tilespmem:$0x18200] =	vst v63  }
0x2e4: {  	s31 =	simm.s32 $0x9A00  }
0x2e5: {  	[tilespmem:s31], [sflag:$0x1] =	stream.indirect_vreg.gather [hbm4b:s7+s3], $0x80, v3, vm0, $0xb8;
	[tilespmem:$0x18200] =	vst v63  }
0x2e6: {  	s12 =	simm.s32 $0xA200  }
0x2e7: {  	[tilespmem:s12], [sflag:$0x1] =	stream.indirect_vreg.gather [hbm4b:s8+s3], $0x80, v3, vm0, $0xb8;
	[tilespmem:$0x18200] =	vst v63  }
0x2e8: {  	s13 =	simm.s32 $0xAA00  }
0x2e9: {  	[tilespmem:s13], [sflag:$0x1] =	stream.indirect_vreg.gather [hbm4b:s9+s3], $0x80, v3, vm0, $0xb8;
	[tilespmem:$0x18200] =	vst v63  }
0x2ea: {  	s14 =	simm.s32 $0xB200  }
0x2eb: {  	[tilespmem:s14], [sflag:$0x1] =	stream.indirect_vreg.gather [hbm4b:s10+s3], $0x80, v3, vm0, $0xb8;
	[tilespmem:$0x18200] =	vst v63  }
0x2ec: {  	s17 =	simm.s32 $0xBA00  }
0x2ed: {  	[tilespmem:s17], [sflag:$0x1] =	stream.indirect_vreg.gather [hbm4b:s11+s3], $0x80, v3, vm0, $0xb8;
	[tilespmem:$0x18200] =	vst v63  }
0x2ee: {  	_ =	swait.ge [sflag:s29], $0xC000  }
0x2ef: {  	[sflag:s29] =	ssyncset.done $0x0  }
0x2f0: {  	s4 =	simm.s32 $0xC200;
	s25 =	rddreg [dreg:$0xd];
	[sflag:s29] =	ssyncadd.s32 $0xFFFF4000  }
0x2f1: {  	[hbm4b:s25+s3] =	stream.linear.scatter [tilespmem:s4], [sflag:$0x4], $0xC000, $0x38;
	[tilespmem:$0x18200] =	vst v63  }
0x2f2: {  	_ =	swait.ge [sflag:s30], $0xC000  }
0x2f3: {  	[sflag:s30] =	ssyncset.done $0x0  }
0x2f4: {  	[sflag:s30] =	ssyncadd.s32 $0xFFFF4000  }
0x2f5: {  	v3 =	vld [tilespmem:$0x108];
	_ =	sdelay $0x4  }
0x2f6: {  	v43 =	vshll.u32 v3, $0x4  }
0x2f7: {  	v3 =	vand.u32 $0x7, v3;
	v4 =	vand.u32 $0xFFFFFF80, v43  }
0x2f8: {  	v3 =	vor.u32 v3, v4  }
0x2f9: {  	v4 =	vperm.xlane v3, v0;
	_ =	sdelay $0x1  }
0x2fa: {  	v4 =	vadd.s32 v1, v4;
	_ =	sdelay $0x4  }
0x2fb: {  	[tilespmem:s4], [sflag:$0x2] =	stream.indirect_vreg.gather [hbm4b:s2+s3], $0x80, v4, vm0, $0xb8;
	[tilespmem:$0x18200] =	vst v63  }
0x2fc: {  	s31 =	simm.s32 $0xCA00  }
0x2fd: {  	[tilespmem:s31], [sflag:$0x2] =	stream.indirect_vreg.gather [hbm4b:s5+s3], $0x80, v4, vm0, $0xb8;
	[tilespmem:$0x18200] =	vst v63  }
0x2fe: {  	s31 =	simm.s32 $0xD200  }
0x2ff: {  	[tilespmem:s31], [sflag:$0x2] =	stream.indirect_vreg.gather [hbm4b:s6+s3], $0x80, v4, vm0, $0xb8;
	[tilespmem:$0x18200] =	vst v63  }
0x300: {  	s31 =	simm.s32 $0xDA00  }
0x301: {  	[tilespmem:s31], [sflag:$0x2] =	stream.indirect_vreg.gather [hbm4b:s7+s3], $0x80, v4, vm0, $0xb8;
	[tilespmem:$0x18200] =	vst v63  }
0x302: {  	s31 =	simm.s32 $0xE200  }
0x303: {  	[tilespmem:s31], [sflag:$0x2] =	stream.indirect_vreg.gather [hbm4b:s8+s3], $0x80, v4, vm0, $0xb8;
	[tilespmem:$0x18200] =	vst v63  }
0x304: {  	v3 =	vperm.xlane v3, v2;
	s31 =	simm.s32 $0xEA00  }
0x305: {  	[tilespmem:s31], [sflag:$0x2] =	stream.indirect_vreg.gather [hbm4b:s9+s3], $0x80, v4, vm0, $0xb8;
	[tilespmem:$0x18200] =	vst v63  }
0x306: {  	v3 =	vadd.s32 v1, v3;
	s31 =	simm.s32 $0xF200  }
0x307: {  	[tilespmem:s31], [sflag:$0x2] =	stream.indirect_vreg.gather [hbm4b:s10+s3], $0x80, v4, vm0, $0xb8;
	[tilespmem:$0x18200] =	vst v63  }
0x308: {  	s31 =	simm.s32 $0xFA00  }
0x309: {  	[tilespmem:s31], [sflag:$0x2] =	stream.indirect_vreg.gather [hbm4b:s11+s3], $0x80, v4, vm0, $0xb8;
	[tilespmem:$0x18200] =	vst v63  }
0x30a: {  	s1 =	simm.s32 $0x10200  }
0x30b: {  	[tilespmem:s1], [sflag:$0x2] =	stream.indirect_vreg.gather [hbm4b:s2+s3], $0x80, v3, vm0, $0xb8;
	[tilespmem:$0x18200] =	vst v63  }
0x30c: {  	s31 =	simm.s32 $0x10A00  }
0x30d: {  	[tilespmem:s31], [sflag:$0x2] =	stream.indirect_vreg.gather [hbm4b:s5+s3], $0x80, v3, vm0, $0xb8;
	[tilespmem:$0x18200] =	vst v63  }
0x30e: {  	s31 =	simm.s32 $0x11200  }
0x30f: {  	[tilespmem:s31], [sflag:$0x2] =	stream.indirect_vreg.gather [hbm4b:s6+s3], $0x80, v3, vm0, $0xb8;
	[tilespmem:$0x18200] =	vst v63  }
0x310: {  	s31 =	simm.s32 $0x11A00  }
0x311: {  	[tilespmem:s31], [sflag:$0x2] =	stream.indirect_vreg.gather [hbm4b:s7+s3], $0x80, v3, vm0, $0xb8;
	[tilespmem:$0x18200] =	vst v63  }
0x312: {  	s31 =	simm.s32 $0x12200  }
0x313: {  	[tilespmem:s31], [sflag:$0x2] =	stream.indirect_vreg.gather [hbm4b:s8+s3], $0x80, v3, vm0, $0xb8;
	[tilespmem:$0x18200] =	vst v63  }
0x314: {  	s31 =	simm.s32 $0x12A00  }
0x315: {  	[tilespmem:s31], [sflag:$0x2] =	stream.indirect_vreg.gather [hbm4b:s9+s3], $0x80, v3, vm0, $0xb8;
	[tilespmem:$0x18200] =	vst v63  }
0x316: {  	s31 =	simm.s32 $0x13200  }
0x317: {  	[tilespmem:s31], [sflag:$0x2] =	stream.indirect_vreg.gather [hbm4b:s10+s3], $0x80, v3, vm0, $0xb8;
	[tilespmem:$0x18200] =	vst v63  }
0x318: {  	s31 =	simm.s32 $0x13A00  }
0x319: {  	[tilespmem:s31], [sflag:$0x2] =	stream.indirect_vreg.gather [hbm4b:s11+s3], $0x80, v3, vm0, $0xb8;
	[tilespmem:$0x18200] =	vst v63  }
0x31a: {  	v3 =	vld.msk [tilespmem:$0x118], $0xff;
	_ =	sdelay $0x4  }
0x31b: {  	v44 =	vshll.u32 v3, $0x4  }
0x31c: {  	v3 =	vand.u32 $0x7, v3;
	v4 =	vand.u32 $0xFFFFFF80, v44  }
0x31d: {  	v3 =	vor.u32 v3, v4  }
0x31e: {  	v3 =	vperm.xlane v3, v0;
	_ =	sdelay $0x1  }
0x31f: {  	v3 =	vadd.s32 v1, v3;
	_ =	sdelay $0x3  }
0x320: {  	s31 =	simm.s32 $0x14200  }
0x321: {  	[tilespmem:s31], [sflag:$0x2] =	stream.indirect_vreg.gather [hbm4b:s2+s3], $0x80, v3, vm0, $0xb8;
	[tilespmem:$0x18200] =	vst v63  }
0x322: {  	s31 =	simm.s32 $0x14A00  }
0x323: {  	[tilespmem:s31], [sflag:$0x2] =	stream.indirect_vreg.gather [hbm4b:s5+s3], $0x80, v3, vm0, $0xb8;
	[tilespmem:$0x18200] =	vst v63  }
0x324: {  	s31 =	simm.s32 $0x15200  }
0x325: {  	[tilespmem:s31], [sflag:$0x2] =	stream.indirect_vreg.gather [hbm4b:s6+s3], $0x80, v3, vm0, $0xb8;
	[tilespmem:$0x18200] =	vst v63  }
0x326: {  	s31 =	simm.s32 $0x15A00  }
0x327: {  	[tilespmem:s31], [sflag:$0x2] =	stream.indirect_vreg.gather [hbm4b:s7+s3], $0x80, v3, vm0, $0xb8;
	[tilespmem:$0x18200] =	vst v63  }
0x328: {  	s31 =	simm.s32 $0x16200  }
0x329: {  	[tilespmem:s31], [sflag:$0x2] =	stream.indirect_vreg.gather [hbm4b:s8+s3], $0x80, v3, vm0, $0xb8;
	[tilespmem:$0x18200] =	vst v63  }
0x32a: {  	s31 =	simm.s32 $0x16A00  }
0x32b: {  	[tilespmem:s31], [sflag:$0x2] =	stream.indirect_vreg.gather [hbm4b:s9+s3], $0x80, v3, vm0, $0xb8;
	[tilespmem:$0x18200] =	vst v63  }
0x32c: {  	s31 =	simm.s32 $0x17200  }
0x32d: {  	[tilespmem:s31], [sflag:$0x2] =	stream.indirect_vreg.gather [hbm4b:s10+s3], $0x80, v3, vm0, $0xb8;
	[tilespmem:$0x18200] =	vst v63  }
0x32e: {  	s31 =	simm.s32 $0x17A00  }
0x32f: {  	[tilespmem:s31], [sflag:$0x2] =	stream.indirect_vreg.gather [hbm4b:s11+s3], $0x80, v3, vm0, $0xb8;
	[tilespmem:$0x18200] =	vst v63  }
0x330: {  	_ =	swait.ge [sflag:s26], $0xC000  }
0x331: {  	[sflag:s26] =	ssyncset.done $0x0  }
0x332: {  	s0 =	simm.s32 $0x200;
	s31 =	rddreg [dreg:$0xe];
	[sflag:s26] =	ssyncadd.s32 $0xFFFF4000  }
0x333: {  	[hbm4b:s31+s3] =	stream.linear.scatter [tilespmem:s0], [sflag:$0x3], $0xC000, $0x38;
	[tilespmem:$0x18200] =	vst v63  }
0x334: {  	_ =	swait.ge [sflag:s28], $0xC000  }
0x335: {  	[sflag:s28] =	ssyncset.done $0x0  }
0x336: {  	[sflag:s28] =	ssyncadd.s32 $0xFFFF4000  }
0x337: {  	v3 =	vld [tilespmem:$0x120];
	_ =	sdelay $0x4  }
0x338: {  	v45 =	vshll.u32 v3, $0x4  }
0x339: {  	v3 =	vand.u32 $0x7, v3;
	v4 =	vand.u32 $0xFFFFFF80, v45  }
0x33a: {  	v3 =	vor.u32 v3, v4  }
0x33b: {  	v4 =	vperm.xlane v3, v0;
	_ =	sdelay $0x1  }
0x33c: {  	v4 =	vadd.s32 v1, v4;
	_ =	sdelay $0x4  }
0x33d: {  	[tilespmem:s0], [sflag:$0x1] =	stream.indirect_vreg.gather [hbm4b:s2+s3], $0x80, v4, vm0, $0xb8;
	[tilespmem:$0x18200] =	vst v63  }
0x33e: {  	s31 =	simm.s32 $0xA00  }
0x33f: {  	[tilespmem:s31], [sflag:$0x1] =	stream.indirect_vreg.gather [hbm4b:s5+s3], $0x80, v4, vm0, $0xb8;
	[tilespmem:$0x18200] =	vst v63  }
0x340: {  	s31 =	simm.s32 $0x1200  }
0x341: {  	[tilespmem:s31], [sflag:$0x1] =	stream.indirect_vreg.gather [hbm4b:s6+s3], $0x80, v4, vm0, $0xb8;
	[tilespmem:$0x18200] =	vst v63  }
0x342: {  	s31 =	simm.s32 $0x1A00  }
0x343: {  	[tilespmem:s31], [sflag:$0x1] =	stream.indirect_vreg.gather [hbm4b:s7+s3], $0x80, v4, vm0, $0xb8;
	[tilespmem:$0x18200] =	vst v63  }
0x344: {  	s31 =	simm.s32 $0x2200  }
0x345: {  	[tilespmem:s31], [sflag:$0x1] =	stream.indirect_vreg.gather [hbm4b:s8+s3], $0x80, v4, vm0, $0xb8;
	[tilespmem:$0x18200] =	vst v63  }
0x346: {  	s19 =	simm.s32 $0x2A00;
	v3 =	vperm.xlane v3, v2  }
0x347: {  	[tilespmem:s19], [sflag:$0x1] =	stream.indirect_vreg.gather [hbm4b:s9+s3], $0x80, v4, vm0, $0xb8;
	[tilespmem:$0x18200] =	vst v63  }
0x348: {  	s21 =	simm.s32 $0x3200;
	v3 =	vadd.s32 v1, v3  }
0x349: {  	[tilespmem:s21], [sflag:$0x1] =	stream.indirect_vreg.gather [hbm4b:s10+s3], $0x80, v4, vm0, $0xb8;
	[tilespmem:$0x18200] =	vst v63  }
0x34a: {  	s22 =	simm.s32 $0x3A00  }
0x34b: {  	[tilespmem:s22], [sflag:$0x1] =	stream.indirect_vreg.gather [hbm4b:s11+s3], $0x80, v4, vm0, $0xb8;
	[tilespmem:$0x18200] =	vst v63  }
0x34c: {  	s23 =	simm.s32 $0x4200  }
0x34d: {  	[tilespmem:s23], [sflag:$0x1] =	stream.indirect_vreg.gather [hbm4b:s2+s3], $0x80, v3, vm0, $0xb8;
	[tilespmem:$0x18200] =	vst v63  }
0x34e: {  	s24 =	simm.s32 $0x4A00  }
0x34f: {  	[tilespmem:s24], [sflag:$0x1] =	stream.indirect_vreg.gather [hbm4b:s5+s3], $0x80, v3, vm0, $0xb8;
	[tilespmem:$0x18200] =	vst v63  }
0x350: {  	s31 =	simm.s32 $0x5200  }
0x351: {  	[tilespmem:s31], [sflag:$0x1] =	stream.indirect_vreg.gather [hbm4b:s6+s3], $0x80, v3, vm0, $0xb8;
	[tilespmem:$0x18200] =	vst v63  }
0x352: {  	s31 =	simm.s32 $0x5A00  }
0x353: {  	[tilespmem:s31], [sflag:$0x1] =	stream.indirect_vreg.gather [hbm4b:s7+s3], $0x80, v3, vm0, $0xb8;
	[tilespmem:$0x18200] =	vst v63  }
0x354: {  	s31 =	simm.s32 $0x6200  }
0x355: {  	[tilespmem:s31], [sflag:$0x1] =	stream.indirect_vreg.gather [hbm4b:s8+s3], $0x80, v3, vm0, $0xb8;
	[tilespmem:$0x18200] =	vst v63  }
0x356: {  	s31 =	simm.s32 $0x6A00  }
0x357: {  	[tilespmem:s31], [sflag:$0x1] =	stream.indirect_vreg.gather [hbm4b:s9+s3], $0x80, v3, vm0, $0xb8;
	[tilespmem:$0x18200] =	vst v63  }
0x358: {  	s31 =	simm.s32 $0x7200  }
0x359: {  	[tilespmem:s31], [sflag:$0x1] =	stream.indirect_vreg.gather [hbm4b:s10+s3], $0x80, v3, vm0, $0xb8;
	[tilespmem:$0x18200] =	vst v63  }
0x35a: {  	s20 =	simm.s32 $0x7A00  }
0x35b: {  	[tilespmem:s20], [sflag:$0x1] =	stream.indirect_vreg.gather [hbm4b:s11+s3], $0x80, v3, vm0, $0xb8;
	[tilespmem:$0x18200] =	vst v63  }
0x35c: {  	v3 =	vld.msk [tilespmem:$0x130], $0xff;
	_ =	sdelay $0x4  }
0x35d: {  	v46 =	vshll.u32 v3, $0x4  }
0x35e: {  	v3 =	vand.u32 $0x7, v3;
	v4 =	vand.u32 $0xFFFFFF80, v46  }
0x35f: {  	v3 =	vor.u32 v3, v4  }
0x360: {  	v3 =	vperm.xlane v3, v0;
	_ =	sdelay $0x1  }
0x361: {  	v3 =	vadd.s32 v1, v3;
	_ =	sdelay $0x3  }
0x362: {  	s31 =	simm.s32 $0x8200  }
0x363: {  	[tilespmem:s31], [sflag:$0x1] =	stream.indirect_vreg.gather [hbm4b:s2+s3], $0x80, v3, vm0, $0xb8;
	[tilespmem:$0x18200] =	vst v63  }
0x364: {  	s15 =	simm.s32 $0x8A00  }
0x365: {  	[tilespmem:s15], [sflag:$0x1] =	stream.indirect_vreg.gather [hbm4b:s5+s3], $0x80, v3, vm0, $0xb8;
	[tilespmem:$0x18200] =	vst v63  }
0x366: {  	s16 =	simm.s32 $0x9200  }
0x367: {  	[tilespmem:s16], [sflag:$0x1] =	stream.indirect_vreg.gather [hbm4b:s6+s3], $0x80, v3, vm0, $0xb8;
	[tilespmem:$0x18200] =	vst v63  }
0x368: {  	s18 =	simm.s32 $0x9A00  }
0x369: {  	[tilespmem:s18], [sflag:$0x1] =	stream.indirect_vreg.gather [hbm4b:s7+s3], $0x80, v3, vm0, $0xb8;
	[tilespmem:$0x18200] =	vst v63  }
0x36a: {  	s12 =	simm.s32 $0xA200  }
0x36b: {  	[tilespmem:s12], [sflag:$0x1] =	stream.indirect_vreg.gather [hbm4b:s8+s3], $0x80, v3, vm0, $0xb8;
	[tilespmem:$0x18200] =	vst v63  }
0x36c: {  	s13 =	simm.s32 $0xAA00  }
0x36d: {  	[tilespmem:s13], [sflag:$0x1] =	stream.indirect_vreg.gather [hbm4b:s9+s3], $0x80, v3, vm0, $0xb8;
	[tilespmem:$0x18200] =	vst v63  }
0x36e: {  	s14 =	simm.s32 $0xB200  }
0x36f: {  	[tilespmem:s14], [sflag:$0x1] =	stream.indirect_vreg.gather [hbm4b:s10+s3], $0x80, v3, vm0, $0xb8;
	[tilespmem:$0x18200] =	vst v63  }
0x370: {  	s17 =	simm.s32 $0xBA00  }
0x371: {  	[tilespmem:s17], [sflag:$0x1] =	stream.indirect_vreg.gather [hbm4b:s11+s3], $0x80, v3, vm0, $0xb8;
	[tilespmem:$0x18200] =	vst v63  }
0x372: {  	_ =	swait.ge [sflag:s29], $0xC000  }
0x373: {  	[sflag:s29] =	ssyncset.done $0x0  }
0x374: {  	s31 =	rddreg [dreg:$0xf];
	[sflag:s29] =	ssyncadd.s32 $0xFFFF4000  }
0x375: {  	[hbm4b:s31+s3] =	stream.linear.scatter [tilespmem:s4], [sflag:$0x4], $0xC000, $0x38;
	[tilespmem:$0x18200] =	vst v63  }
0x376: {  	_ =	swait.ge [sflag:s30], $0xC000  }
0x377: {  	[sflag:s30] =	ssyncset.done $0x0  }
0x378: {  	[sflag:s30] =	ssyncadd.s32 $0xFFFF4000  }
0x379: {  	v3 =	vld [tilespmem:$0x138];
	_ =	sdelay $0x4  }
0x37a: {  	v47 =	vshll.u32 v3, $0x4  }
0x37b: {  	v3 =	vand.u32 $0x7, v3;
	v4 =	vand.u32 $0xFFFFFF80, v47  }
0x37c: {  	v3 =	vor.u32 v3, v4  }
0x37d: {  	v4 =	vperm.xlane v3, v0;
	_ =	sdelay $0x1  }
0x37e: {  	v4 =	vadd.s32 v1, v4;
	_ =	sdelay $0x4  }
0x37f: {  	[tilespmem:s4], [sflag:$0x2] =	stream.indirect_vreg.gather [hbm4b:s2+s3], $0x80, v4, vm0, $0xb8;
	[tilespmem:$0x18200] =	vst v63  }
0x380: {  	s25 =	simm.s32 $0xCA00  }
0x381: {  	[tilespmem:s25], [sflag:$0x2] =	stream.indirect_vreg.gather [hbm4b:s5+s3], $0x80, v4, vm0, $0xb8;
	[tilespmem:$0x18200] =	vst v63  }
0x382: {  	s31 =	simm.s32 $0xD200  }
0x383: {  	[tilespmem:s31], [sflag:$0x2] =	stream.indirect_vreg.gather [hbm4b:s6+s3], $0x80, v4, vm0, $0xb8;
	[tilespmem:$0x18200] =	vst v63  }
0x384: {  	s31 =	simm.s32 $0xDA00  }
0x385: {  	[tilespmem:s31], [sflag:$0x2] =	stream.indirect_vreg.gather [hbm4b:s7+s3], $0x80, v4, vm0, $0xb8;
	[tilespmem:$0x18200] =	vst v63  }
0x386: {  	s31 =	simm.s32 $0xE200  }
0x387: {  	[tilespmem:s31], [sflag:$0x2] =	stream.indirect_vreg.gather [hbm4b:s8+s3], $0x80, v4, vm0, $0xb8;
	[tilespmem:$0x18200] =	vst v63  }
0x388: {  	v3 =	vperm.xlane v3, v2;
	s31 =	simm.s32 $0xEA00  }
0x389: {  	[tilespmem:s31], [sflag:$0x2] =	stream.indirect_vreg.gather [hbm4b:s9+s3], $0x80, v4, vm0, $0xb8;
	[tilespmem:$0x18200] =	vst v63  }
0x38a: {  	v3 =	vadd.s32 v1, v3;
	s31 =	simm.s32 $0xF200  }
0x38b: {  	[tilespmem:s31], [sflag:$0x2] =	stream.indirect_vreg.gather [hbm4b:s10+s3], $0x80, v4, vm0, $0xb8;
	[tilespmem:$0x18200] =	vst v63  }
0x38c: {  	s31 =	simm.s32 $0xFA00  }
0x38d: {  	[tilespmem:s31], [sflag:$0x2] =	stream.indirect_vreg.gather [hbm4b:s11+s3], $0x80, v4, vm0, $0xb8;
	[tilespmem:$0x18200] =	vst v63  }
0x38e: {  	s1 =	simm.s32 $0x10200  }
0x38f: {  	[tilespmem:s1], [sflag:$0x2] =	stream.indirect_vreg.gather [hbm4b:s2+s3], $0x80, v3, vm0, $0xb8;
	[tilespmem:$0x18200] =	vst v63  }
0x390: {  	s31 =	simm.s32 $0x10A00  }
0x391: {  	[tilespmem:s31], [sflag:$0x2] =	stream.indirect_vreg.gather [hbm4b:s5+s3], $0x80, v3, vm0, $0xb8;
	[tilespmem:$0x18200] =	vst v63  }
0x392: {  	s31 =	simm.s32 $0x11200  }
0x393: {  	[tilespmem:s31], [sflag:$0x2] =	stream.indirect_vreg.gather [hbm4b:s6+s3], $0x80, v3, vm0, $0xb8;
	[tilespmem:$0x18200] =	vst v63  }
0x394: {  	s31 =	simm.s32 $0x11A00  }
0x395: {  	[tilespmem:s31], [sflag:$0x2] =	stream.indirect_vreg.gather [hbm4b:s7+s3], $0x80, v3, vm0, $0xb8;
	[tilespmem:$0x18200] =	vst v63  }
0x396: {  	s31 =	simm.s32 $0x12200  }
0x397: {  	[tilespmem:s31], [sflag:$0x2] =	stream.indirect_vreg.gather [hbm4b:s8+s3], $0x80, v3, vm0, $0xb8;
	[tilespmem:$0x18200] =	vst v63  }
0x398: {  	s31 =	simm.s32 $0x12A00  }
0x399: {  	[tilespmem:s31], [sflag:$0x2] =	stream.indirect_vreg.gather [hbm4b:s9+s3], $0x80, v3, vm0, $0xb8;
	[tilespmem:$0x18200] =	vst v63  }
0x39a: {  	s31 =	simm.s32 $0x13200  }
0x39b: {  	[tilespmem:s31], [sflag:$0x2] =	stream.indirect_vreg.gather [hbm4b:s10+s3], $0x80, v3, vm0, $0xb8;
	[tilespmem:$0x18200] =	vst v63  }
0x39c: {  	s31 =	simm.s32 $0x13A00  }
0x39d: {  	[tilespmem:s31], [sflag:$0x2] =	stream.indirect_vreg.gather [hbm4b:s11+s3], $0x80, v3, vm0, $0xb8;
	[tilespmem:$0x18200] =	vst v63  }
0x39e: {  	v3 =	vld.msk [tilespmem:$0x148], $0xff;
	_ =	sdelay $0x4  }
0x39f: {  	v48 =	vshll.u32 v3, $0x4  }
0x3a0: {  	v3 =	vand.u32 $0x7, v3;
	v4 =	vand.u32 $0xFFFFFF80, v48  }
0x3a1: {  	v3 =	vor.u32 v3, v4  }
0x3a2: {  	v3 =	vperm.xlane v3, v0;
	_ =	sdelay $0x1  }
0x3a3: {  	v3 =	vadd.s32 v1, v3;
	_ =	sdelay $0x3  }
0x3a4: {  	s31 =	simm.s32 $0x14200  }
0x3a5: {  	[tilespmem:s31], [sflag:$0x2] =	stream.indirect_vreg.gather [hbm4b:s2+s3], $0x80, v3, vm0, $0xb8;
	[tilespmem:$0x18200] =	vst v63  }
0x3a6: {  	s31 =	simm.s32 $0x14A00  }
0x3a7: {  	[tilespmem:s31], [sflag:$0x2] =	stream.indirect_vreg.gather [hbm4b:s5+s3], $0x80, v3, vm0, $0xb8;
	[tilespmem:$0x18200] =	vst v63  }
0x3a8: {  	s31 =	simm.s32 $0x15200  }
0x3a9: {  	[tilespmem:s31], [sflag:$0x2] =	stream.indirect_vreg.gather [hbm4b:s6+s3], $0x80, v3, vm0, $0xb8;
	[tilespmem:$0x18200] =	vst v63  }
0x3aa: {  	s31 =	simm.s32 $0x15A00  }
0x3ab: {  	[tilespmem:s31], [sflag:$0x2] =	stream.indirect_vreg.gather [hbm4b:s7+s3], $0x80, v3, vm0, $0xb8;
	[tilespmem:$0x18200] =	vst v63  }
0x3ac: {  	s31 =	simm.s32 $0x16200  }
0x3ad: {  	[tilespmem:s31], [sflag:$0x2] =	stream.indirect_vreg.gather [hbm4b:s8+s3], $0x80, v3, vm0, $0xb8;
	[tilespmem:$0x18200] =	vst v63  }
0x3ae: {  	s31 =	simm.s32 $0x16A00  }
0x3af: {  	[tilespmem:s31], [sflag:$0x2] =	stream.indirect_vreg.gather [hbm4b:s9+s3], $0x80, v3, vm0, $0xb8;
	[tilespmem:$0x18200] =	vst v63  }
0x3b0: {  	s31 =	simm.s32 $0x17200  }
0x3b1: {  	[tilespmem:s31], [sflag:$0x2] =	stream.indirect_vreg.gather [hbm4b:s10+s3], $0x80, v3, vm0, $0xb8;
	[tilespmem:$0x18200] =	vst v63  }
0x3b2: {  	s31 =	simm.s32 $0x17A00  }
0x3b3: {  	[tilespmem:s31], [sflag:$0x2] =	stream.indirect_vreg.gather [hbm4b:s11+s3], $0x80, v3, vm0, $0xb8;
	[tilespmem:$0x18200] =	vst v63  }
0x3b4: {  	_ =	swait.ge [sflag:s26], $0xC000  }
0x3b5: {  	[sflag:s26] =	ssyncset.done $0x0  }
0x3b6: {  	s31 =	rddreg [dreg:$0x10];
	[sflag:s26] =	ssyncadd.s32 $0xFFFF4000  }
0x3b7: {  	[hbm4b:s31+s3] =	stream.linear.scatter [tilespmem:s0], [sflag:$0x3], $0xC000, $0x38;
	[tilespmem:$0x18200] =	vst v63  }
0x3b8: {  	_ =	swait.ge [sflag:s28], $0xC000  }
0x3b9: {  	[sflag:s28] =	ssyncset.done $0x0  }
0x3ba: {  	[sflag:s28] =	ssyncadd.s32 $0xFFFF4000  }
0x3bb: {  	v3 =	vld [tilespmem:$0x150];
	_ =	sdelay $0x4  }
0x3bc: {  	v49 =	vshll.u32 v3, $0x4  }
0x3bd: {  	v3 =	vand.u32 $0x7, v3;
	v4 =	vand.u32 $0xFFFFFF80, v49  }
0x3be: {  	v3 =	vor.u32 v3, v4  }
0x3bf: {  	v4 =	vperm.xlane v3, v0;
	_ =	sdelay $0x1  }
0x3c0: {  	v4 =	vadd.s32 v1, v4;
	_ =	sdelay $0x4  }
0x3c1: {  	[tilespmem:s0], [sflag:$0x1] =	stream.indirect_vreg.gather [hbm4b:s2+s3], $0x80, v4, vm0, $0xb8;
	[tilespmem:$0x18200] =	vst v63  }
0x3c2: {  	s31 =	simm.s32 $0xA00  }
0x3c3: {  	[tilespmem:s31], [sflag:$0x1] =	stream.indirect_vreg.gather [hbm4b:s5+s3], $0x80, v4, vm0, $0xb8;
	[tilespmem:$0x18200] =	vst v63  }
0x3c4: {  	s31 =	simm.s32 $0x1200  }
0x3c5: {  	[tilespmem:s31], [sflag:$0x1] =	stream.indirect_vreg.gather [hbm4b:s6+s3], $0x80, v4, vm0, $0xb8;
	[tilespmem:$0x18200] =	vst v63  }
0x3c6: {  	s31 =	simm.s32 $0x1A00  }
0x3c7: {  	[tilespmem:s31], [sflag:$0x1] =	stream.indirect_vreg.gather [hbm4b:s7+s3], $0x80, v4, vm0, $0xb8;
	[tilespmem:$0x18200] =	vst v63  }
0x3c8: {  	s31 =	simm.s32 $0x2200  }
0x3c9: {  	[tilespmem:s31], [sflag:$0x1] =	stream.indirect_vreg.gather [hbm4b:s8+s3], $0x80, v4, vm0, $0xb8;
	[tilespmem:$0x18200] =	vst v63  }
0x3ca: {  	s19 =	simm.s32 $0x2A00;
	v3 =	vperm.xlane v3, v2  }
0x3cb: {  	[tilespmem:s19], [sflag:$0x1] =	stream.indirect_vreg.gather [hbm4b:s9+s3], $0x80, v4, vm0, $0xb8;
	[tilespmem:$0x18200] =	vst v63  }
0x3cc: {  	s21 =	simm.s32 $0x3200;
	v3 =	vadd.s32 v1, v3  }
0x3cd: {  	[tilespmem:s21], [sflag:$0x1] =	stream.indirect_vreg.gather [hbm4b:s10+s3], $0x80, v4, vm0, $0xb8;
	[tilespmem:$0x18200] =	vst v63  }
0x3ce: {  	s22 =	simm.s32 $0x3A00  }
0x3cf: {  	[tilespmem:s22], [sflag:$0x1] =	stream.indirect_vreg.gather [hbm4b:s11+s3], $0x80, v4, vm0, $0xb8;
	[tilespmem:$0x18200] =	vst v63  }
0x3d0: {  	s23 =	simm.s32 $0x4200  }
0x3d1: {  	[tilespmem:s23], [sflag:$0x1] =	stream.indirect_vreg.gather [hbm4b:s2+s3], $0x80, v3, vm0, $0xb8;
	[tilespmem:$0x18200] =	vst v63  }
0x3d2: {  	s24 =	simm.s32 $0x4A00  }
0x3d3: {  	[tilespmem:s24], [sflag:$0x1] =	stream.indirect_vreg.gather [hbm4b:s5+s3], $0x80, v3, vm0, $0xb8;
	[tilespmem:$0x18200] =	vst v63  }
0x3d4: {  	s31 =	simm.s32 $0x5200  }
0x3d5: {  	[tilespmem:s31], [sflag:$0x1] =	stream.indirect_vreg.gather [hbm4b:s6+s3], $0x80, v3, vm0, $0xb8;
	[tilespmem:$0x18200] =	vst v63  }
0x3d6: {  	s31 =	simm.s32 $0x5A00  }
0x3d7: {  	[tilespmem:s31], [sflag:$0x1] =	stream.indirect_vreg.gather [hbm4b:s7+s3], $0x80, v3, vm0, $0xb8;
	[tilespmem:$0x18200] =	vst v63  }
0x3d8: {  	s31 =	simm.s32 $0x6200  }
0x3d9: {  	[tilespmem:s31], [sflag:$0x1] =	stream.indirect_vreg.gather [hbm4b:s8+s3], $0x80, v3, vm0, $0xb8;
	[tilespmem:$0x18200] =	vst v63  }
0x3da: {  	s31 =	simm.s32 $0x6A00  }
0x3db: {  	[tilespmem:s31], [sflag:$0x1] =	stream.indirect_vreg.gather [hbm4b:s9+s3], $0x80, v3, vm0, $0xb8;
	[tilespmem:$0x18200] =	vst v63  }
0x3dc: {  	s31 =	simm.s32 $0x7200  }
0x3dd: {  	[tilespmem:s31], [sflag:$0x1] =	stream.indirect_vreg.gather [hbm4b:s10+s3], $0x80, v3, vm0, $0xb8;
	[tilespmem:$0x18200] =	vst v63  }
0x3de: {  	s20 =	simm.s32 $0x7A00  }
0x3df: {  	[tilespmem:s20], [sflag:$0x1] =	stream.indirect_vreg.gather [hbm4b:s11+s3], $0x80, v3, vm0, $0xb8;
	[tilespmem:$0x18200] =	vst v63  }
0x3e0: {  	v3 =	vld.msk [tilespmem:$0x160], $0xff;
	_ =	sdelay $0x4  }
0x3e1: {  	v50 =	vshll.u32 v3, $0x4  }
0x3e2: {  	v3 =	vand.u32 $0x7, v3;
	v4 =	vand.u32 $0xFFFFFF80, v50  }
0x3e3: {  	v3 =	vor.u32 v3, v4  }
0x3e4: {  	v3 =	vperm.xlane v3, v0;
	_ =	sdelay $0x1  }
0x3e5: {  	v3 =	vadd.s32 v1, v3;
	_ =	sdelay $0x3  }
0x3e6: {  	s31 =	simm.s32 $0x8200  }
0x3e7: {  	[tilespmem:s31], [sflag:$0x1] =	stream.indirect_vreg.gather [hbm4b:s2+s3], $0x80, v3, vm0, $0xb8;
	[tilespmem:$0x18200] =	vst v63  }
0x3e8: {  	s15 =	simm.s32 $0x8A00  }
0x3e9: {  	[tilespmem:s15], [sflag:$0x1] =	stream.indirect_vreg.gather [hbm4b:s5+s3], $0x80, v3, vm0, $0xb8;
	[tilespmem:$0x18200] =	vst v63  }
0x3ea: {  	s16 =	simm.s32 $0x9200  }
0x3eb: {  	[tilespmem:s16], [sflag:$0x1] =	stream.indirect_vreg.gather [hbm4b:s6+s3], $0x80, v3, vm0, $0xb8;
	[tilespmem:$0x18200] =	vst v63  }
0x3ec: {  	s18 =	simm.s32 $0x9A00  }
0x3ed: {  	[tilespmem:s18], [sflag:$0x1] =	stream.indirect_vreg.gather [hbm4b:s7+s3], $0x80, v3, vm0, $0xb8;
	[tilespmem:$0x18200] =	vst v63  }
0x3ee: {  	s12 =	simm.s32 $0xA200  }
0x3ef: {  	[tilespmem:s12], [sflag:$0x1] =	stream.indirect_vreg.gather [hbm4b:s8+s3], $0x80, v3, vm0, $0xb8;
	[tilespmem:$0x18200] =	vst v63  }
0x3f0: {  	s13 =	simm.s32 $0xAA00  }
0x3f1: {  	[tilespmem:s13], [sflag:$0x1] =	stream.indirect_vreg.gather [hbm4b:s9+s3], $0x80, v3, vm0, $0xb8;
	[tilespmem:$0x18200] =	vst v63  }
0x3f2: {  	s14 =	simm.s32 $0xB200  }
0x3f3: {  	[tilespmem:s14], [sflag:$0x1] =	stream.indirect_vreg.gather [hbm4b:s10+s3], $0x80, v3, vm0, $0xb8;
	[tilespmem:$0x18200] =	vst v63  }
0x3f4: {  	s17 =	simm.s32 $0xBA00  }
0x3f5: {  	[tilespmem:s17], [sflag:$0x1] =	stream.indirect_vreg.gather [hbm4b:s11+s3], $0x80, v3, vm0, $0xb8;
	[tilespmem:$0x18200] =	vst v63  }
0x3f6: {  	_ =	swait.ge [sflag:s29], $0xC000  }
0x3f7: {  	[sflag:s29] =	ssyncset.done $0x0  }
0x3f8: {  	s31 =	rddreg [dreg:$0x11];
	[sflag:s29] =	ssyncadd.s32 $0xFFFF4000  }
0x3f9: {  	[hbm4b:s31+s3] =	stream.linear.scatter [tilespmem:s4], [sflag:$0x4], $0xC000, $0x38;
	[tilespmem:$0x18200] =	vst v63  }
0x3fa: {  	_ =	swait.ge [sflag:s30], $0xC000  }
0x3fb: {  	[sflag:s30] =	ssyncset.done $0x0  }
0x3fc: {  	[sflag:s30] =	ssyncadd.s32 $0xFFFF4000  }
0x3fd: {  	v3 =	vld [tilespmem:$0x168];
	_ =	sdelay $0x4  }
0x3fe: {  	v51 =	vshll.u32 v3, $0x4  }
0x3ff: {  	v3 =	vand.u32 $0x7, v3;
	v4 =	vand.u32 $0xFFFFFF80, v51  }
0x400: {  	v3 =	vor.u32 v3, v4  }
0x401: {  	v4 =	vperm.xlane v3, v0;
	_ =	sdelay $0x1  }
0x402: {  	v4 =	vadd.s32 v1, v4;
	_ =	sdelay $0x4  }
0x403: {  	[tilespmem:s4], [sflag:$0x2] =	stream.indirect_vreg.gather [hbm4b:s2+s3], $0x80, v4, vm0, $0xb8;
	[tilespmem:$0x18200] =	vst v63  }
0x404: {  	s25 =	simm.s32 $0xCA00  }
0x405: {  	[tilespmem:s25], [sflag:$0x2] =	stream.indirect_vreg.gather [hbm4b:s5+s3], $0x80, v4, vm0, $0xb8;
	[tilespmem:$0x18200] =	vst v63  }
0x406: {  	s31 =	simm.s32 $0xD200  }
0x407: {  	[tilespmem:s31], [sflag:$0x2] =	stream.indirect_vreg.gather [hbm4b:s6+s3], $0x80, v4, vm0, $0xb8;
	[tilespmem:$0x18200] =	vst v63  }
0x408: {  	s31 =	simm.s32 $0xDA00  }
0x409: {  	[tilespmem:s31], [sflag:$0x2] =	stream.indirect_vreg.gather [hbm4b:s7+s3], $0x80, v4, vm0, $0xb8;
	[tilespmem:$0x18200] =	vst v63  }
0x40a: {  	s31 =	simm.s32 $0xE200  }
0x40b: {  	[tilespmem:s31], [sflag:$0x2] =	stream.indirect_vreg.gather [hbm4b:s8+s3], $0x80, v4, vm0, $0xb8;
	[tilespmem:$0x18200] =	vst v63  }
0x40c: {  	v3 =	vperm.xlane v3, v2;
	s31 =	simm.s32 $0xEA00  }
0x40d: {  	[tilespmem:s31], [sflag:$0x2] =	stream.indirect_vreg.gather [hbm4b:s9+s3], $0x80, v4, vm0, $0xb8;
	[tilespmem:$0x18200] =	vst v63  }
0x40e: {  	v3 =	vadd.s32 v1, v3;
	s31 =	simm.s32 $0xF200  }
0x40f: {  	[tilespmem:s31], [sflag:$0x2] =	stream.indirect_vreg.gather [hbm4b:s10+s3], $0x80, v4, vm0, $0xb8;
	[tilespmem:$0x18200] =	vst v63  }
0x410: {  	s31 =	simm.s32 $0xFA00  }
0x411: {  	[tilespmem:s31], [sflag:$0x2] =	stream.indirect_vreg.gather [hbm4b:s11+s3], $0x80, v4, vm0, $0xb8;
	[tilespmem:$0x18200] =	vst v63  }
0x412: {  	s1 =	simm.s32 $0x10200  }
0x413: {  	[tilespmem:s1], [sflag:$0x2] =	stream.indirect_vreg.gather [hbm4b:s2+s3], $0x80, v3, vm0, $0xb8;
	[tilespmem:$0x18200] =	vst v63  }
0x414: {  	s31 =	simm.s32 $0x10A00  }
0x415: {  	[tilespmem:s31], [sflag:$0x2] =	stream.indirect_vreg.gather [hbm4b:s5+s3], $0x80, v3, vm0, $0xb8;
	[tilespmem:$0x18200] =	vst v63  }
0x416: {  	s31 =	simm.s32 $0x11200  }
0x417: {  	[tilespmem:s31], [sflag:$0x2] =	stream.indirect_vreg.gather [hbm4b:s6+s3], $0x80, v3, vm0, $0xb8;
	[tilespmem:$0x18200] =	vst v63  }
0x418: {  	s31 =	simm.s32 $0x11A00  }
0x419: {  	[tilespmem:s31], [sflag:$0x2] =	stream.indirect_vreg.gather [hbm4b:s7+s3], $0x80, v3, vm0, $0xb8;
	[tilespmem:$0x18200] =	vst v63  }
0x41a: {  	s31 =	simm.s32 $0x12200  }
0x41b: {  	[tilespmem:s31], [sflag:$0x2] =	stream.indirect_vreg.gather [hbm4b:s8+s3], $0x80, v3, vm0, $0xb8;
	[tilespmem:$0x18200] =	vst v63  }
0x41c: {  	s31 =	simm.s32 $0x12A00  }
0x41d: {  	[tilespmem:s31], [sflag:$0x2] =	stream.indirect_vreg.gather [hbm4b:s9+s3], $0x80, v3, vm0, $0xb8;
	[tilespmem:$0x18200] =	vst v63  }
0x41e: {  	s31 =	simm.s32 $0x13200  }
0x41f: {  	[tilespmem:s31], [sflag:$0x2] =	stream.indirect_vreg.gather [hbm4b:s10+s3], $0x80, v3, vm0, $0xb8;
	[tilespmem:$0x18200] =	vst v63  }
0x420: {  	s31 =	simm.s32 $0x13A00  }
0x421: {  	[tilespmem:s31], [sflag:$0x2] =	stream.indirect_vreg.gather [hbm4b:s11+s3], $0x80, v3, vm0, $0xb8;
	[tilespmem:$0x18200] =	vst v63  }
0x422: {  	v3 =	vld.msk [tilespmem:$0x178], $0xff;
	_ =	sdelay $0x4  }
0x423: {  	v52 =	vshll.u32 v3, $0x4  }
0x424: {  	v3 =	vand.u32 $0x7, v3;
	v4 =	vand.u32 $0xFFFFFF80, v52  }
0x425: {  	v3 =	vor.u32 v3, v4  }
0x426: {  	v3 =	vperm.xlane v3, v0;
	_ =	sdelay $0x1  }
0x427: {  	v3 =	vadd.s32 v1, v3;
	_ =	sdelay $0x3  }
0x428: {  	s31 =	simm.s32 $0x14200  }
0x429: {  	[tilespmem:s31], [sflag:$0x2] =	stream.indirect_vreg.gather [hbm4b:s2+s3], $0x80, v3, vm0, $0xb8;
	[tilespmem:$0x18200] =	vst v63  }
0x42a: {  	s31 =	simm.s32 $0x14A00  }
0x42b: {  	[tilespmem:s31], [sflag:$0x2] =	stream.indirect_vreg.gather [hbm4b:s5+s3], $0x80, v3, vm0, $0xb8;
	[tilespmem:$0x18200] =	vst v63  }
0x42c: {  	s31 =	simm.s32 $0x15200  }
0x42d: {  	[tilespmem:s31], [sflag:$0x2] =	stream.indirect_vreg.gather [hbm4b:s6+s3], $0x80, v3, vm0, $0xb8;
	[tilespmem:$0x18200] =	vst v63  }
0x42e: {  	s31 =	simm.s32 $0x15A00  }
0x42f: {  	[tilespmem:s31], [sflag:$0x2] =	stream.indirect_vreg.gather [hbm4b:s7+s3], $0x80, v3, vm0, $0xb8;
	[tilespmem:$0x18200] =	vst v63  }
0x430: {  	s31 =	simm.s32 $0x16200  }
0x431: {  	[tilespmem:s31], [sflag:$0x2] =	stream.indirect_vreg.gather [hbm4b:s8+s3], $0x80, v3, vm0, $0xb8;
	[tilespmem:$0x18200] =	vst v63  }
0x432: {  	s31 =	simm.s32 $0x16A00  }
0x433: {  	[tilespmem:s31], [sflag:$0x2] =	stream.indirect_vreg.gather [hbm4b:s9+s3], $0x80, v3, vm0, $0xb8;
	[tilespmem:$0x18200] =	vst v63  }
0x434: {  	s31 =	simm.s32 $0x17200  }
0x435: {  	[tilespmem:s31], [sflag:$0x2] =	stream.indirect_vreg.gather [hbm4b:s10+s3], $0x80, v3, vm0, $0xb8;
	[tilespmem:$0x18200] =	vst v63  }
0x436: {  	s31 =	simm.s32 $0x17A00  }
0x437: {  	[tilespmem:s31], [sflag:$0x2] =	stream.indirect_vreg.gather [hbm4b:s11+s3], $0x80, v3, vm0, $0xb8;
	[tilespmem:$0x18200] =	vst v63  }
0x438: {  	_ =	swait.ge [sflag:s26], $0xC000  }
0x439: {  	[sflag:s26] =	ssyncset.done $0x0  }
0x43a: {  	s31 =	rddreg [dreg:$0x12];
	[sflag:s26] =	ssyncadd.s32 $0xFFFF4000  }
0x43b: {  	[hbm4b:s31+s3] =	stream.linear.scatter [tilespmem:s0], [sflag:$0x3], $0xC000, $0x38;
	[tilespmem:$0x18200] =	vst v63  }
0x43c: {  	_ =	swait.ge [sflag:s28], $0xC000  }
0x43d: {  	[sflag:s28] =	ssyncset.done $0x0  }
0x43e: {  	[sflag:s28] =	ssyncadd.s32 $0xFFFF4000  }
0x43f: {  	v3 =	vld [tilespmem:$0x180];
	_ =	sdelay $0x4  }
0x440: {  	v53 =	vshll.u32 v3, $0x4  }
0x441: {  	v3 =	vand.u32 $0x7, v3;
	v4 =	vand.u32 $0xFFFFFF80, v53  }
0x442: {  	v3 =	vor.u32 v3, v4  }
0x443: {  	v4 =	vperm.xlane v3, v0;
	_ =	sdelay $0x1  }
0x444: {  	v4 =	vadd.s32 v1, v4;
	_ =	sdelay $0x4  }
0x445: {  	[tilespmem:s0], [sflag:$0x1] =	stream.indirect_vreg.gather [hbm4b:s2+s3], $0x80, v4, vm0, $0xb8;
	[tilespmem:$0x18200] =	vst v63  }
0x446: {  	s31 =	simm.s32 $0xA00  }
0x447: {  	[tilespmem:s31], [sflag:$0x1] =	stream.indirect_vreg.gather [hbm4b:s5+s3], $0x80, v4, vm0, $0xb8;
	[tilespmem:$0x18200] =	vst v63  }
0x448: {  	s31 =	simm.s32 $0x1200  }
0x449: {  	[tilespmem:s31], [sflag:$0x1] =	stream.indirect_vreg.gather [hbm4b:s6+s3], $0x80, v4, vm0, $0xb8;
	[tilespmem:$0x18200] =	vst v63  }
0x44a: {  	s31 =	simm.s32 $0x1A00  }
0x44b: {  	[tilespmem:s31], [sflag:$0x1] =	stream.indirect_vreg.gather [hbm4b:s7+s3], $0x80, v4, vm0, $0xb8;
	[tilespmem:$0x18200] =	vst v63  }
0x44c: {  	s31 =	simm.s32 $0x2200  }
0x44d: {  	[tilespmem:s31], [sflag:$0x1] =	stream.indirect_vreg.gather [hbm4b:s8+s3], $0x80, v4, vm0, $0xb8;
	[tilespmem:$0x18200] =	vst v63  }
0x44e: {  	s19 =	simm.s32 $0x2A00;
	v3 =	vperm.xlane v3, v2  }
0x44f: {  	[tilespmem:s19], [sflag:$0x1] =	stream.indirect_vreg.gather [hbm4b:s9+s3], $0x80, v4, vm0, $0xb8;
	[tilespmem:$0x18200] =	vst v63  }
0x450: {  	s21 =	simm.s32 $0x3200;
	v3 =	vadd.s32 v1, v3  }
0x451: {  	[tilespmem:s21], [sflag:$0x1] =	stream.indirect_vreg.gather [hbm4b:s10+s3], $0x80, v4, vm0, $0xb8;
	[tilespmem:$0x18200] =	vst v63  }
0x452: {  	s22 =	simm.s32 $0x3A00  }
0x453: {  	[tilespmem:s22], [sflag:$0x1] =	stream.indirect_vreg.gather [hbm4b:s11+s3], $0x80, v4, vm0, $0xb8;
	[tilespmem:$0x18200] =	vst v63  }
0x454: {  	s23 =	simm.s32 $0x4200  }
0x455: {  	[tilespmem:s23], [sflag:$0x1] =	stream.indirect_vreg.gather [hbm4b:s2+s3], $0x80, v3, vm0, $0xb8;
	[tilespmem:$0x18200] =	vst v63  }
0x456: {  	s24 =	simm.s32 $0x4A00  }
0x457: {  	[tilespmem:s24], [sflag:$0x1] =	stream.indirect_vreg.gather [hbm4b:s5+s3], $0x80, v3, vm0, $0xb8;
	[tilespmem:$0x18200] =	vst v63  }
0x458: {  	s31 =	simm.s32 $0x5200  }
0x459: {  	[tilespmem:s31], [sflag:$0x1] =	stream.indirect_vreg.gather [hbm4b:s6+s3], $0x80, v3, vm0, $0xb8;
	[tilespmem:$0x18200] =	vst v63  }
0x45a: {  	s21 =	simm.s32 $0x5A00  }
0x45b: {  	[tilespmem:s21], [sflag:$0x1] =	stream.indirect_vreg.gather [hbm4b:s7+s3], $0x80, v3, vm0, $0xb8;
	[tilespmem:$0x18200] =	vst v63  }
0x45c: {  	s22 =	simm.s32 $0x6200  }
0x45d: {  	[tilespmem:s22], [sflag:$0x1] =	stream.indirect_vreg.gather [hbm4b:s8+s3], $0x80, v3, vm0, $0xb8;
	[tilespmem:$0x18200] =	vst v63  }
0x45e: {  	s23 =	simm.s32 $0x6A00  }
0x45f: {  	[tilespmem:s23], [sflag:$0x1] =	stream.indirect_vreg.gather [hbm4b:s9+s3], $0x80, v3, vm0, $0xb8;
	[tilespmem:$0x18200] =	vst v63  }
0x460: {  	s24 =	simm.s32 $0x7200  }
0x461: {  	[tilespmem:s24], [sflag:$0x1] =	stream.indirect_vreg.gather [hbm4b:s10+s3], $0x80, v3, vm0, $0xb8;
	[tilespmem:$0x18200] =	vst v63  }
0x462: {  	s20 =	simm.s32 $0x7A00  }
0x463: {  	[tilespmem:s20], [sflag:$0x1] =	stream.indirect_vreg.gather [hbm4b:s11+s3], $0x80, v3, vm0, $0xb8;
	[tilespmem:$0x18200] =	vst v63  }
0x464: {  	v3 =	vld.msk [tilespmem:$0x190], $0xff;
	_ =	sdelay $0x4  }
0x465: {  	v54 =	vshll.u32 v3, $0x4  }
0x466: {  	v3 =	vand.u32 $0x7, v3;
	v4 =	vand.u32 $0xFFFFFF80, v54  }
0x467: {  	v3 =	vor.u32 v3, v4  }
0x468: {  	v3 =	vperm.xlane v3, v0;
	_ =	sdelay $0x1  }
0x469: {  	v3 =	vadd.s32 v1, v3;
	_ =	sdelay $0x3  }
0x46a: {  	s31 =	simm.s32 $0x8200  }
0x46b: {  	[tilespmem:s31], [sflag:$0x1] =	stream.indirect_vreg.gather [hbm4b:s2+s3], $0x80, v3, vm0, $0xb8;
	[tilespmem:$0x18200] =	vst v63  }
0x46c: {  	s15 =	simm.s32 $0x8A00  }
0x46d: {  	[tilespmem:s15], [sflag:$0x1] =	stream.indirect_vreg.gather [hbm4b:s5+s3], $0x80, v3, vm0, $0xb8;
	[tilespmem:$0x18200] =	vst v63  }
0x46e: {  	s16 =	simm.s32 $0x9200  }
0x46f: {  	[tilespmem:s16], [sflag:$0x1] =	stream.indirect_vreg.gather [hbm4b:s6+s3], $0x80, v3, vm0, $0xb8;
	[tilespmem:$0x18200] =	vst v63  }
0x470: {  	s18 =	simm.s32 $0x9A00  }
0x471: {  	[tilespmem:s18], [sflag:$0x1] =	stream.indirect_vreg.gather [hbm4b:s7+s3], $0x80, v3, vm0, $0xb8;
	[tilespmem:$0x18200] =	vst v63  }
0x472: {  	s12 =	simm.s32 $0xA200  }
0x473: {  	[tilespmem:s12], [sflag:$0x1] =	stream.indirect_vreg.gather [hbm4b:s8+s3], $0x80, v3, vm0, $0xb8;
	[tilespmem:$0x18200] =	vst v63  }
0x474: {  	s13 =	simm.s32 $0xAA00  }
0x475: {  	[tilespmem:s13], [sflag:$0x1] =	stream.indirect_vreg.gather [hbm4b:s9+s3], $0x80, v3, vm0, $0xb8;
	[tilespmem:$0x18200] =	vst v63  }
0x476: {  	s14 =	simm.s32 $0xB200  }
0x477: {  	[tilespmem:s14], [sflag:$0x1] =	stream.indirect_vreg.gather [hbm4b:s10+s3], $0x80, v3, vm0, $0xb8;
	[tilespmem:$0x18200] =	vst v63  }
0x478: {  	s17 =	simm.s32 $0xBA00  }
0x479: {  	[tilespmem:s17], [sflag:$0x1] =	stream.indirect_vreg.gather [hbm4b:s11+s3], $0x80, v3, vm0, $0xb8;
	[tilespmem:$0x18200] =	vst v63  }
0x47a: {  	_ =	swait.ge [sflag:s29], $0xC000  }
0x47b: {  	[sflag:s29] =	ssyncset.done $0x0  }
0x47c: {  	s15 =	rddreg [dreg:$0x13];
	[sflag:s29] =	ssyncadd.s32 $0xFFFF4000  }
0x47d: {  	[hbm4b:s15+s3] =	stream.linear.scatter [tilespmem:s4], [sflag:$0x4], $0xC000, $0x38;
	[tilespmem:$0x18200] =	vst v63  }
0x47e: {  	_ =	swait.ge [sflag:s30], $0xC000  }
0x47f: {  	[sflag:s30] =	ssyncset.done $0x0  }
0x480: {  	[sflag:s30] =	ssyncadd.s32 $0xFFFF4000  }
0x481: {  	v3 =	vld [tilespmem:$0x198];
	_ =	sdelay $0x4  }
0x482: {  	v55 =	vshll.u32 v3, $0x4  }
0x483: {  	v3 =	vand.u32 $0x7, v3;
	v4 =	vand.u32 $0xFFFFFF80, v55  }
0x484: {  	v3 =	vor.u32 v3, v4  }
0x485: {  	v4 =	vperm.xlane v3, v0;
	_ =	sdelay $0x1  }
0x486: {  	v4 =	vadd.s32 v1, v4;
	_ =	sdelay $0x4  }
0x487: {  	[tilespmem:s4], [sflag:$0x2] =	stream.indirect_vreg.gather [hbm4b:s2+s3], $0x80, v4, vm0, $0xb8;
	[tilespmem:$0x18200] =	vst v63  }
0x488: {  	s25 =	simm.s32 $0xCA00  }
0x489: {  	[tilespmem:s25], [sflag:$0x2] =	stream.indirect_vreg.gather [hbm4b:s5+s3], $0x80, v4, vm0, $0xb8;
	[tilespmem:$0x18200] =	vst v63  }
0x48a: {  	s16 =	simm.s32 $0xD200  }
0x48b: {  	[tilespmem:s16], [sflag:$0x2] =	stream.indirect_vreg.gather [hbm4b:s6+s3], $0x80, v4, vm0, $0xb8;
	[tilespmem:$0x18200] =	vst v63  }
0x48c: {  	s17 =	simm.s32 $0xDA00  }
0x48d: {  	[tilespmem:s17], [sflag:$0x2] =	stream.indirect_vreg.gather [hbm4b:s7+s3], $0x80, v4, vm0, $0xb8;
	[tilespmem:$0x18200] =	vst v63  }
0x48e: {  	s18 =	simm.s32 $0xE200  }
0x48f: {  	[tilespmem:s18], [sflag:$0x2] =	stream.indirect_vreg.gather [hbm4b:s8+s3], $0x80, v4, vm0, $0xb8;
	[tilespmem:$0x18200] =	vst v63  }
0x490: {  	s19 =	simm.s32 $0xEA00;
	v3 =	vperm.xlane v3, v2  }
0x491: {  	[tilespmem:s19], [sflag:$0x2] =	stream.indirect_vreg.gather [hbm4b:s9+s3], $0x80, v4, vm0, $0xb8;
	[tilespmem:$0x18200] =	vst v63  }
0x492: {  	s20 =	simm.s32 $0xF200;
	v3 =	vadd.s32 v1, v3  }
0x493: {  	[tilespmem:s20], [sflag:$0x2] =	stream.indirect_vreg.gather [hbm4b:s10+s3], $0x80, v4, vm0, $0xb8;
	[tilespmem:$0x18200] =	vst v63  }
0x494: {  	s21 =	simm.s32 $0xFA00  }
0x495: {  	[tilespmem:s21], [sflag:$0x2] =	stream.indirect_vreg.gather [hbm4b:s11+s3], $0x80, v4, vm0, $0xb8;
	[tilespmem:$0x18200] =	vst v63  }
0x496: {  	s1 =	simm.s32 $0x10200  }
0x497: {  	[tilespmem:s1], [sflag:$0x2] =	stream.indirect_vreg.gather [hbm4b:s2+s3], $0x80, v3, vm0, $0xb8;
	[tilespmem:$0x18200] =	vst v63  }
0x498: {  	s22 =	simm.s32 $0x10A00  }
0x499: {  	[tilespmem:s22], [sflag:$0x2] =	stream.indirect_vreg.gather [hbm4b:s5+s3], $0x80, v3, vm0, $0xb8;
	[tilespmem:$0x18200] =	vst v63  }
0x49a: {  	s23 =	simm.s32 $0x11200  }
0x49b: {  	[tilespmem:s23], [sflag:$0x2] =	stream.indirect_vreg.gather [hbm4b:s6+s3], $0x80, v3, vm0, $0xb8;
	[tilespmem:$0x18200] =	vst v63  }
0x49c: {  	s24 =	simm.s32 $0x11A00  }
0x49d: {  	[tilespmem:s24], [sflag:$0x2] =	stream.indirect_vreg.gather [hbm4b:s7+s3], $0x80, v3, vm0, $0xb8;
	[tilespmem:$0x18200] =	vst v63  }
0x49e: {  	s25 =	simm.s32 $0x12200  }
0x49f: {  	[tilespmem:s25], [sflag:$0x2] =	stream.indirect_vreg.gather [hbm4b:s8+s3], $0x80, v3, vm0, $0xb8;
	[tilespmem:$0x18200] =	vst v63  }
0x4a0: {  	s31 =	simm.s32 $0x12A00  }
0x4a1: {  	[tilespmem:s31], [sflag:$0x2] =	stream.indirect_vreg.gather [hbm4b:s9+s3], $0x80, v3, vm0, $0xb8;
	[tilespmem:$0x18200] =	vst v63  }
0x4a2: {  	s1 =	simm.s32 $0x13200  }
0x4a3: {  	[tilespmem:s1], [sflag:$0x2] =	stream.indirect_vreg.gather [hbm4b:s10+s3], $0x80, v3, vm0, $0xb8;
	[tilespmem:$0x18200] =	vst v63  }
0x4a4: {  	s12 =	simm.s32 $0x13A00  }
0x4a5: {  	[tilespmem:s12], [sflag:$0x2] =	stream.indirect_vreg.gather [hbm4b:s11+s3], $0x80, v3, vm0, $0xb8;
	[tilespmem:$0x18200] =	vst v63  }
0x4a6: {  	v3 =	vld.msk [tilespmem:$0x1A8], $0xff;
	_ =	sdelay $0x4  }
0x4a7: {  	v56 =	vshll.u32 v3, $0x4  }
0x4a8: {  	v3 =	vand.u32 $0x7, v3;
	v4 =	vand.u32 $0xFFFFFF80, v56  }
0x4a9: {  	v3 =	vor.u32 v3, v4  }
0x4aa: {  	v3 =	vperm.xlane v3, v0;
	_ =	sdelay $0x1  }
0x4ab: {  	v3 =	vadd.s32 v1, v3;
	_ =	sdelay $0x3  }
0x4ac: {  	s19 =	simm.s32 $0x14200  }
0x4ad: {  	[tilespmem:s19], [sflag:$0x2] =	stream.indirect_vreg.gather [hbm4b:s2+s3], $0x80, v3, vm0, $0xb8;
	[tilespmem:$0x18200] =	vst v63  }
0x4ae: {  	s20 =	simm.s32 $0x14A00  }
0x4af: {  	[tilespmem:s20], [sflag:$0x2] =	stream.indirect_vreg.gather [hbm4b:s5+s3], $0x80, v3, vm0, $0xb8;
	[tilespmem:$0x18200] =	vst v63  }
0x4b0: {  	s21 =	simm.s32 $0x15200  }
0x4b1: {  	[tilespmem:s21], [sflag:$0x2] =	stream.indirect_vreg.gather [hbm4b:s6+s3], $0x80, v3, vm0, $0xb8;
	[tilespmem:$0x18200] =	vst v63  }
0x4b2: {  	s22 =	simm.s32 $0x15A00  }
0x4b3: {  	[tilespmem:s22], [sflag:$0x2] =	stream.indirect_vreg.gather [hbm4b:s7+s3], $0x80, v3, vm0, $0xb8;
	[tilespmem:$0x18200] =	vst v63  }
0x4b4: {  	s23 =	simm.s32 $0x16200  }
0x4b5: {  	[tilespmem:s23], [sflag:$0x2] =	stream.indirect_vreg.gather [hbm4b:s8+s3], $0x80, v3, vm0, $0xb8;
	[tilespmem:$0x18200] =	vst v63  }
0x4b6: {  	s24 =	simm.s32 $0x16A00  }
0x4b7: {  	[tilespmem:s24], [sflag:$0x2] =	stream.indirect_vreg.gather [hbm4b:s9+s3], $0x80, v3, vm0, $0xb8;
	[tilespmem:$0x18200] =	vst v63  }
0x4b8: {  	s31 =	simm.s32 $0x17200  }
0x4b9: {  	[tilespmem:s31], [sflag:$0x2] =	stream.indirect_vreg.gather [hbm4b:s10+s3], $0x80, v3, vm0, $0xb8;
	[tilespmem:$0x18200] =	vst v63  }
0x4ba: {  	s1 =	simm.s32 $0x17A00  }
0x4bb: {  	[tilespmem:s1], [sflag:$0x2] =	stream.indirect_vreg.gather [hbm4b:s11+s3], $0x80, v3, vm0, $0xb8;
	[tilespmem:$0x18200] =	vst v63  }
0x4bc: {  	_ =	swait.ge [sflag:s26], $0xC000  }
0x4bd: {  	[sflag:s26] =	ssyncset.done $0x0  }
0x4be: {  	s12 =	rddreg [dreg:$0x14];
	[sflag:s26] =	ssyncadd.s32 $0xFFFF4000  }
0x4bf: {  	[hbm4b:s12+s3] =	stream.linear.scatter [tilespmem:s0], [sflag:$0x3], $0xC000, $0x38;
	[tilespmem:$0x18200] =	vst v63  }
0x4c0: {  	_ =	swait.ge [sflag:s28], $0xC000  }
0x4c1: {  	[sflag:s28] =	ssyncset.done $0x0  }
0x4c2: {  	[sflag:s28] =	ssyncadd.s32 $0xFFFF4000  }
0x4c3: {  	v3 =	vld [tilespmem:$0x1B0];
	_ =	sdelay $0x4  }
0x4c4: {  	v57 =	vshll.u32 v3, $0x4  }
0x4c5: {  	v3 =	vand.u32 $0x7, v3;
	v4 =	vand.u32 $0xFFFFFF80, v57  }
0x4c6: {  	v3 =	vor.u32 v3, v4  }
0x4c7: {  	v4 =	vperm.xlane v3, v0;
	_ =	sdelay $0x1  }
0x4c8: {  	v4 =	vadd.s32 v1, v4;
	_ =	sdelay $0x4  }
0x4c9: {  	[tilespmem:s0], [sflag:$0x1] =	stream.indirect_vreg.gather [hbm4b:s2+s3], $0x80, v4, vm0, $0xb8;
	[tilespmem:$0x18200] =	vst v63  }
0x4ca: {  	s31 =	simm.s32 $0xA00  }
0x4cb: {  	[tilespmem:s31], [sflag:$0x1] =	stream.indirect_vreg.gather [hbm4b:s5+s3], $0x80, v4, vm0, $0xb8;
	[tilespmem:$0x18200] =	vst v63  }
0x4cc: {  	s1 =	simm.s32 $0x1200  }
0x4cd: {  	[tilespmem:s1], [sflag:$0x1] =	stream.indirect_vreg.gather [hbm4b:s6+s3], $0x80, v4, vm0, $0xb8;
	[tilespmem:$0x18200] =	vst v63  }
0x4ce: {  	s12 =	simm.s32 $0x1A00  }
0x4cf: {  	[tilespmem:s12], [sflag:$0x1] =	stream.indirect_vreg.gather [hbm4b:s7+s3], $0x80, v4, vm0, $0xb8;
	[tilespmem:$0x18200] =	vst v63  }
0x4d0: {  	s31 =	simm.s32 $0x2200  }
0x4d1: {  	[tilespmem:s31], [sflag:$0x1] =	stream.indirect_vreg.gather [hbm4b:s8+s3], $0x80, v4, vm0, $0xb8;
	[tilespmem:$0x18200] =	vst v63  }
0x4d2: {  	v3 =	vperm.xlane v3, v2;
	s1 =	simm.s32 $0x2A00  }
0x4d3: {  	[tilespmem:s1], [sflag:$0x1] =	stream.indirect_vreg.gather [hbm4b:s9+s3], $0x80, v4, vm0, $0xb8;
	[tilespmem:$0x18200] =	vst v63  }
0x4d4: {  	v3 =	vadd.s32 v1, v3;
	s12 =	simm.s32 $0x3200  }
0x4d5: {  	[tilespmem:s12], [sflag:$0x1] =	stream.indirect_vreg.gather [hbm4b:s10+s3], $0x80, v4, vm0, $0xb8;
	[tilespmem:$0x18200] =	vst v63  }
0x4d6: {  	s31 =	simm.s32 $0x3A00  }
0x4d7: {  	[tilespmem:s31], [sflag:$0x1] =	stream.indirect_vreg.gather [hbm4b:s11+s3], $0x80, v4, vm0, $0xb8;
	[tilespmem:$0x18200] =	vst v63  }
0x4d8: {  	s1 =	simm.s32 $0x4200  }
0x4d9: {  	[tilespmem:s1], [sflag:$0x1] =	stream.indirect_vreg.gather [hbm4b:s2+s3], $0x80, v3, vm0, $0xb8;
	[tilespmem:$0x18200] =	vst v63  }
0x4da: {  	s12 =	simm.s32 $0x4A00  }
0x4db: {  	[tilespmem:s12], [sflag:$0x1] =	stream.indirect_vreg.gather [hbm4b:s5+s3], $0x80, v3, vm0, $0xb8;
	[tilespmem:$0x18200] =	vst v63  }
0x4dc: {  	s31 =	simm.s32 $0x5200  }
0x4dd: {  	[tilespmem:s31], [sflag:$0x1] =	stream.indirect_vreg.gather [hbm4b:s6+s3], $0x80, v3, vm0, $0xb8;
	[tilespmem:$0x18200] =	vst v63  }
0x4de: {  	s1 =	simm.s32 $0x5A00  }
0x4df: {  	[tilespmem:s1], [sflag:$0x1] =	stream.indirect_vreg.gather [hbm4b:s7+s3], $0x80, v3, vm0, $0xb8;
	[tilespmem:$0x18200] =	vst v63  }
0x4e0: {  	s12 =	simm.s32 $0x6200  }
0x4e1: {  	[tilespmem:s12], [sflag:$0x1] =	stream.indirect_vreg.gather [hbm4b:s8+s3], $0x80, v3, vm0, $0xb8;
	[tilespmem:$0x18200] =	vst v63  }
0x4e2: {  	s31 =	simm.s32 $0x6A00  }
0x4e3: {  	[tilespmem:s31], [sflag:$0x1] =	stream.indirect_vreg.gather [hbm4b:s9+s3], $0x80, v3, vm0, $0xb8;
	[tilespmem:$0x18200] =	vst v63  }
0x4e4: {  	s1 =	simm.s32 $0x7200  }
0x4e5: {  	[tilespmem:s1], [sflag:$0x1] =	stream.indirect_vreg.gather [hbm4b:s10+s3], $0x80, v3, vm0, $0xb8;
	[tilespmem:$0x18200] =	vst v63  }
0x4e6: {  	s12 =	simm.s32 $0x7A00  }
0x4e7: {  	[tilespmem:s12], [sflag:$0x1] =	stream.indirect_vreg.gather [hbm4b:s11+s3], $0x80, v3, vm0, $0xb8;
	[tilespmem:$0x18200] =	vst v63  }
0x4e8: {  	v3 =	vld.msk [tilespmem:$0x1C0], $0xff;
	_ =	sdelay $0x4  }
0x4e9: {  	v58 =	vshll.u32 v3, $0x4  }
0x4ea: {  	v3 =	vand.u32 $0x7, v3;
	v4 =	vand.u32 $0xFFFFFF80, v58  }
0x4eb: {  	v3 =	vor.u32 v3, v4  }
0x4ec: {  	v3 =	vperm.xlane v3, v0;
	_ =	sdelay $0x1  }
0x4ed: {  	v3 =	vadd.s32 v1, v3;
	_ =	sdelay $0x3  }
0x4ee: {  	s31 =	simm.s32 $0x8200  }
0x4ef: {  	[tilespmem:s31], [sflag:$0x1] =	stream.indirect_vreg.gather [hbm4b:s2+s3], $0x80, v3, vm0, $0xb8;
	[tilespmem:$0x18200] =	vst v63  }
0x4f0: {  	s1 =	simm.s32 $0x8A00  }
0x4f1: {  	[tilespmem:s1], [sflag:$0x1] =	stream.indirect_vreg.gather [hbm4b:s5+s3], $0x80, v3, vm0, $0xb8;
	[tilespmem:$0x18200] =	vst v63  }
0x4f2: {  	s12 =	simm.s32 $0x9200  }
0x4f3: {  	[tilespmem:s12], [sflag:$0x1] =	stream.indirect_vreg.gather [hbm4b:s6+s3], $0x80, v3, vm0, $0xb8;
	[tilespmem:$0x18200] =	vst v63  }
0x4f4: {  	s1 =	simm.s32 $0x9A00  }
0x4f5: {  	[tilespmem:s1], [sflag:$0x1] =	stream.indirect_vreg.gather [hbm4b:s7+s3], $0x80, v3, vm0, $0xb8;
	[tilespmem:$0x18200] =	vst v63  }
0x4f6: {  	s12 =	simm.s32 $0xA200  }
0x4f7: {  	[tilespmem:s12], [sflag:$0x1] =	stream.indirect_vreg.gather [hbm4b:s8+s3], $0x80, v3, vm0, $0xb8;
	[tilespmem:$0x18200] =	vst v63  }
0x4f8: {  	s1 =	simm.s32 $0xAA00  }
0x4f9: {  	[tilespmem:s1], [sflag:$0x1] =	stream.indirect_vreg.gather [hbm4b:s9+s3], $0x80, v3, vm0, $0xb8;
	[tilespmem:$0x18200] =	vst v63  }
0x4fa: {  	s12 =	simm.s32 $0xB200  }
0x4fb: {  	[tilespmem:s12], [sflag:$0x1] =	stream.indirect_vreg.gather [hbm4b:s10+s3], $0x80, v3, vm0, $0xb8;
	[tilespmem:$0x18200] =	vst v63  }
0x4fc: {  	s1 =	simm.s32 $0xBA00  }
0x4fd: {  	[tilespmem:s1], [sflag:$0x1] =	stream.indirect_vreg.gather [hbm4b:s11+s3], $0x80, v3, vm0, $0xb8;
	[tilespmem:$0x18200] =	vst v63  }
0x4fe: {  	_ =	swait.ge [sflag:s29], $0xC000  }
0x4ff: {  	[sflag:s29] =	ssyncset.done $0x0  }
0x500: {  	s12 =	rddreg [dreg:$0x15];
	[sflag:s29] =	ssyncadd.s32 $0xFFFF4000  }
0x501: {  	[hbm4b:s12+s3] =	stream.linear.scatter [tilespmem:s4], [sflag:$0x4], $0xC000, $0x38;
	[tilespmem:$0x18200] =	vst v63  }
0x502: {  	_ =	swait.ge [sflag:s30], $0xC000  }
0x503: {  	[sflag:s30] =	ssyncset.done $0x0  }
0x504: {  	[sflag:s30] =	ssyncadd.s32 $0xFFFF4000  }
0x505: {  	v3 =	vld [tilespmem:$0x1C8];
	_ =	sdelay $0x4  }
0x506: {  	v59 =	vshll.u32 v3, $0x4  }
0x507: {  	v3 =	vand.u32 $0x7, v3;
	v4 =	vand.u32 $0xFFFFFF80, v59  }
0x508: {  	v3 =	vor.u32 v3, v4  }
0x509: {  	v4 =	vperm.xlane v3, v0;
	_ =	sdelay $0x1  }
0x50a: {  	v4 =	vadd.s32 v1, v4;
	_ =	sdelay $0x4  }
0x50b: {  	[tilespmem:s4], [sflag:$0x2] =	stream.indirect_vreg.gather [hbm4b:s2+s3], $0x80, v4, vm0, $0xb8;
	[tilespmem:$0x18200] =	vst v63  }
0x50c: {  	s31 =	simm.s32 $0xCA00  }
0x50d: {  	[tilespmem:s31], [sflag:$0x2] =	stream.indirect_vreg.gather [hbm4b:s5+s3], $0x80, v4, vm0, $0xb8;
	[tilespmem:$0x18200] =	vst v63  }
0x50e: {  	s1 =	simm.s32 $0xD200  }
0x50f: {  	[tilespmem:s1], [sflag:$0x2] =	stream.indirect_vreg.gather [hbm4b:s6+s3], $0x80, v4, vm0, $0xb8;
	[tilespmem:$0x18200] =	vst v63  }
0x510: {  	s4 =	simm.s32 $0xDA00  }
0x511: {  	[tilespmem:s4], [sflag:$0x2] =	stream.indirect_vreg.gather [hbm4b:s7+s3], $0x80, v4, vm0, $0xb8;
	[tilespmem:$0x18200] =	vst v63  }
0x512: {  	s12 =	simm.s32 $0xE200  }
0x513: {  	[tilespmem:s12], [sflag:$0x2] =	stream.indirect_vreg.gather [hbm4b:s8+s3], $0x80, v4, vm0, $0xb8;
	[tilespmem:$0x18200] =	vst v63  }
0x514: {  	v3 =	vperm.xlane v3, v2;
	s31 =	simm.s32 $0xEA00  }
0x515: {  	[tilespmem:s31], [sflag:$0x2] =	stream.indirect_vreg.gather [hbm4b:s9+s3], $0x80, v4, vm0, $0xb8;
	[tilespmem:$0x18200] =	vst v63  }
0x516: {  	v3 =	vadd.s32 v1, v3;
	s4 =	simm.s32 $0xF200  }
0x517: {  	[tilespmem:s4], [sflag:$0x2] =	stream.indirect_vreg.gather [hbm4b:s10+s3], $0x80, v4, vm0, $0xb8;
	[tilespmem:$0x18200] =	vst v63  }
0x518: {  	s31 =	simm.s32 $0xFA00  }
0x519: {  	[tilespmem:s31], [sflag:$0x2] =	stream.indirect_vreg.gather [hbm4b:s11+s3], $0x80, v4, vm0, $0xb8;
	[tilespmem:$0x18200] =	vst v63  }
0x51a: {  	s15 =	simm.s32 $0x10200  }
0x51b: {  	[tilespmem:s15], [sflag:$0x2] =	stream.indirect_vreg.gather [hbm4b:s2+s3], $0x80, v3, vm0, $0xb8;
	[tilespmem:$0x18200] =	vst v63  }
0x51c: {  	s31 =	simm.s32 $0x10A00  }
0x51d: {  	[tilespmem:s31], [sflag:$0x2] =	stream.indirect_vreg.gather [hbm4b:s5+s3], $0x80, v3, vm0, $0xb8;
	[tilespmem:$0x18200] =	vst v63  }
0x51e: {  	s31 =	simm.s32 $0x11200  }
0x51f: {  	[tilespmem:s31], [sflag:$0x2] =	stream.indirect_vreg.gather [hbm4b:s6+s3], $0x80, v3, vm0, $0xb8;
	[tilespmem:$0x18200] =	vst v63  }
0x520: {  	s13 =	simm.s32 $0x11A00  }
0x521: {  	[tilespmem:s13], [sflag:$0x2] =	stream.indirect_vreg.gather [hbm4b:s7+s3], $0x80, v3, vm0, $0xb8;
	[tilespmem:$0x18200] =	vst v63  }
0x522: {  	s14 =	simm.s32 $0x12200  }
0x523: {  	[tilespmem:s14], [sflag:$0x2] =	stream.indirect_vreg.gather [hbm4b:s8+s3], $0x80, v3, vm0, $0xb8;
	[tilespmem:$0x18200] =	vst v63  }
0x524: {  	s16 =	simm.s32 $0x12A00  }
0x525: {  	[tilespmem:s16], [sflag:$0x2] =	stream.indirect_vreg.gather [hbm4b:s9+s3], $0x80, v3, vm0, $0xb8;
	[tilespmem:$0x18200] =	vst v63  }
0x526: {  	s17 =	simm.s32 $0x13200  }
0x527: {  	[tilespmem:s17], [sflag:$0x2] =	stream.indirect_vreg.gather [hbm4b:s10+s3], $0x80, v3, vm0, $0xb8;
	[tilespmem:$0x18200] =	vst v63  }
0x528: {  	s25 =	simm.s32 $0x13A00  }
0x529: {  	[tilespmem:s25], [sflag:$0x2] =	stream.indirect_vreg.gather [hbm4b:s11+s3], $0x80, v3, vm0, $0xb8;
	[tilespmem:$0x18200] =	vst v63  }
0x52a: {  	v3 =	vld.msk [tilespmem:$0x1D8], $0xff;
	_ =	sdelay $0x4  }
0x52b: {  	v60 =	vshll.u32 v3, $0x4  }
0x52c: {  	v3 =	vand.u32 $0x7, v3;
	v4 =	vand.u32 $0xFFFFFF80, v60  }
0x52d: {  	v3 =	vor.u32 v3, v4  }
0x52e: {  	v3 =	vperm.xlane v3, v0;
	_ =	sdelay $0x1  }
0x52f: {  	v3 =	vadd.s32 v1, v3;
	_ =	sdelay $0x3  }
0x530: {  	s18 =	simm.s32 $0x14200  }
0x531: {  	[tilespmem:s18], [sflag:$0x2] =	stream.indirect_vreg.gather [hbm4b:s2+s3], $0x80, v3, vm0, $0xb8;
	[tilespmem:$0x18200] =	vst v63  }
0x532: {  	s19 =	simm.s32 $0x14A00  }
0x533: {  	[tilespmem:s19], [sflag:$0x2] =	stream.indirect_vreg.gather [hbm4b:s5+s3], $0x80, v3, vm0, $0xb8;
	[tilespmem:$0x18200] =	vst v63  }
0x534: {  	s20 =	simm.s32 $0x15200  }
0x535: {  	[tilespmem:s20], [sflag:$0x2] =	stream.indirect_vreg.gather [hbm4b:s6+s3], $0x80, v3, vm0, $0xb8;
	[tilespmem:$0x18200] =	vst v63  }
0x536: {  	s21 =	simm.s32 $0x15A00  }
0x537: {  	[tilespmem:s21], [sflag:$0x2] =	stream.indirect_vreg.gather [hbm4b:s7+s3], $0x80, v3, vm0, $0xb8;
	[tilespmem:$0x18200] =	vst v63  }
0x538: {  	s22 =	simm.s32 $0x16200  }
0x539: {  	[tilespmem:s22], [sflag:$0x2] =	stream.indirect_vreg.gather [hbm4b:s8+s3], $0x80, v3, vm0, $0xb8;
	[tilespmem:$0x18200] =	vst v63  }
0x53a: {  	s23 =	simm.s32 $0x16A00  }
0x53b: {  	[tilespmem:s23], [sflag:$0x2] =	stream.indirect_vreg.gather [hbm4b:s9+s3], $0x80, v3, vm0, $0xb8;
	[tilespmem:$0x18200] =	vst v63  }
0x53c: {  	s24 =	simm.s32 $0x17200  }
0x53d: {  	[tilespmem:s24], [sflag:$0x2] =	stream.indirect_vreg.gather [hbm4b:s10+s3], $0x80, v3, vm0, $0xb8;
	[tilespmem:$0x18200] =	vst v63  }
0x53e: {  	s16 =	simm.s32 $0x17A00  }
0x53f: {  	[tilespmem:s16], [sflag:$0x2] =	stream.indirect_vreg.gather [hbm4b:s11+s3], $0x80, v3, vm0, $0xb8;
	[tilespmem:$0x18200] =	vst v63  }
0x540: {  	_ =	swait.ge [sflag:s26], $0xC000  }
0x541: {  	[sflag:s26] =	ssyncset.done $0x0  }
0x542: {  	s18 =	simm.s32 $0x200;
	s17 =	rddreg [dreg:$0x16];
	[sflag:s26] =	ssyncadd.s32 $0xFFFF4000  }
0x543: {  	[hbm4b:s17+s3] =	stream.linear.scatter [tilespmem:s18], [sflag:$0x3], $0xC000, $0x38;
	[tilespmem:$0x18200] =	vst v63  }
0x544: {  	_ =	swait.ge [sflag:s28], $0xC000  }
0x545: {  	[sflag:s28] =	ssyncset.done $0x0  }
0x546: {  	[sflag:s28] =	ssyncadd.s32 $0xFFFF4000  }
0x547: {  	v3 =	vld [tilespmem:$0x1E0];
	_ =	sdelay $0x4  }
0x548: {  	v61 =	vshll.u32 v3, $0x4  }
0x549: {  	v3 =	vand.u32 $0x7, v3;
	v4 =	vand.u32 $0xFFFFFF80, v61  }
0x54a: {  	v3 =	vor.u32 v3, v4  }
0x54b: {  	v4 =	vperm.xlane v3, v0;
	_ =	sdelay $0x1  }
0x54c: {  	v4 =	vadd.s32 v1, v4;
	_ =	sdelay $0x4  }
0x54d: {  	[tilespmem:s18], [sflag:$0x1] =	stream.indirect_vreg.gather [hbm4b:s2+s3], $0x80, v4, vm0, $0xb8;
	[tilespmem:$0x18200] =	vst v63  }
0x54e: {  	s19 =	simm.s32 $0xA00  }
0x54f: {  	[tilespmem:s19], [sflag:$0x1] =	stream.indirect_vreg.gather [hbm4b:s5+s3], $0x80, v4, vm0, $0xb8;
	[tilespmem:$0x18200] =	vst v63  }
0x550: {  	s20 =	simm.s32 $0x1200  }
0x551: {  	[tilespmem:s20], [sflag:$0x1] =	stream.indirect_vreg.gather [hbm4b:s6+s3], $0x80, v4, vm0, $0xb8;
	[tilespmem:$0x18200] =	vst v63  }
0x552: {  	s21 =	simm.s32 $0x1A00  }
0x553: {  	[tilespmem:s21], [sflag:$0x1] =	stream.indirect_vreg.gather [hbm4b:s7+s3], $0x80, v4, vm0, $0xb8;
	[tilespmem:$0x18200] =	vst v63  }
0x554: {  	s22 =	simm.s32 $0x2200  }
0x555: {  	[tilespmem:s22], [sflag:$0x1] =	stream.indirect_vreg.gather [hbm4b:s8+s3], $0x80, v4, vm0, $0xb8;
	[tilespmem:$0x18200] =	vst v63  }
0x556: {  	s23 =	simm.s32 $0x2A00;
	v3 =	vperm.xlane v3, v2  }
0x557: {  	[tilespmem:s23], [sflag:$0x1] =	stream.indirect_vreg.gather [hbm4b:s9+s3], $0x80, v4, vm0, $0xb8;
	[tilespmem:$0x18200] =	vst v63  }
0x558: {  	s24 =	simm.s32 $0x3200;
	v3 =	vadd.s32 v1, v3  }
0x559: {  	[tilespmem:s24], [sflag:$0x1] =	stream.indirect_vreg.gather [hbm4b:s10+s3], $0x80, v4, vm0, $0xb8;
	[tilespmem:$0x18200] =	vst v63  }
0x55a: {  	s25 =	simm.s32 $0x3A00  }
0x55b: {  	[tilespmem:s25], [sflag:$0x1] =	stream.indirect_vreg.gather [hbm4b:s11+s3], $0x80, v4, vm0, $0xb8;
	[tilespmem:$0x18200] =	vst v63  }
0x55c: {  	s31 =	simm.s32 $0x4200  }
0x55d: {  	[tilespmem:s31], [sflag:$0x1] =	stream.indirect_vreg.gather [hbm4b:s2+s3], $0x80, v3, vm0, $0xb8;
	[tilespmem:$0x18200] =	vst v63  }
0x55e: {  	s14 =	simm.s32 $0x4A00  }
0x55f: {  	[tilespmem:s14], [sflag:$0x1] =	stream.indirect_vreg.gather [hbm4b:s5+s3], $0x80, v3, vm0, $0xb8;
	[tilespmem:$0x18200] =	vst v63  }
0x560: {  	s16 =	simm.s32 $0x5200  }
0x561: {  	[tilespmem:s16], [sflag:$0x1] =	stream.indirect_vreg.gather [hbm4b:s6+s3], $0x80, v3, vm0, $0xb8;
	[tilespmem:$0x18200] =	vst v63  }
0x562: {  	s17 =	simm.s32 $0x5A00  }
0x563: {  	[tilespmem:s17], [sflag:$0x1] =	stream.indirect_vreg.gather [hbm4b:s7+s3], $0x80, v3, vm0, $0xb8;
	[tilespmem:$0x18200] =	vst v63  }
0x564: {  	s18 =	simm.s32 $0x6200  }
0x565: {  	[tilespmem:s18], [sflag:$0x1] =	stream.indirect_vreg.gather [hbm4b:s8+s3], $0x80, v3, vm0, $0xb8;
	[tilespmem:$0x18200] =	vst v63  }
0x566: {  	s19 =	simm.s32 $0x6A00  }
0x567: {  	[tilespmem:s19], [sflag:$0x1] =	stream.indirect_vreg.gather [hbm4b:s9+s3], $0x80, v3, vm0, $0xb8;
	[tilespmem:$0x18200] =	vst v63  }
0x568: {  	s20 =	simm.s32 $0x7200  }
0x569: {  	[tilespmem:s20], [sflag:$0x1] =	stream.indirect_vreg.gather [hbm4b:s10+s3], $0x80, v3, vm0, $0xb8;
	[tilespmem:$0x18200] =	vst v63  }
0x56a: {  	s21 =	simm.s32 $0x7A00  }
0x56b: {  	[tilespmem:s21], [sflag:$0x1] =	stream.indirect_vreg.gather [hbm4b:s11+s3], $0x80, v3, vm0, $0xb8;
	[tilespmem:$0x18200] =	vst v63  }
0x56c: {  	v3 =	vld.msk [tilespmem:$0x1F0], $0xff;
	_ =	sdelay $0x4  }
0x56d: {  	v62 =	vshll.u32 v3, $0x4  }
0x56e: {  	v3 =	vand.u32 $0x7, v3;
	v4 =	vand.u32 $0xFFFFFF80, v62  }
0x56f: {  	v3 =	vor.u32 v3, v4  }
0x570: {  	v3 =	vperm.xlane v3, v0;
	_ =	sdelay $0x1  }
0x571: {  	v3 =	vadd.s32 v1, v3;
	_ =	sdelay $0x3  }
0x572: {  	s22 =	simm.s32 $0x8200  }
0x573: {  	[tilespmem:s22], [sflag:$0x1] =	stream.indirect_vreg.gather [hbm4b:s2+s3], $0x80, v3, vm0, $0xb8;
	[tilespmem:$0x18200] =	vst v63  }
0x574: {  	s0 =	simm.s32 $0x8A00  }
0x575: {  	[tilespmem:s0], [sflag:$0x1] =	stream.indirect_vreg.gather [hbm4b:s5+s3], $0x80, v3, vm0, $0xb8;
	[tilespmem:$0x18200] =	vst v63  }
0x576: {  	s23 =	simm.s32 $0x9200  }
0x577: {  	[tilespmem:s23], [sflag:$0x1] =	stream.indirect_vreg.gather [hbm4b:s6+s3], $0x80, v3, vm0, $0xb8;
	[tilespmem:$0x18200] =	vst v63  }
0x578: {  	s24 =	simm.s32 $0x9A00  }
0x579: {  	[tilespmem:s24], [sflag:$0x1] =	stream.indirect_vreg.gather [hbm4b:s7+s3], $0x80, v3, vm0, $0xb8;
	[tilespmem:$0x18200] =	vst v63  }
0x57a: {  	s25 =	simm.s32 $0xA200  }
0x57b: {  	[tilespmem:s25], [sflag:$0x1] =	stream.indirect_vreg.gather [hbm4b:s8+s3], $0x80, v3, vm0, $0xb8;
	[tilespmem:$0x18200] =	vst v63  }
0x57c: {  	s31 =	simm.s32 $0xAA00  }
0x57d: {  	[tilespmem:s31], [sflag:$0x1] =	stream.indirect_vreg.gather [hbm4b:s9+s3], $0x80, v3, vm0, $0xb8;
	[tilespmem:$0x18200] =	vst v63  }
0x57e: {  	s13 =	simm.s32 $0xB200  }
0x57f: {  	[tilespmem:s13], [sflag:$0x1] =	stream.indirect_vreg.gather [hbm4b:s10+s3], $0x80, v3, vm0, $0xb8;
	[tilespmem:$0x18200] =	vst v63  }
0x580: {  	s14 =	simm.s32 $0xBA00  }
0x581: {  	[tilespmem:s14], [sflag:$0x1] =	stream.indirect_vreg.gather [hbm4b:s11+s3], $0x80, v3, vm0, $0xb8;
	[tilespmem:$0x18200] =	vst v63  }
0x582: {  	_ =	swait.ge [sflag:s29], $0xC000  }
0x583: {  	[sflag:s29] =	ssyncset.done $0x0  }
0x584: {  	s17 =	simm.s32 $0xC200;
	s16 =	rddreg [dreg:$0x17];
	[sflag:s29] =	ssyncadd.s32 $0xFFFF4000  }
0x585: {  	[hbm4b:s16+s3] =	stream.linear.scatter [tilespmem:s17], [sflag:$0x4], $0xC000, $0x38;
	[tilespmem:$0x18200] =	vst v63  }
0x586: {  	_ =	swait.ge [sflag:s30], $0xC000  }
0x587: {  	[sflag:s30] =	ssyncset.done $0x0  }
0x588: {  	[sflag:s30] =	ssyncadd.s32 $0xFFFF4000  }
0x589: {  	v3 =	vld.msk [tilespmem:$0x1F8], $0xff;
	_ =	sdelay $0x4  }
0x58a: {  	v63 =	vshll.u32 v3, $0x4  }
0x58b: {  	v3 =	vand.u32 $0x7, v3;
	v4 =	vand.u32 $0xFFFFFF80, v63  }
0x58c: {  	v3 =	vor.u32 v3, v4  }
0x58d: {  	v3 =	vperm.xlane v3, v0;
	_ =	sdelay $0x1  }
0x58e: {  	v3 =	vadd.s32 v1, v3;
	_ =	sdelay $0x4  }
0x58f: {  	[tilespmem:s17], [sflag:$0x2] =	stream.indirect_vreg.gather [hbm4b:s2+s3], $0x80, v3, vm0, $0xb8;
	[tilespmem:$0x18200] =	vst v63  }
0x590: {  	s19 =	simm.s32 $0xCA00  }
0x591: {  	[tilespmem:s19], [sflag:$0x2] =	stream.indirect_vreg.gather [hbm4b:s5+s3], $0x80, v3, vm0, $0xb8;
	[tilespmem:$0x18200] =	vst v63  }
0x592: {  	s20 =	simm.s32 $0xD200  }
0x593: {  	[tilespmem:s20], [sflag:$0x2] =	stream.indirect_vreg.gather [hbm4b:s6+s3], $0x80, v3, vm0, $0xb8;
	[tilespmem:$0x18200] =	vst v63  }
0x594: {  	s22 =	simm.s32 $0xDA00  }
0x595: {  	[tilespmem:s22], [sflag:$0x2] =	stream.indirect_vreg.gather [hbm4b:s7+s3], $0x80, v3, vm0, $0xb8;
	[tilespmem:$0x18200] =	vst v63  }
0x596: {  	s23 =	simm.s32 $0xE200  }
0x597: {  	[tilespmem:s23], [sflag:$0x2] =	stream.indirect_vreg.gather [hbm4b:s8+s3], $0x80, v3, vm0, $0xb8;
	[tilespmem:$0x18200] =	vst v63  }
0x598: {  	s12 =	simm.s32 $0xEA00  }
0x599: {  	[tilespmem:s12], [sflag:$0x2] =	stream.indirect_vreg.gather [hbm4b:s9+s3], $0x80, v3, vm0, $0xb8;
	[tilespmem:$0x18200] =	vst v63  }
0x59a: {  	s1 =	simm.s32 $0xF200  }
0x59b: {  	[tilespmem:s1], [sflag:$0x2] =	stream.indirect_vreg.gather [hbm4b:s10+s3], $0x80, v3, vm0, $0xb8;
	[tilespmem:$0x18200] =	vst v63  }
0x59c: {  	s4 =	simm.s32 $0xFA00  }
0x59d: {  	[tilespmem:s4], [sflag:$0x2] =	stream.indirect_vreg.gather [hbm4b:s11+s3], $0x80, v3, vm0, $0xb8;
	[tilespmem:$0x18200] =	vst v63  }
0x59e: {  	s21 =	rddreg [dreg:$0x1b];
	_ =	swait.ge [sflag:s26], $0xC000  }
0x59f: {  	[sflag:s26] =	ssyncset.done $0x0  }
0x5a0: {  	s15 =	simm.s32 $0x200;
	s24 =	rddreg [dreg:$0x18];
	[sflag:s26] =	ssyncadd.s32 $0xFFFF4000  }
0x5a1: {  	[hbm4b:s24+s3] =	stream.linear.scatter [tilespmem:s15], [sflag:$0x3], $0xC000, $0x38;
	[tilespmem:$0x18200] =	vst v63  }
0x5a2: {  	_ =	swait.ge [sflag:s29], $0x4000  }
0x5a3: {  	[sflag:s29] =	ssyncset.done $0x0  }
0x5a4: {  	s18 =	simm.s32 $0xC200;
	s25 =	rddreg [dreg:$0x19];
	[sflag:s29] =	ssyncadd.s32 $0xFFFFC000  }
0x5a5: {  	[hbm4b:s25+s3] =	stream.linear.scatter [tilespmem:s18], [sflag:$0x4], $0x4000, $0x38;
	[tilespmem:$0x18200] =	vst v63  }
0x5a6: {  	p0 =	sne.s32 s21, $0x1;
	_ =	swait.ge [sflag:s28], $0xC000  }
.Ltmp0:
0x5a7: {  	[sflag:s28] =	ssyncset.done $0x0;
	(pc) =	sbr.rel @p0 .LBB2_1-.Ltmp0, $4  }
0x5a8: {  	[sflag:s28] =	ssyncadd.s32 $0xFFFF4000  }
0x5a9: {  	_ =	swait.ge [sflag:s30], $0x4000  }
0x5aa: {  	[sflag:s30] =	ssyncset.done $0x0  }
0x5ab: {  	s0 =	sadd.s32 $0xFFFFFFFF, s21;
	[sflag:s30] =	ssyncadd.s32 $0xFFFFC000  }
0x5ac: {  	_ =	sfence.sel $0x180000  }
0x5ad: {  	[bflag:$0x0] =	sbarrier.arrive $0xFFFF  }
0x5ae: {  	_ =	strace $0x90000047  }
0x5af: {  	s0 =	stileid.u32;
	[bflag:$0x2] =	sbarrier.arrive $0xFFFF  }
0x5b0: {  	p0 =	sne.s32 s0, $0x0;
	s0 =	rddreg [dreg:$0x3]  }
0x5b1: {  	s0 =	sadd.s32 @!p0 $0x100000, s0  }
0x5b2: {  	[sflag:s0] =	ssyncadd.tile.s32 @!p0 $0x1;
	_ =	shalt  }
.Lfunc_end2:
_tile_overlayer_lowered:
.L_overlay_start_2:
0x5b3: {  	(tag) =	ssettag $0x2  }
0x5b4: {  	s0 =	rddreg [dreg:$0x0];
	s2 =	stileid.u32  }
0x5b5: {  	s1 =	rddreg [dreg:$0x1];
	p0 =	sne.s32 s2, $0x0  }
0x5b6: {  	s3 =	rddreg [dreg:$0x2];
	[bflag:$0x3] =	sbarrier.arrive $0xFFFF;
	s2 =	simm.s32 @!p0 $0x1C05  }
0x5b7: {  	[timem:s3], [sflag:s2] =	dma.local @!p0 [hbm:s0], s1  }
0x5b8: {  	s0 =	simm.s32 @!p0 $0x5  }
0x5b9: {  	_ =	swait.ge @!p0 [sflag:s0], s1  }
0x5ba: {  	s1 =	ssub.s32 @!p0 $0x0, s1;
	[sflag:s0] =	ssyncset.done @!p0 $0x0  }
0x5bb: {  	[sflag:s0] =	ssyncadd.s32 @!p0 s1  }
0x5bc: {  	[bflag:$0x3] =	sbarrier.arrive $0xFFFF  }
0x5bd: {  	_ =	shalt  }

</sc_bundles>
